<compile_context>
chip_gen: v7x
topology: tpu7x:2x2x1
jax: 0.10.2.dev20260603
libtpu: 0.0.44.dev20260713+nightly
codegen_flags: <defaults>
</compile_context>

<pallas_src>
import functools

import jax
import jax.numpy as jnp
from jax import lax
from jax.experimental import pallas as pl
from jax.experimental.pallas import tpu as pltpu
from jax.experimental.pallas import tpu_sc as plsc

N = 10000
E = 320000
C = 128
NC = 2
NS = 16
NW = NC * NS
EB = 128
NBLK = E // EB
BPT = 80
HB = 40
NPB = NW * BPT
ZR = 624
ZL = N - (NS - 1) * ZR

_mesh = plsc.VectorSubcoreMesh(
    core_axis_name="c", subcore_axis_name="s", num_cores=NC, num_subcores=NS
)


def _zero_acc(sid, zrow_hbm, acc_sh):
    @pl.when(sid < NS - 1)
    def _():
        pltpu.sync_copy(zrow_hbm.at[pl.ds(0, ZR)], acc_sh.at[pl.ds(sid * ZR, ZR)])

    @pl.when(sid == NS - 1)
    def _():
        pltpu.sync_copy(zrow_hbm, acc_sh.at[pl.ds((NS - 1) * ZR, ZL)])


def _writeback_acc(cid, sid, acc_sh, out0, out1):
    def _wb(r0, nr):
        @pl.when(cid == 0)
        def _():
            pltpu.sync_copy(acc_sh.at[pl.ds(r0, nr)], out0.at[pl.ds(r0, nr)])

        @pl.when(cid == 1)
        def _():
            pltpu.sync_copy(acc_sh.at[pl.ds(r0, nr)], out1.at[pl.ds(r0, nr)])

    @pl.when(sid < NS - 1)
    def _():
        _wb(sid * ZR, ZR)

    @pl.when(sid == NS - 1)
    def _():
        _wb((NS - 1) * ZR, ZL)


def _agg_loop(wid, tbl_hbm, acc_sh, src_hbm, dst_hbm, sidx, didx,
              buf0, buf1, sems, deg=None, first_half_hook=None):
    semg0, semg1 = sems

    def _half(h, hook):
        def valid(r):
            return (h * HB + r) * NW + wid < NBLK

        def fire(r, buf, sem):
            @pl.when(valid(r))
            def _():
                pltpu.async_copy(tbl_hbm.at[sidx.at[r]], buf, sem)

        def drain(r, buf, sem):
            @pl.when(valid(r))
            def _():
                pltpu.make_async_copy(tbl_hbm.at[sidx.at[r]], buf, sem).wait()
                pltpu.sync_copy(buf, acc_sh.at[didx.at[r]], add=True)
                if deg is not None:
                    degin_sh, degout_sh, ones_v = deg
                    pltpu.sync_copy(ones_v, degin_sh.at[didx.at[r]], add=True)
                    pltpu.sync_copy(ones_v, degout_sh.at[sidx.at[r]], add=True)

        fire(0, buf0, semg0)
        if hook is not None:
            hook()

        def body(p, carry):
            r0 = p * 2
            fire(r0 + 1, buf1, semg1)
            drain(r0, buf0, semg0)

            @pl.when(r0 + 2 < HB)
            def _():
                fire(r0 + 2, buf0, semg0)

            drain(r0 + 1, buf1, semg1)
            return carry

        lax.fori_loop(0, HB // 2, body, 0)

    for h in range(BPT // HB):
        pltpu.sync_copy(src_hbm.at[pl.ds(wid * BPT + h * HB, HB)], sidx)
        pltpu.sync_copy(dst_hbm.at[pl.ds(wid * BPT + h * HB, HB)], didx)
        _half(h, first_half_hook if h == 0 else None)


@functools.partial(
    pl.kernel,
    out_type=(
        jax.ShapeDtypeStruct((N, C), jnp.float32),
        jax.ShapeDtypeStruct((N, C), jnp.float32),
        jax.ShapeDtypeStruct((N,), jnp.float32),
        jax.ShapeDtypeStruct((N,), jnp.float32),
        jax.ShapeDtypeStruct((N,), jnp.float32),
        jax.ShapeDtypeStruct((N,), jnp.float32),
    ),
    mesh=_mesh,
    scratch_types=(
        pltpu.VMEM_SHARED((N, C), jnp.float32),
        pltpu.VMEM_SHARED((N,), jnp.float32),
        pltpu.VMEM_SHARED((N,), jnp.float32),
        pltpu.VMEM((HB, EB), jnp.int32),
        pltpu.VMEM((HB, EB), jnp.int32),
        pltpu.VMEM((EB, C), jnp.float32),
        pltpu.VMEM((EB, C), jnp.float32),
        pltpu.VMEM((EB,), jnp.float32),
        pltpu.SemaphoreType.DMA,
        pltpu.SemaphoreType.DMA,
    ),
)
def _agg_x_deg(x_hbm, src_hbm, dst_hbm, zrow_hbm, z1_hbm,
               xsum0_out, xsum1_out, din0_out, din1_out, dout0_out, dout1_out,
               acc_sh, degin_sh, degout_sh,
               sidx, didx, buf0, buf1, ones_v, semg0, semg1):
    cid = lax.axis_index("c")
    sid = lax.axis_index("s")
    wid = sid * NC + cid

    for i in range(EB // 16):
        ones_v[pl.ds(i * 16, 16)] = jnp.ones((16,), jnp.float32)

    def _init():
        _zero_acc(sid, zrow_hbm, acc_sh)

        @pl.when(sid == 0)
        def _():
            pltpu.sync_copy(z1_hbm, degin_sh)
            pltpu.sync_copy(z1_hbm, degout_sh)

        plsc.subcore_barrier()

    _agg_loop(wid, x_hbm, acc_sh, src_hbm, dst_hbm, sidx, didx,
              buf0, buf1, (semg0, semg1),
              deg=(degin_sh, degout_sh, ones_v), first_half_hook=_init)

    plsc.subcore_barrier()

    _writeback_acc(cid, sid, acc_sh, xsum0_out, xsum1_out)

    @pl.when(sid == 0)
    def _():
        @pl.when(cid == 0)
        def _():
            pltpu.sync_copy(degin_sh, din0_out)
            pltpu.sync_copy(degout_sh, dout0_out)

        @pl.when(cid == 1)
        def _():
            pltpu.sync_copy(degin_sh, din1_out)
            pltpu.sync_copy(degout_sh, dout1_out)


@functools.partial(
    pl.kernel,
    out_type=(
        jax.ShapeDtypeStruct((N, C), jnp.float32),
        jax.ShapeDtypeStruct((N, C), jnp.float32),
    ),
    mesh=_mesh,
    scratch_types=(
        pltpu.VMEM_SHARED((N, C), jnp.float32),
        pltpu.VMEM((HB, EB), jnp.int32),
        pltpu.VMEM((HB, EB), jnp.int32),
        pltpu.VMEM((EB, C), jnp.float32),
        pltpu.VMEM((EB, C), jnp.float32),
        pltpu.SemaphoreType.DMA,
        pltpu.SemaphoreType.DMA,
    ),
)
def _agg_y(y_hbm, src_hbm, dst_hbm, zrow_hbm,
           ysum0_out, ysum1_out, acc_sh,
           sidx, didx, buf0, buf1, semg0, semg1):
    cid = lax.axis_index("c")
    sid = lax.axis_index("s")
    wid = sid * NC + cid

    def _init():
        _zero_acc(sid, zrow_hbm, acc_sh)
        plsc.subcore_barrier()

    _agg_loop(wid, y_hbm, acc_sh, src_hbm, dst_hbm, sidx, didx,
              buf0, buf1, (semg0, semg1), first_half_hook=_init)

    plsc.subcore_barrier()

    _writeback_acc(cid, sid, acc_sh, ysum0_out, ysum1_out)


def _base_body(w_ref, x_ref, x0_ref, wself_ref, wgin_ref, base_ref):
    w1 = w_ref[1]
    w2 = w_ref[2]
    w3 = w_ref[3]
    wx = wself_ref[...] * w1 + wgin_ref[...] * w2
    base_ref[...] = (
        jnp.dot(x_ref[...], wx, preferred_element_type=jnp.float32)
        + (x_ref[...] + x0_ref[...]) * (0.5 * w3)
    )


def _prep_body(x_ref, dinp_ref, doutp_ref, y_ref, rin_ref, iin_ref):
    din = jnp.maximum(jnp.sum(dinp_ref[...], axis=1, keepdims=True), 1.0)
    dout = jnp.maximum(jnp.sum(doutp_ref[...], axis=1, keepdims=True), 1.0)
    rin_ref[...] = lax.rsqrt(din)
    iin_ref[...] = 1.0 / din
    y_ref[...] = x_ref[...] * lax.rsqrt(dout)


def _combine_body(w_ref, xs0_ref, xs1_ref, ys0_ref, ys1_ref, base_ref,
                  rin_ref, iin_ref, wg_ref, wnb_ref, wgin_ref, out_ref):
    w0 = w_ref[0]
    w1 = w_ref[1]
    w2 = w_ref[2]
    xsum = xs0_ref[...] + xs1_ref[...]
    ysum = ys0_ref[...] + ys1_ref[...]
    gcn = ysum * rin_ref[...]
    mean = xsum * iin_ref[...]
    out_ref[...] = (
        jnp.dot(gcn, wg_ref[...], preferred_element_type=jnp.float32) * w0
        + jnp.dot(mean, wnb_ref[...], preferred_element_type=jnp.float32) * w1
        + jnp.dot(xsum, wgin_ref[...], preferred_element_type=jnp.float32) * w2
        + base_ref[...]
    )


RB = 1000


def _blockify(idx):
    pad = jnp.zeros((NPB * EB - E,), jnp.int32)
    return (
        jnp.concatenate([idx, pad])
        .reshape(BPT, NW, EB)
        .transpose(1, 0, 2)
        .reshape(NPB, EB)
    )


def kernel(x, edge_index, weights, x_0, W_gcn, W_sage_nb, W_sage_self, W_gin):
    src = _blockify(edge_index[0])
    dst = _blockify(edge_index[1])
    zrow = jnp.zeros((ZL, C), jnp.float32)
    z1 = jnp.zeros((N,), jnp.float32)

    nsteps = N // RB
    row_block = pl.BlockSpec((RB, C), lambda i: (i, 0))
    col_block = pl.BlockSpec((RB, 1), lambda i: (i, 0))
    full_w = pl.BlockSpec((C, C), lambda i: (0, 0))

    base = pl.pallas_call(
        _base_body,
        grid=(nsteps,),
        in_specs=[
            pl.BlockSpec(memory_space=pltpu.SMEM),
            row_block, row_block, full_w, full_w,
        ],
        out_specs=row_block,
        out_shape=jax.ShapeDtypeStruct((N, C), jnp.float32),
    )(weights, x, x_0, W_sage_self, W_gin)

    xs0, xs1, din0, din1, dout0, dout1 = _agg_x_deg(x, src, dst, zrow, z1)

    dinT = jnp.stack([din0, din1], axis=1)
    doutT = jnp.stack([dout0, dout1], axis=1)
    y, rin, iin = pl.pallas_call(
        _prep_body,
        out_shape=(
            jax.ShapeDtypeStruct((N, C), jnp.float32),
            jax.ShapeDtypeStruct((N, 1), jnp.float32),
            jax.ShapeDtypeStruct((N, 1), jnp.float32),
        ),
    )(x, dinT, doutT)

    ys0, ys1 = _agg_y(y, src, dst, zrow)

    out = pl.pallas_call(
        _combine_body,
        grid=(nsteps,),
        in_specs=[
            pl.BlockSpec(memory_space=pltpu.SMEM),
            row_block, row_block, row_block, row_block,
            row_block,
            col_block, col_block,
            full_w, full_w, full_w,
        ],
        out_specs=row_block,
        out_shape=jax.ShapeDtypeStruct((N, C), jnp.float32),
    )(
        weights,
        xs0, xs1, ys0, ys1,
        base, rin, iin,
        W_gcn, W_sage_nb, W_gin,
    )
    return out

# --- scband reference (transcript-rebuilt; emitter-appended) ---
"""Pipeline reference for scband-mixed-op-6150393168675 (READ-ONLY COPY).

The authoritative reference and input builder live on the scoring server;
editing this copy changes nothing except your own understanding.
"""

import jax, jax.numpy as jnp
import numpy as np

N = 10000
E = 320000
C = 128
NUM_OPS = 4


def setup_inputs(seed: int = 0) -> dict:
    key = jax.random.key(seed)
    ks = jax.random.split(key, 9)
    x = jax.random.normal(ks[0], (N, C), dtype=jnp.float32)
    x_0 = jax.random.normal(ks[1], (N, C), dtype=jnp.float32)
    edge_index = jax.random.randint(ks[2], (2, E), 0, N, dtype=jnp.int32)
    weights = jax.random.uniform(ks[3], (NUM_OPS,), dtype=jnp.float32)
    s = 1.0 / np.sqrt(C)
    W_gcn = jax.random.normal(ks[4], (C, C), dtype=jnp.float32) * s
    W_sage_nb = jax.random.normal(ks[5], (C, C), dtype=jnp.float32) * s
    W_sage_self = jax.random.normal(ks[6], (C, C), dtype=jnp.float32) * s
    W_gin = jax.random.normal(ks[7], (C, C), dtype=jnp.float32) * s
    return {"x": x, "edge_index": edge_index, "weights": weights, "x_0": x_0,
            "W_gcn": W_gcn, "W_sage_nb": W_sage_nb, "W_sage_self": W_sage_self, "W_gin": W_gin}


def reference(x, edge_index, weights, x_0, W_gcn, W_sage_nb, W_sage_self, W_gin):
    # MixedOp.forward with selected_idx=None: weighted sum over candidate GNN ops.
    src = edge_index[0]
    dst = edge_index[1]
    ones_e = jnp.ones((E,), dtype=jnp.float32)
    deg_in = jax.ops.segment_sum(ones_e, dst, num_segments=N)
    deg_out = jax.ops.segment_sum(ones_e, src, num_segments=N)
    deg_in_c = jnp.clip(deg_in, 1.0)
    deg_out_c = jnp.clip(deg_out, 1.0)

    # op0: GCN-style symmetric-normalized aggregation + linear
    norm = 1.0 / jnp.sqrt(deg_out_c[src] * deg_in_c[dst])
    msg = x[src] * norm[:, None]
    gcn_agg = jax.ops.segment_sum(msg, dst, num_segments=N)
    op0 = gcn_agg @ W_gcn

    # op1: GraphSAGE-mean aggregation
    sum_agg = jax.ops.segment_sum(x[src], dst, num_segments=N)
    mean_agg = sum_agg / deg_in_c[:, None]
    op1 = mean_agg @ W_sage_nb + x @ W_sage_self

    # op2: GIN-style sum aggregation
    op2 = (x + sum_agg) @ W_gin

    # op3: skip / initial-residual connection (uses x_0)
    op3 = 0.5 * x + 0.5 * x_0

    out = weights[0] * op0 + weights[1] * op1 + weights[2] * op2 + weights[3] * op3
    return out

if __name__ == "__main__":
    import jax
    _d = setup_inputs()
    print(jax.jit(kernel)(*tuple(_d.values())))

</pallas_src>

<mosaic_0001>
#map = affine_map<(d0, d1) -> (0, 0)>
#map1 = affine_map<(d0, d1) -> (0)>
module attributes {stable_mosaic.version = 14 : i64} {
  func.func @_agg_x_deg(%arg0: i32, %arg1: i32, %arg2: memref<10000x128xf32, #tpu.memory_space<hbm>>, %arg3: memref<2560x128xi32, #tpu.memory_space<hbm>>, %arg4: memref<2560x128xi32, #tpu.memory_space<hbm>>, %arg5: memref<640x128xf32, #tpu.memory_space<hbm>>, %arg6: memref<10000xf32, #tpu.memory_space<hbm>>, %arg7: memref<10000x128xf32, #tpu.memory_space<hbm>>, %arg8: memref<10000x128xf32, #tpu.memory_space<hbm>>, %arg9: memref<10000xf32, #tpu.memory_space<hbm>>, %arg10: memref<10000xf32, #tpu.memory_space<hbm>>, %arg11: memref<10000xf32, #tpu.memory_space<hbm>>, %arg12: memref<10000xf32, #tpu.memory_space<hbm>>, %arg13: memref<10000x128xf32, #tpu.memory_space<vmem_shared>>, %arg14: memref<10000xf32, #tpu.memory_space<vmem_shared>>, %arg15: memref<10000xf32, #tpu.memory_space<vmem_shared>>, %arg16: memref<40x128xi32, #tpu.memory_space<vmem>>, %arg17: memref<40x128xi32, #tpu.memory_space<vmem>>, %arg18: memref<128x128xf32, #tpu.memory_space<vmem>>, %arg19: memref<128x128xf32, #tpu.memory_space<vmem>>, %arg20: memref<128xf32, #tpu.memory_space<vmem>>, %arg21: memref<!tpu.dma_semaphore, #tpu.memory_space<semaphore_mem>>, %arg22: memref<!tpu.dma_semaphore, #tpu.memory_space<semaphore_mem>>) attributes {dimension_semantics = [#tpu.dimension_semantics<core_parallel>, #tpu.dimension_semantics<subcore_parallel>], iteration_bounds = array<i64: 2, 16>, scalar_prefetch = 0 : i64, scratch_operands = 10 : i64, tpu.core_type = #tpu.core_type<sc_vector_subcore>, window_params = [{transform_indices = #map}, {transform_indices = #map}, {transform_indices = #map}, {transform_indices = #map}, {transform_indices = #map1}, {transform_indices = #map}, {transform_indices = #map}, {transform_indices = #map1}, {transform_indices = #map1}, {transform_indices = #map1}, {transform_indices = #map1}]} {
    %mul3A = arith.constant 2 : i32
    %mul3A_0 = arith.muli %arg1, %mul3A : i32
    %add3A = arith.addi %mul3A_0, %arg0 : i32
    %broadcast_in_dim3A = arith.constant 1.000000e+00 : f32
    %broadcast_in_dim3A_1 = vector.broadcast %broadcast_in_dim3A : f32 to vector<16xf32>
    %swap3A = arith.constant 0 : index
    %swap3A_2 = tpu.vector_load %arg20[%swap3A] {strides = array<i32>} : memref<128xf32, #tpu.memory_space<vmem>>, vector<16xf32>,
    %swap3A_3 = vector.shape_cast %swap3A_2 : vector<16xf32> to vector<16xf32>
    %swap3A_4 = vector.shape_cast %broadcast_in_dim3A_1 : vector<16xf32> to vector<16xf32>
    tpu.vector_store %arg20[%swap3A], %swap3A_4 {strides = array<i32>} : memref<128xf32, #tpu.memory_space<vmem>>, vector<16xf32>,
    %broadcast_in_dim3A_5 = arith.constant 1.000000e+00 : f32
    %broadcast_in_dim3A_6 = vector.broadcast %broadcast_in_dim3A_5 : f32 to vector<16xf32>
    %swap3A_7 = arith.constant 16 : index
    %swap3A_8 = tpu.vector_load %arg20[%swap3A_7] {strides = array<i32>} : memref<128xf32, #tpu.memory_space<vmem>>, vector<16xf32>,
    %swap3A_9 = vector.shape_cast %swap3A_8 : vector<16xf32> to vector<16xf32>
    %swap3A_10 = vector.shape_cast %broadcast_in_dim3A_6 : vector<16xf32> to vector<16xf32>
    tpu.vector_store %arg20[%swap3A_7], %swap3A_10 {strides = array<i32>} : memref<128xf32, #tpu.memory_space<vmem>>, vector<16xf32>,
    %broadcast_in_dim3A_11 = arith.constant 1.000000e+00 : f32
    %broadcast_in_dim3A_12 = vector.broadcast %broadcast_in_dim3A_11 : f32 to vector<16xf32>
    %swap3A_13 = arith.constant 32 : index
    %swap3A_14 = tpu.vector_load %arg20[%swap3A_13] {strides = array<i32>} : memref<128xf32, #tpu.memory_space<vmem>>, vector<16xf32>,
    %swap3A_15 = vector.shape_cast %swap3A_14 : vector<16xf32> to vector<16xf32>
    %swap3A_16 = vector.shape_cast %broadcast_in_dim3A_12 : vector<16xf32> to vector<16xf32>
    tpu.vector_store %arg20[%swap3A_13], %swap3A_16 {strides = array<i32>} : memref<128xf32, #tpu.memory_space<vmem>>, vector<16xf32>,
    %broadcast_in_dim3A_17 = arith.constant 1.000000e+00 : f32
    %broadcast_in_dim3A_18 = vector.broadcast %broadcast_in_dim3A_17 : f32 to vector<16xf32>
    %swap3A_19 = arith.constant 48 : index
    %swap3A_20 = tpu.vector_load %arg20[%swap3A_19] {strides = array<i32>} : memref<128xf32, #tpu.memory_space<vmem>>, vector<16xf32>,
    %swap3A_21 = vector.shape_cast %swap3A_20 : vector<16xf32> to vector<16xf32>
    %swap3A_22 = vector.shape_cast %broadcast_in_dim3A_18 : vector<16xf32> to vector<16xf32>
    tpu.vector_store %arg20[%swap3A_19], %swap3A_22 {strides = array<i32>} : memref<128xf32, #tpu.memory_space<vmem>>, vector<16xf32>,
    %broadcast_in_dim3A_23 = arith.constant 1.000000e+00 : f32
    %broadcast_in_dim3A_24 = vector.broadcast %broadcast_in_dim3A_23 : f32 to vector<16xf32>
    %swap3A_25 = arith.constant 64 : index
    %swap3A_26 = tpu.vector_load %arg20[%swap3A_25] {strides = array<i32>} : memref<128xf32, #tpu.memory_space<vmem>>, vector<16xf32>,
    %swap3A_27 = vector.shape_cast %swap3A_26 : vector<16xf32> to vector<16xf32>
    %swap3A_28 = vector.shape_cast %broadcast_in_dim3A_24 : vector<16xf32> to vector<16xf32>
    tpu.vector_store %arg20[%swap3A_25], %swap3A_28 {strides = array<i32>} : memref<128xf32, #tpu.memory_space<vmem>>, vector<16xf32>,
    %broadcast_in_dim3A_29 = arith.constant 1.000000e+00 : f32
    %broadcast_in_dim3A_30 = vector.broadcast %broadcast_in_dim3A_29 : f32 to vector<16xf32>
    %swap3A_31 = arith.constant 80 : index
    %swap3A_32 = tpu.vector_load %arg20[%swap3A_31] {strides = array<i32>} : memref<128xf32, #tpu.memory_space<vmem>>, vector<16xf32>,
    %swap3A_33 = vector.shape_cast %swap3A_32 : vector<16xf32> to vector<16xf32>
    %swap3A_34 = vector.shape_cast %broadcast_in_dim3A_30 : vector<16xf32> to vector<16xf32>
    tpu.vector_store %arg20[%swap3A_31], %swap3A_34 {strides = array<i32>} : memref<128xf32, #tpu.memory_space<vmem>>, vector<16xf32>,
    %broadcast_in_dim3A_35 = arith.constant 1.000000e+00 : f32
    %broadcast_in_dim3A_36 = vector.broadcast %broadcast_in_dim3A_35 : f32 to vector<16xf32>
    %swap3A_37 = arith.constant 96 : index
    %swap3A_38 = tpu.vector_load %arg20[%swap3A_37] {strides = array<i32>} : memref<128xf32, #tpu.memory_space<vmem>>, vector<16xf32>,
    %swap3A_39 = vector.shape_cast %swap3A_38 : vector<16xf32> to vector<16xf32>
    %swap3A_40 = vector.shape_cast %broadcast_in_dim3A_36 : vector<16xf32> to vector<16xf32>
    tpu.vector_store %arg20[%swap3A_37], %swap3A_40 {strides = array<i32>} : memref<128xf32, #tpu.memory_space<vmem>>, vector<16xf32>,
    %broadcast_in_dim3A_41 = arith.constant 1.000000e+00 : f32
    %broadcast_in_dim3A_42 = vector.broadcast %broadcast_in_dim3A_41 : f32 to vector<16xf32>
    %swap3A_43 = arith.constant 112 : index
    %swap3A_44 = tpu.vector_load %arg20[%swap3A_43] {strides = array<i32>} : memref<128xf32, #tpu.memory_space<vmem>>, vector<16xf32>,
    %swap3A_45 = vector.shape_cast %swap3A_44 : vector<16xf32> to vector<16xf32>
    %swap3A_46 = vector.shape_cast %broadcast_in_dim3A_42 : vector<16xf32> to vector<16xf32>
    tpu.vector_store %arg20[%swap3A_43], %swap3A_46 {strides = array<i32>} : memref<128xf32, #tpu.memory_space<vmem>>, vector<16xf32>,
    %mul3A_47 = arith.constant 80 : i32
    %mul3A_48 = arith.muli %add3A, %mul3A_47 : i32
    %add3A_49 = arith.constant 0 : i32
    %add3A_50 = arith.addi %mul3A_48, %add3A_49 : i32
    "tpu.region"() ({
      %run_scoped3A = tpu.sem_alloc : memref<!tpu.dma_semaphore, #tpu.memory_space<semaphore_mem>>
      %dma_start3A = arith.constant 0 : i32
      %dma_start3A_115 = tpu.memref_slice %arg3[%add3A_50, %dma_start3A] : memref<2560x128xi32, #tpu.memory_space<hbm>> -> memref<40x128xi32, #tpu.memory_space<hbm>>
      %dma_start3A_116 = arith.constant 0 : i32
      %dma_start3A_117 = tpu.memref_slice %arg3[%add3A_50, %dma_start3A_116] : memref<2560x128xi32, #tpu.memory_space<hbm>> -> memref<40x128xi32, #tpu.memory_space<hbm>>
      tpu.enqueue_dma source(%dma_start3A_117 : memref<40x128xi32, #tpu.memory_space<hbm>>) target(%arg16 : memref<40x128xi32, #tpu.memory_space<vmem>>) target_semaphore(%run_scoped3A : memref<!tpu.dma_semaphore, #tpu.memory_space<semaphore_mem>>)
      %dma_wait3A = arith.constant 0 : i32
      %dma_wait3A_118 = tpu.memref_slice %arg3[%add3A_50, %dma_wait3A] : memref<2560x128xi32, #tpu.memory_space<hbm>> -> memref<40x128xi32, #tpu.memory_space<hbm>>
      %dma_wait3A_119 = arith.constant 0 : i32
      %dma_wait3A_120 = tpu.memref_slice %arg3[%add3A_50, %dma_wait3A_119] : memref<2560x128xi32, #tpu.memory_space<hbm>> -> memref<40x128xi32, #tpu.memory_space<hbm>>
      tpu.wait_dma2 semaphore(%run_scoped3A : memref<!tpu.dma_semaphore, #tpu.memory_space<semaphore_mem>>) src(%dma_wait3A_120 : memref<40x128xi32, #tpu.memory_space<hbm>>) dst(%arg16 : memref<40x128xi32, #tpu.memory_space<vmem>>)
      tpu.yield
    }) : () -> ()
    %mul3A_51 = arith.constant 80 : i32
    %mul3A_52 = arith.muli %add3A, %mul3A_51 : i32
    %add3A_53 = arith.constant 0 : i32
    %add3A_54 = arith.addi %mul3A_52, %add3A_53 : i32
    "tpu.region"() ({
      %run_scoped3A = tpu.sem_alloc : memref<!tpu.dma_semaphore, #tpu.memory_space<semaphore_mem>>
      %dma_start3A = arith.constant 0 : i32
      %dma_start3A_115 = tpu.memref_slice %arg4[%add3A_54, %dma_start3A] : memref<2560x128xi32, #tpu.memory_space<hbm>> -> memref<40x128xi32, #tpu.memory_space<hbm>>
      %dma_start3A_116 = arith.constant 0 : i32
      %dma_start3A_117 = tpu.memref_slice %arg4[%add3A_54, %dma_start3A_116] : memref<2560x128xi32, #tpu.memory_space<hbm>> -> memref<40x128xi32, #tpu.memory_space<hbm>>
      tpu.enqueue_dma source(%dma_start3A_117 : memref<40x128xi32, #tpu.memory_space<hbm>>) target(%arg17 : memref<40x128xi32, #tpu.memory_space<vmem>>) target_semaphore(%run_scoped3A : memref<!tpu.dma_semaphore, #tpu.memory_space<semaphore_mem>>)
      %dma_wait3A = arith.constant 0 : i32
      %dma_wait3A_118 = tpu.memref_slice %arg4[%add3A_54, %dma_wait3A] : memref<2560x128xi32, #tpu.memory_space<hbm>> -> memref<40x128xi32, #tpu.memory_space<hbm>>
      %dma_wait3A_119 = arith.constant 0 : i32
      %dma_wait3A_120 = tpu.memref_slice %arg4[%add3A_54, %dma_wait3A_119] : memref<2560x128xi32, #tpu.memory_space<hbm>> -> memref<40x128xi32, #tpu.memory_space<hbm>>
      tpu.wait_dma2 semaphore(%run_scoped3A : memref<!tpu.dma_semaphore, #tpu.memory_space<semaphore_mem>>) src(%dma_wait3A_120 : memref<40x128xi32, #tpu.memory_space<hbm>>) dst(%arg17 : memref<40x128xi32, #tpu.memory_space<vmem>>)
      tpu.yield
    }) : () -> ()
    %add3A_55 = arith.constant 0 : i32
    %add3A_56 = arith.addi %add3A_55, %add3A : i32
    %lt3A = arith.constant 2500 : i32
    %lt3A_57 = arith.cmpi slt, %add3A_56, %lt3A : i32
    %convert_element_type3A = arith.extui %lt3A_57 : i1 to i32
    %cond3A = arith.constant 0 : i32
    %cond3A_58 = arith.cmpi ne, %convert_element_type3A, %cond3A : i32
    scf.if %cond3A_58 {
      %dma_start3A = arith.constant 0 : i32
      %dma_start3A_115 = arith.constant 0 : i32
      %dma_start3A_116 = tpu.memref_slice %arg16[%dma_start3A, %dma_start3A_115] : memref<40x128xi32, #tpu.memory_space<vmem>> -> memref<1x128xi32, #tpu.memory_space<vmem>>
      %dma_start3A_117 = tpu.memref_squeeze %dma_start3A_116 : memref<1x128xi32, #tpu.memory_space<vmem>> -> memref<128xi32, #tpu.memory_space<vmem>>
      %dma_start3A_118 = arith.constant 0 : i32
      %dma_start3A_119 = arith.constant 0 : i32
      %dma_start3A_120 = tpu.memref_slice %arg2[%dma_start3A_118, %dma_start3A_119] : memref<10000x128xf32, #tpu.memory_space<hbm>> -> memref<10000x128xf32, #tpu.memory_space<hbm>>
      tpu.enqueue_indirect_dma source(%dma_start3A_120 : memref<10000x128xf32, #tpu.memory_space<hbm>>) target(%arg18 : memref<128x128xf32, #tpu.memory_space<vmem>>) offsets(%dma_start3A_117 : memref<128xi32, #tpu.memory_space<vmem>>) semaphore(%arg21 : memref<!tpu.dma_semaphore, #tpu.memory_space<semaphore_mem>>)
    } else {
    }
    %lt3A_59 = arith.constant 15 : i32
    %lt3A_60 = arith.cmpi slt, %arg1, %lt3A_59 : i32
    %convert_element_type3A_61 = arith.extui %lt3A_60 : i1 to i32
    %cond3A_62 = arith.constant 0 : i32
    %cond3A_63 = arith.cmpi ne, %convert_element_type3A_61, %cond3A_62 : i32
    scf.if %cond3A_63 {
      %mul3A_115 = arith.constant 624 : i32
      %mul3A_116 = arith.muli %arg1, %mul3A_115 : i32
      "tpu.region"() ({
        %run_scoped3A = tpu.sem_alloc : memref<!tpu.dma_semaphore, #tpu.memory_space<semaphore_mem>>
        %dma_start3A = arith.constant 0 : i32
        %dma_start3A_117 = tpu.memref_slice %arg13[%mul3A_116, %dma_start3A] : memref<10000x128xf32, #tpu.memory_space<vmem_shared>> -> memref<624x128xf32, #tpu.memory_space<vmem_shared>>
        %dma_start3A_118 = arith.constant 0 : i32
        %dma_start3A_119 = arith.constant 0 : i32
        %dma_start3A_120 = tpu.memref_slice %arg5[%dma_start3A_118, %dma_start3A_119] : memref<640x128xf32, #tpu.memory_space<hbm>> -> memref<624x128xf32, #tpu.memory_space<hbm>>
        tpu.enqueue_dma source(%dma_start3A_120 : memref<624x128xf32, #tpu.memory_space<hbm>>) target(%dma_start3A_117 : memref<624x128xf32, #tpu.memory_space<vmem_shared>>) target_semaphore(%run_scoped3A : memref<!tpu.dma_semaphore, #tpu.memory_space<semaphore_mem>>)
        %dma_wait3A = arith.constant 0 : i32
        %dma_wait3A_121 = tpu.memref_slice %arg13[%mul3A_116, %dma_wait3A] : memref<10000x128xf32, #tpu.memory_space<vmem_shared>> -> memref<624x128xf32, #tpu.memory_space<vmem_shared>>
        %dma_wait3A_122 = arith.constant 0 : i32
        %dma_wait3A_123 = arith.constant 0 : i32
        %dma_wait3A_124 = tpu.memref_slice %arg5[%dma_wait3A_122, %dma_wait3A_123] : memref<640x128xf32, #tpu.memory_space<hbm>> -> memref<624x128xf32, #tpu.memory_space<hbm>>
        tpu.wait_dma2 semaphore(%run_scoped3A : memref<!tpu.dma_semaphore, #tpu.memory_space<semaphore_mem>>) src(%dma_wait3A_124 : memref<624x128xf32, #tpu.memory_space<hbm>>) dst(%dma_wait3A_121 : memref<624x128xf32, #tpu.memory_space<vmem_shared>>)
        tpu.yield
      }) : () -> ()
    } else {
    }
    %eq3A = arith.constant 15 : i32
    %eq3A_64 = arith.cmpi eq, %arg1, %eq3A : i32
    %convert_element_type3A_65 = arith.extui %eq3A_64 : i1 to i32
    %cond3A_66 = arith.constant 0 : i32
    %cond3A_67 = arith.cmpi ne, %convert_element_type3A_65, %cond3A_66 : i32
    scf.if %cond3A_67 {
      "tpu.region"() ({
        %run_scoped3A = tpu.sem_alloc : memref<!tpu.dma_semaphore, #tpu.memory_space<semaphore_mem>>
        %dma_start3A = arith.constant 9360 : i32
        %dma_start3A_115 = arith.constant 0 : i32
        %dma_start3A_116 = tpu.memref_slice %arg13[%dma_start3A, %dma_start3A_115] : memref<10000x128xf32, #tpu.memory_space<vmem_shared>> -> memref<640x128xf32, #tpu.memory_space<vmem_shared>>
        tpu.enqueue_dma source(%arg5 : memref<640x128xf32, #tpu.memory_space<hbm>>) target(%dma_start3A_116 : memref<640x128xf32, #tpu.memory_space<vmem_shared>>) target_semaphore(%run_scoped3A : memref<!tpu.dma_semaphore, #tpu.memory_space<semaphore_mem>>)
        %dma_wait3A = arith.constant 9360 : i32
        %dma_wait3A_117 = arith.constant 0 : i32
        %dma_wait3A_118 = tpu.memref_slice %arg13[%dma_wait3A, %dma_wait3A_117] : memref<10000x128xf32, #tpu.memory_space<vmem_shared>> -> memref<640x128xf32, #tpu.memory_space<vmem_shared>>
        tpu.wait_dma2 semaphore(%run_scoped3A : memref<!tpu.dma_semaphore, #tpu.memory_space<semaphore_mem>>) src(%arg5 : memref<640x128xf32, #tpu.memory_space<hbm>>) dst(%dma_wait3A_118 : memref<640x128xf32, #tpu.memory_space<vmem_shared>>)
        tpu.yield
      }) : () -> ()
    } else {
    }
    %eq3A_68 = arith.constant 0 : i32
    %eq3A_69 = arith.cmpi eq, %arg1, %eq3A_68 : i32
    %convert_element_type3A_70 = arith.extui %eq3A_69 : i1 to i32
    %cond3A_71 = arith.constant 0 : i32
    %cond3A_72 = arith.cmpi ne, %convert_element_type3A_70, %cond3A_71 : i32
    scf.if %cond3A_72 {
      "tpu.region"() ({
        %run_scoped3A = tpu.sem_alloc : memref<!tpu.dma_semaphore, #tpu.memory_space<semaphore_mem>>
        tpu.enqueue_dma source(%arg6 : memref<10000xf32, #tpu.memory_space<hbm>>) target(%arg14 : memref<10000xf32, #tpu.memory_space<vmem_shared>>) target_semaphore(%run_scoped3A : memref<!tpu.dma_semaphore, #tpu.memory_space<semaphore_mem>>)
        tpu.wait_dma2 semaphore(%run_scoped3A : memref<!tpu.dma_semaphore, #tpu.memory_space<semaphore_mem>>) src(%arg6 : memref<10000xf32, #tpu.memory_space<hbm>>) dst(%arg14 : memref<10000xf32, #tpu.memory_space<vmem_shared>>)
        tpu.yield
      }) : () -> ()
      "tpu.region"() ({
        %run_scoped3A = tpu.sem_alloc : memref<!tpu.dma_semaphore, #tpu.memory_space<semaphore_mem>>
        tpu.enqueue_dma source(%arg6 : memref<10000xf32, #tpu.memory_space<hbm>>) target(%arg15 : memref<10000xf32, #tpu.memory_space<vmem_shared>>) target_semaphore(%run_scoped3A : memref<!tpu.dma_semaphore, #tpu.memory_space<semaphore_mem>>)
        tpu.wait_dma2 semaphore(%run_scoped3A : memref<!tpu.dma_semaphore, #tpu.memory_space<semaphore_mem>>) src(%arg6 : memref<10000xf32, #tpu.memory_space<hbm>>) dst(%arg15 : memref<10000xf32, #tpu.memory_space<vmem_shared>>)
        tpu.yield
      }) : () -> ()
    } else {
    }
    %barrier3A = arith.constant 0 : index
    tpu.barrier barrier_id(%barrier3A)
    %scan3A = arith.constant 0 : i32
    %scan3A_73 = arith.constant 0 : i32
    %scan3A_74 = arith.constant 20 : i32
    %scan3A_75 = arith.addi %scan3A_73, %scan3A_74 : i32
    %scan3A_76 = arith.constant 1 : i32
    scf.for %scan3A_115 = %scan3A_73 to %scan3A_75 step %scan3A_76  : i32 {
      %mul3A_116 = arith.constant 2 : i32
      %mul3A_117 = arith.muli %scan3A_115, %mul3A_116 : i32
      %add3A_118 = arith.constant 1 : i32
      %add3A_119 = arith.addi %mul3A_117, %add3A_118 : i32
      %add3A_120 = arith.constant 0 : i32
      %add3A_121 = arith.addi %add3A_120, %add3A_119 : i32
      %mul3A_122 = arith.constant 32 : i32
      %mul3A_123 = arith.muli %add3A_121, %mul3A_122 : i32
      %add3A_124 = arith.addi %mul3A_123, %add3A : i32
      %lt3A_125 = arith.constant 2500 : i32
      %lt3A_126 = arith.cmpi slt, %add3A_124, %lt3A_125 : i32
      %convert_element_type3A_127 = arith.extui %lt3A_126 : i1 to i32
      %cond3A_128 = arith.constant 0 : i32
      %cond3A_129 = arith.cmpi ne, %convert_element_type3A_127, %cond3A_128 : i32
      scf.if %cond3A_129 {
        %dma_start3A = arith.constant 0 : i32
        %dma_start3A_159 = tpu.memref_slice %arg16[%add3A_119, %dma_start3A] : memref<40x128xi32, #tpu.memory_space<vmem>> -> memref<1x128xi32, #tpu.memory_space<vmem>>
        %dma_start3A_160 = tpu.memref_squeeze %dma_start3A_159 : memref<1x128xi32, #tpu.memory_space<vmem>> -> memref<128xi32, #tpu.memory_space<vmem>>
        %dma_start3A_161 = arith.constant 0 : i32
        %dma_start3A_162 = arith.constant 0 : i32
        %dma_start3A_163 = tpu.memref_slice %arg2[%dma_start3A_161, %dma_start3A_162] : memref<10000x128xf32, #tpu.memory_space<hbm>> -> memref<10000x128xf32, #tpu.memory_space<hbm>>
        tpu.enqueue_indirect_dma source(%dma_start3A_163 : memref<10000x128xf32, #tpu.memory_space<hbm>>) target(%arg19 : memref<128x128xf32, #tpu.memory_space<vmem>>) offsets(%dma_start3A_160 : memref<128xi32, #tpu.memory_space<vmem>>) semaphore(%arg22 : memref<!tpu.dma_semaphore, #tpu.memory_space<semaphore_mem>>)
      } else {
      }
      %add3A_130 = arith.constant 0 : i32
      %add3A_131 = arith.addi %add3A_130, %mul3A_117 : i32
      %mul3A_132 = arith.constant 32 : i32
      %mul3A_133 = arith.muli %add3A_131, %mul3A_132 : i32
      %add3A_134 = arith.addi %mul3A_133, %add3A : i32
      %lt3A_135 = arith.constant 2500 : i32
      %lt3A_136 = arith.cmpi slt, %add3A_134, %lt3A_135 : i32
      %convert_element_type3A_137 = arith.extui %lt3A_136 : i1 to i32
      %cond3A_138 = arith.constant 0 : i32
      %cond3A_139 = arith.cmpi ne, %convert_element_type3A_137, %cond3A_138 : i32
      scf.if %cond3A_139 {
        %dma_wait3A = arith.constant 0 : i32
        %dma_wait3A_159 = tpu.memref_slice %arg16[%mul3A_117, %dma_wait3A] : memref<40x128xi32, #tpu.memory_space<vmem>> -> memref<1x128xi32, #tpu.memory_space<vmem>>
        %dma_wait3A_160 = tpu.memref_squeeze %dma_wait3A_159 : memref<1x128xi32, #tpu.memory_space<vmem>> -> memref<128xi32, #tpu.memory_space<vmem>>
        %dma_wait3A_161 = arith.constant 0 : i32
        %dma_wait3A_162 = arith.constant 0 : i32
        %dma_wait3A_163 = tpu.memref_slice %arg2[%dma_wait3A_161, %dma_wait3A_162] : memref<10000x128xf32, #tpu.memory_space<hbm>> -> memref<10000x128xf32, #tpu.memory_space<hbm>>
        tpu.wait_indirect_dma semaphore(%arg21 : memref<!tpu.dma_semaphore, #tpu.memory_space<semaphore_mem>>) src(%dma_wait3A_163 : memref<10000x128xf32, #tpu.memory_space<hbm>>) dst(%arg18 : memref<128x128xf32, #tpu.memory_space<vmem>>)
        "tpu.region"() ({
          %run_scoped3A = tpu.sem_alloc : memref<!tpu.dma_semaphore, #tpu.memory_space<semaphore_mem>>
          %dma_start3A = arith.constant 0 : i32
          %dma_start3A_164 = tpu.memref_slice %arg17[%mul3A_117, %dma_start3A] : memref<40x128xi32, #tpu.memory_space<vmem>> -> memref<1x128xi32, #tpu.memory_space<vmem>>
          %dma_start3A_165 = tpu.memref_squeeze %dma_start3A_164 : memref<1x128xi32, #tpu.memory_space<vmem>> -> memref<128xi32, #tpu.memory_space<vmem>>
          %dma_start3A_166 = arith.constant 0 : i32
          %dma_start3A_167 = arith.constant 0 : i32
          %dma_start3A_168 = tpu.memref_slice %arg13[%dma_start3A_166, %dma_start3A_167] : memref<10000x128xf32, #tpu.memory_space<vmem_shared>> -> memref<10000x128xf32, #tpu.memory_space<vmem_shared>>
          tpu.enqueue_indirect_dma source(%arg18 : memref<128x128xf32, #tpu.memory_space<vmem>>) target(%dma_start3A_168 : memref<10000x128xf32, #tpu.memory_space<vmem_shared>>) offsets(%dma_start3A_165 : memref<128xi32, #tpu.memory_space<vmem>>) semaphore(%run_scoped3A : memref<!tpu.dma_semaphore, #tpu.memory_space<semaphore_mem>>) {add = true}
          %dma_wait3A_169 = arith.constant 0 : i32
          %dma_wait3A_170 = tpu.memref_slice %arg17[%mul3A_117, %dma_wait3A_169] : memref<40x128xi32, #tpu.memory_space<vmem>> -> memref<1x128xi32, #tpu.memory_space<vmem>>
          %dma_wait3A_171 = tpu.memref_squeeze %dma_wait3A_170 : memref<1x128xi32, #tpu.memory_space<vmem>> -> memref<128xi32, #tpu.memory_space<vmem>>
          %dma_wait3A_172 = arith.constant 0 : i32
          %dma_wait3A_173 = arith.constant 0 : i32
          %dma_wait3A_174 = tpu.memref_slice %arg13[%dma_wait3A_172, %dma_wait3A_173] : memref<10000x128xf32, #tpu.memory_space<vmem_shared>> -> memref<10000x128xf32, #tpu.memory_space<vmem_shared>>
          tpu.wait_indirect_dma semaphore(%run_scoped3A : memref<!tpu.dma_semaphore, #tpu.memory_space<semaphore_mem>>) src(%arg18 : memref<128x128xf32, #tpu.memory_space<vmem>>) dst(%dma_wait3A_174 : memref<10000x128xf32, #tpu.memory_space<vmem_shared>>)
          tpu.yield
        }) : () -> ()
        "tpu.region"() ({
          %run_scoped3A = tpu.sem_alloc : memref<!tpu.dma_semaphore, #tpu.memory_space<semaphore_mem>>
          %dma_start3A = arith.constant 0 : i32
          %dma_start3A_164 = tpu.memref_slice %arg17[%mul3A_117, %dma_start3A] : memref<40x128xi32, #tpu.memory_space<vmem>> -> memref<1x128xi32, #tpu.memory_space<vmem>>
          %dma_start3A_165 = tpu.memref_squeeze %dma_start3A_164 : memref<1x128xi32, #tpu.memory_space<vmem>> -> memref<128xi32, #tpu.memory_space<vmem>>
          %dma_start3A_166 = arith.constant 0 : i32
          %dma_start3A_167 = tpu.memref_slice %arg14[%dma_start3A_166] : memref<10000xf32, #tpu.memory_space<vmem_shared>> -> memref<10000xf32, #tpu.memory_space<vmem_shared>>
          tpu.enqueue_indirect_dma source(%arg20 : memref<128xf32, #tpu.memory_space<vmem>>) target(%dma_start3A_167 : memref<10000xf32, #tpu.memory_space<vmem_shared>>) offsets(%dma_start3A_165 : memref<128xi32, #tpu.memory_space<vmem>>) semaphore(%run_scoped3A : memref<!tpu.dma_semaphore, #tpu.memory_space<semaphore_mem>>) {add = true}
          %dma_wait3A_168 = arith.constant 0 : i32
          %dma_wait3A_169 = tpu.memref_slice %arg17[%mul3A_117, %dma_wait3A_168] : memref<40x128xi32, #tpu.memory_space<vmem>> -> memref<1x128xi32, #tpu.memory_space<vmem>>
          %dma_wait3A_170 = tpu.memref_squeeze %dma_wait3A_169 : memref<1x128xi32, #tpu.memory_space<vmem>> -> memref<128xi32, #tpu.memory_space<vmem>>
          %dma_wait3A_171 = arith.constant 0 : i32
          %dma_wait3A_172 = tpu.memref_slice %arg14[%dma_wait3A_171] : memref<10000xf32, #tpu.memory_space<vmem_shared>> -> memref<10000xf32, #tpu.memory_space<vmem_shared>>
          tpu.wait_indirect_dma semaphore(%run_scoped3A : memref<!tpu.dma_semaphore, #tpu.memory_space<semaphore_mem>>) src(%arg20 : memref<128xf32, #tpu.memory_space<vmem>>) dst(%dma_wait3A_172 : memref<10000xf32, #tpu.memory_space<vmem_shared>>)
          tpu.yield
        }) : () -> ()
        "tpu.region"() ({
          %run_scoped3A = tpu.sem_alloc : memref<!tpu.dma_semaphore, #tpu.memory_space<semaphore_mem>>
          %dma_start3A = arith.constant 0 : i32
          %dma_start3A_164 = tpu.memref_slice %arg16[%mul3A_117, %dma_start3A] : memref<40x128xi32, #tpu.memory_space<vmem>> -> memref<1x128xi32, #tpu.memory_space<vmem>>
          %dma_start3A_165 = tpu.memref_squeeze %dma_start3A_164 : memref<1x128xi32, #tpu.memory_space<vmem>> -> memref<128xi32, #tpu.memory_space<vmem>>
          %dma_start3A_166 = arith.constant 0 : i32
          %dma_start3A_167 = tpu.memref_slice %arg15[%dma_start3A_166] : memref<10000xf32, #tpu.memory_space<vmem_shared>> -> memref<10000xf32, #tpu.memory_space<vmem_shared>>
          tpu.enqueue_indirect_dma source(%arg20 : memref<128xf32, #tpu.memory_space<vmem>>) target(%dma_start3A_167 : memref<10000xf32, #tpu.memory_space<vmem_shared>>) offsets(%dma_start3A_165 : memref<128xi32, #tpu.memory_space<vmem>>) semaphore(%run_scoped3A : memref<!tpu.dma_semaphore, #tpu.memory_space<semaphore_mem>>) {add = true}
          %dma_wait3A_168 = arith.constant 0 : i32
          %dma_wait3A_169 = tpu.memref_slice %arg16[%mul3A_117, %dma_wait3A_168] : memref<40x128xi32, #tpu.memory_space<vmem>> -> memref<1x128xi32, #tpu.memory_space<vmem>>
          %dma_wait3A_170 = tpu.memref_squeeze %dma_wait3A_169 : memref<1x128xi32, #tpu.memory_space<vmem>> -> memref<128xi32, #tpu.memory_space<vmem>>
          %dma_wait3A_171 = arith.constant 0 : i32
          %dma_wait3A_172 = tpu.memref_slice %arg15[%dma_wait3A_171] : memref<10000xf32, #tpu.memory_space<vmem_shared>> -> memref<10000xf32, #tpu.memory_space<vmem_shared>>
          tpu.wait_indirect_dma semaphore(%run_scoped3A : memref<!tpu.dma_semaphore, #tpu.memory_space<semaphore_mem>>) src(%arg20 : memref<128xf32, #tpu.memory_space<vmem>>) dst(%dma_wait3A_172 : memref<10000xf32, #tpu.memory_space<vmem_shared>>)
          tpu.yield
        }) : () -> ()
      } else {
      }
      %add3A_140 = arith.constant 2 : i32
      %add3A_141 = arith.addi %mul3A_117, %add3A_140 : i32
      %lt3A_142 = arith.constant 40 : i32
      %lt3A_143 = arith.cmpi slt, %add3A_141, %lt3A_142 : i32
      %convert_element_type3A_144 = arith.extui %lt3A_143 : i1 to i32
      %cond3A_145 = arith.constant 0 : i32
      %cond3A_146 = arith.cmpi ne, %convert_element_type3A_144, %cond3A_145 : i32
      scf.if %cond3A_146 {
        %add3A_159 = arith.constant 2 : i32
        %add3A_160 = arith.addi %mul3A_117, %add3A_159 : i32
        %add3A_161 = arith.constant 0 : i32
        %add3A_162 = arith.addi %add3A_161, %add3A_160 : i32
        %mul3A_163 = arith.constant 32 : i32
        %mul3A_164 = arith.muli %add3A_162, %mul3A_163 : i32
        %add3A_165 = arith.addi %mul3A_164, %add3A : i32
        %lt3A_166 = arith.constant 2500 : i32
        %lt3A_167 = arith.cmpi slt, %add3A_165, %lt3A_166 : i32
        %convert_element_type3A_168 = arith.extui %lt3A_167 : i1 to i32
        %cond3A_169 = arith.constant 0 : i32
        %cond3A_170 = arith.cmpi ne, %convert_element_type3A_168, %cond3A_169 : i32
        scf.if %cond3A_170 {
          %dma_start3A = arith.constant 0 : i32
          %dma_start3A_171 = tpu.memref_slice %arg16[%add3A_160, %dma_start3A] : memref<40x128xi32, #tpu.memory_space<vmem>> -> memref<1x128xi32, #tpu.memory_space<vmem>>
          %dma_start3A_172 = tpu.memref_squeeze %dma_start3A_171 : memref<1x128xi32, #tpu.memory_space<vmem>> -> memref<128xi32, #tpu.memory_space<vmem>>
          %dma_start3A_173 = arith.constant 0 : i32
          %dma_start3A_174 = arith.constant 0 : i32
          %dma_start3A_175 = tpu.memref_slice %arg2[%dma_start3A_173, %dma_start3A_174] : memref<10000x128xf32, #tpu.memory_space<hbm>> -> memref<10000x128xf32, #tpu.memory_space<hbm>>
          tpu.enqueue_indirect_dma source(%dma_start3A_175 : memref<10000x128xf32, #tpu.memory_space<hbm>>) target(%arg18 : memref<128x128xf32, #tpu.memory_space<vmem>>) offsets(%dma_start3A_172 : memref<128xi32, #tpu.memory_space<vmem>>) semaphore(%arg21 : memref<!tpu.dma_semaphore, #tpu.memory_space<semaphore_mem>>)
        } else {
        }
      } else {
      }
      %add3A_147 = arith.constant 1 : i32
      %add3A_148 = arith.addi %mul3A_117, %add3A_147 : i32
      %add3A_149 = arith.constant 0 : i32
      %add3A_150 = arith.addi %add3A_149, %add3A_148 : i32
      %mul3A_151 = arith.constant 32 : i32
      %mul3A_152 = arith.muli %add3A_150, %mul3A_151 : i32
      %add3A_153 = arith.addi %mul3A_152, %add3A : i32
      %lt3A_154 = arith.constant 2500 : i32
      %lt3A_155 = arith.cmpi slt, %add3A_153, %lt3A_154 : i32
      %convert_element_type3A_156 = arith.extui %lt3A_155 : i1 to i32
      %cond3A_157 = arith.constant 0 : i32
      %cond3A_158 = arith.cmpi ne, %convert_element_type3A_156, %cond3A_157 : i32
      scf.if %cond3A_158 {
        %dma_wait3A = arith.constant 0 : i32
        %dma_wait3A_159 = tpu.memref_slice %arg16[%add3A_148, %dma_wait3A] : memref<40x128xi32, #tpu.memory_space<vmem>> -> memref<1x128xi32, #tpu.memory_space<vmem>>
        %dma_wait3A_160 = tpu.memref_squeeze %dma_wait3A_159 : memref<1x128xi32, #tpu.memory_space<vmem>> -> memref<128xi32, #tpu.memory_space<vmem>>
        %dma_wait3A_161 = arith.constant 0 : i32
        %dma_wait3A_162 = arith.constant 0 : i32
        %dma_wait3A_163 = tpu.memref_slice %arg2[%dma_wait3A_161, %dma_wait3A_162] : memref<10000x128xf32, #tpu.memory_space<hbm>> -> memref<10000x128xf32, #tpu.memory_space<hbm>>
        tpu.wait_indirect_dma semaphore(%arg22 : memref<!tpu.dma_semaphore, #tpu.memory_space<semaphore_mem>>) src(%dma_wait3A_163 : memref<10000x128xf32, #tpu.memory_space<hbm>>) dst(%arg19 : memref<128x128xf32, #tpu.memory_space<vmem>>)
        "tpu.region"() ({
          %run_scoped3A = tpu.sem_alloc : memref<!tpu.dma_semaphore, #tpu.memory_space<semaphore_mem>>
          %dma_start3A = arith.constant 0 : i32
          %dma_start3A_164 = tpu.memref_slice %arg17[%add3A_148, %dma_start3A] : memref<40x128xi32, #tpu.memory_space<vmem>> -> memref<1x128xi32, #tpu.memory_space<vmem>>
          %dma_start3A_165 = tpu.memref_squeeze %dma_start3A_164 : memref<1x128xi32, #tpu.memory_space<vmem>> -> memref<128xi32, #tpu.memory_space<vmem>>
          %dma_start3A_166 = arith.constant 0 : i32
          %dma_start3A_167 = arith.constant 0 : i32
          %dma_start3A_168 = tpu.memref_slice %arg13[%dma_start3A_166, %dma_start3A_167] : memref<10000x128xf32, #tpu.memory_space<vmem_shared>> -> memref<10000x128xf32, #tpu.memory_space<vmem_shared>>
          tpu.enqueue_indirect_dma source(%arg19 : memref<128x128xf32, #tpu.memory_space<vmem>>) target(%dma_start3A_168 : memref<10000x128xf32, #tpu.memory_space<vmem_shared>>) offsets(%dma_start3A_165 : memref<128xi32, #tpu.memory_space<vmem>>) semaphore(%run_scoped3A : memref<!tpu.dma_semaphore, #tpu.memory_space<semaphore_mem>>) {add = true}
          %dma_wait3A_169 = arith.constant 0 : i32
          %dma_wait3A_170 = tpu.memref_slice %arg17[%add3A_148, %dma_wait3A_169] : memref<40x128xi32, #tpu.memory_space<vmem>> -> memref<1x128xi32, #tpu.memory_space<vmem>>
          %dma_wait3A_171 = tpu.memref_squeeze %dma_wait3A_170 : memref<1x128xi32, #tpu.memory_space<vmem>> -> memref<128xi32, #tpu.memory_space<vmem>>
          %dma_wait3A_172 = arith.constant 0 : i32
          %dma_wait3A_173 = arith.constant 0 : i32
          %dma_wait3A_174 = tpu.memref_slice %arg13[%dma_wait3A_172, %dma_wait3A_173] : memref<10000x128xf32, #tpu.memory_space<vmem_shared>> -> memref<10000x128xf32, #tpu.memory_space<vmem_shared>>
          tpu.wait_indirect_dma semaphore(%run_scoped3A : memref<!tpu.dma_semaphore, #tpu.memory_space<semaphore_mem>>) src(%arg19 : memref<128x128xf32, #tpu.memory_space<vmem>>) dst(%dma_wait3A_174 : memref<10000x128xf32, #tpu.memory_space<vmem_shared>>)
          tpu.yield
        }) : () -> ()
        "tpu.region"() ({
          %run_scoped3A = tpu.sem_alloc : memref<!tpu.dma_semaphore, #tpu.memory_space<semaphore_mem>>
          %dma_start3A = arith.constant 0 : i32
          %dma_start3A_164 = tpu.memref_slice %arg17[%add3A_148, %dma_start3A] : memref<40x128xi32, #tpu.memory_space<vmem>> -> memref<1x128xi32, #tpu.memory_space<vmem>>
          %dma_start3A_165 = tpu.memref_squeeze %dma_start3A_164 : memref<1x128xi32, #tpu.memory_space<vmem>> -> memref<128xi32, #tpu.memory_space<vmem>>
          %dma_start3A_166 = arith.constant 0 : i32
          %dma_start3A_167 = tpu.memref_slice %arg14[%dma_start3A_166] : memref<10000xf32, #tpu.memory_space<vmem_shared>> -> memref<10000xf32, #tpu.memory_space<vmem_shared>>
          tpu.enqueue_indirect_dma source(%arg20 : memref<128xf32, #tpu.memory_space<vmem>>) target(%dma_start3A_167 : memref<10000xf32, #tpu.memory_space<vmem_shared>>) offsets(%dma_start3A_165 : memref<128xi32, #tpu.memory_space<vmem>>) semaphore(%run_scoped3A : memref<!tpu.dma_semaphore, #tpu.memory_space<semaphore_mem>>) {add = true}
          %dma_wait3A_168 = arith.constant 0 : i32
          %dma_wait3A_169 = tpu.memref_slice %arg17[%add3A_148, %dma_wait3A_168] : memref<40x128xi32, #tpu.memory_space<vmem>> -> memref<1x128xi32, #tpu.memory_space<vmem>>
          %dma_wait3A_170 = tpu.memref_squeeze %dma_wait3A_169 : memref<1x128xi32, #tpu.memory_space<vmem>> -> memref<128xi32, #tpu.memory_space<vmem>>
          %dma_wait3A_171 = arith.constant 0 : i32
          %dma_wait3A_172 = tpu.memref_slice %arg14[%dma_wait3A_171] : memref<10000xf32, #tpu.memory_space<vmem_shared>> -> memref<10000xf32, #tpu.memory_space<vmem_shared>>
          tpu.wait_indirect_dma semaphore(%run_scoped3A : memref<!tpu.dma_semaphore, #tpu.memory_space<semaphore_mem>>) src(%arg20 : memref<128xf32, #tpu.memory_space<vmem>>) dst(%dma_wait3A_172 : memref<10000xf32, #tpu.memory_space<vmem_shared>>)
          tpu.yield
        }) : () -> ()
        "tpu.region"() ({
          %run_scoped3A = tpu.sem_alloc : memref<!tpu.dma_semaphore, #tpu.memory_space<semaphore_mem>>
          %dma_start3A = arith.constant 0 : i32
          %dma_start3A_164 = tpu.memref_slice %arg16[%add3A_148, %dma_start3A] : memref<40x128xi32, #tpu.memory_space<vmem>> -> memref<1x128xi32, #tpu.memory_space<vmem>>
          %dma_start3A_165 = tpu.memref_squeeze %dma_start3A_164 : memref<1x128xi32, #tpu.memory_space<vmem>> -> memref<128xi32, #tpu.memory_space<vmem>>
          %dma_start3A_166 = arith.constant 0 : i32
          %dma_start3A_167 = tpu.memref_slice %arg15[%dma_start3A_166] : memref<10000xf32, #tpu.memory_space<vmem_shared>> -> memref<10000xf32, #tpu.memory_space<vmem_shared>>
          tpu.enqueue_indirect_dma source(%arg20 : memref<128xf32, #tpu.memory_space<vmem>>) target(%dma_start3A_167 : memref<10000xf32, #tpu.memory_space<vmem_shared>>) offsets(%dma_start3A_165 : memref<128xi32, #tpu.memory_space<vmem>>) semaphore(%run_scoped3A : memref<!tpu.dma_semaphore, #tpu.memory_space<semaphore_mem>>) {add = true}
          %dma_wait3A_168 = arith.constant 0 : i32
          %dma_wait3A_169 = tpu.memref_slice %arg16[%add3A_148, %dma_wait3A_168] : memref<40x128xi32, #tpu.memory_space<vmem>> -> memref<1x128xi32, #tpu.memory_space<vmem>>
          %dma_wait3A_170 = tpu.memref_squeeze %dma_wait3A_169 : memref<1x128xi32, #tpu.memory_space<vmem>> -> memref<128xi32, #tpu.memory_space<vmem>>
          %dma_wait3A_171 = arith.constant 0 : i32
          %dma_wait3A_172 = tpu.memref_slice %arg15[%dma_wait3A_171] : memref<10000xf32, #tpu.memory_space<vmem_shared>> -> memref<10000xf32, #tpu.memory_space<vmem_shared>>
          tpu.wait_indirect_dma semaphore(%run_scoped3A : memref<!tpu.dma_semaphore, #tpu.memory_space<semaphore_mem>>) src(%arg20 : memref<128xf32, #tpu.memory_space<vmem>>) dst(%dma_wait3A_172 : memref<10000xf32, #tpu.memory_space<vmem_shared>>)
          tpu.yield
        }) : () -> ()
      } else {
      }
    }
    %scan3A_77 = arith.constant 20 : i32
    %mul3A_78 = arith.constant 80 : i32
    %mul3A_79 = arith.muli %add3A, %mul3A_78 : i32
    %add3A_80 = arith.constant 40 : i32
    %add3A_81 = arith.addi %mul3A_79, %add3A_80 : i32
    "tpu.region"() ({
      %run_scoped3A = tpu.sem_alloc : memref<!tpu.dma_semaphore, #tpu.memory_space<semaphore_mem>>
      %dma_start3A = arith.constant 0 : i32
      %dma_start3A_115 = tpu.memref_slice %arg3[%add3A_81, %dma_start3A] : memref<2560x128xi32, #tpu.memory_space<hbm>> -> memref<40x128xi32, #tpu.memory_space<hbm>>
      %dma_start3A_116 = arith.constant 0 : i32
      %dma_start3A_117 = tpu.memref_slice %arg3[%add3A_81, %dma_start3A_116] : memref<2560x128xi32, #tpu.memory_space<hbm>> -> memref<40x128xi32, #tpu.memory_space<hbm>>
      tpu.enqueue_dma source(%dma_start3A_117 : memref<40x128xi32, #tpu.memory_space<hbm>>) target(%arg16 : memref<40x128xi32, #tpu.memory_space<vmem>>) target_semaphore(%run_scoped3A : memref<!tpu.dma_semaphore, #tpu.memory_space<semaphore_mem>>)
      %dma_wait3A = arith.constant 0 : i32
      %dma_wait3A_118 = tpu.memref_slice %arg3[%add3A_81, %dma_wait3A] : memref<2560x128xi32, #tpu.memory_space<hbm>> -> memref<40x128xi32, #tpu.memory_space<hbm>>
      %dma_wait3A_119 = arith.constant 0 : i32
      %dma_wait3A_120 = tpu.memref_slice %arg3[%add3A_81, %dma_wait3A_119] : memref<2560x128xi32, #tpu.memory_space<hbm>> -> memref<40x128xi32, #tpu.memory_space<hbm>>
      tpu.wait_dma2 semaphore(%run_scoped3A : memref<!tpu.dma_semaphore, #tpu.memory_space<semaphore_mem>>) src(%dma_wait3A_120 : memref<40x128xi32, #tpu.memory_space<hbm>>) dst(%arg16 : memref<40x128xi32, #tpu.memory_space<vmem>>)
      tpu.yield
    }) : () -> ()
    %mul3A_82 = arith.constant 80 : i32
    %mul3A_83 = arith.muli %add3A, %mul3A_82 : i32
    %add3A_84 = arith.constant 40 : i32
    %add3A_85 = arith.addi %mul3A_83, %add3A_84 : i32
    "tpu.region"() ({
      %run_scoped3A = tpu.sem_alloc : memref<!tpu.dma_semaphore, #tpu.memory_space<semaphore_mem>>
      %dma_start3A = arith.constant 0 : i32
      %dma_start3A_115 = tpu.memref_slice %arg4[%add3A_85, %dma_start3A] : memref<2560x128xi32, #tpu.memory_space<hbm>> -> memref<40x128xi32, #tpu.memory_space<hbm>>
      %dma_start3A_116 = arith.constant 0 : i32
      %dma_start3A_117 = tpu.memref_slice %arg4[%add3A_85, %dma_start3A_116] : memref<2560x128xi32, #tpu.memory_space<hbm>> -> memref<40x128xi32, #tpu.memory_space<hbm>>
      tpu.enqueue_dma source(%dma_start3A_117 : memref<40x128xi32, #tpu.memory_space<hbm>>) target(%arg17 : memref<40x128xi32, #tpu.memory_space<vmem>>) target_semaphore(%run_scoped3A : memref<!tpu.dma_semaphore, #tpu.memory_space<semaphore_mem>>)
      %dma_wait3A = arith.constant 0 : i32
      %dma_wait3A_118 = tpu.memref_slice %arg4[%add3A_85, %dma_wait3A] : memref<2560x128xi32, #tpu.memory_space<hbm>> -> memref<40x128xi32, #tpu.memory_space<hbm>>
      %dma_wait3A_119 = arith.constant 0 : i32
      %dma_wait3A_120 = tpu.memref_slice %arg4[%add3A_85, %dma_wait3A_119] : memref<2560x128xi32, #tpu.memory_space<hbm>> -> memref<40x128xi32, #tpu.memory_space<hbm>>
      tpu.wait_dma2 semaphore(%run_scoped3A : memref<!tpu.dma_semaphore, #tpu.memory_space<semaphore_mem>>) src(%dma_wait3A_120 : memref<40x128xi32, #tpu.memory_space<hbm>>) dst(%arg17 : memref<40x128xi32, #tpu.memory_space<vmem>>)
      tpu.yield
    }) : () -> ()
    %add3A_86 = arith.constant 1280 : i32
    %add3A_87 = arith.addi %add3A_86, %add3A : i32
    %lt3A_88 = arith.constant 2500 : i32
    %lt3A_89 = arith.cmpi slt, %add3A_87, %lt3A_88 : i32
    %convert_element_type3A_90 = arith.extui %lt3A_89 : i1 to i32
    %cond3A_91 = arith.constant 0 : i32
    %cond3A_92 = arith.cmpi ne, %convert_element_type3A_90, %cond3A_91 : i32
    scf.if %cond3A_92 {
      %dma_start3A = arith.constant 0 : i32
      %dma_start3A_115 = arith.constant 0 : i32
      %dma_start3A_116 = tpu.memref_slice %arg16[%dma_start3A, %dma_start3A_115] : memref<40x128xi32, #tpu.memory_space<vmem>> -> memref<1x128xi32, #tpu.memory_space<vmem>>
      %dma_start3A_117 = tpu.memref_squeeze %dma_start3A_116 : memref<1x128xi32, #tpu.memory_space<vmem>> -> memref<128xi32, #tpu.memory_space<vmem>>
      %dma_start3A_118 = arith.constant 0 : i32
      %dma_start3A_119 = arith.constant 0 : i32
      %dma_start3A_120 = tpu.memref_slice %arg2[%dma_start3A_118, %dma_start3A_119] : memref<10000x128xf32, #tpu.memory_space<hbm>> -> memref<10000x128xf32, #tpu.memory_space<hbm>>
      tpu.enqueue_indirect_dma source(%dma_start3A_120 : memref<10000x128xf32, #tpu.memory_space<hbm>>) target(%arg18 : memref<128x128xf32, #tpu.memory_space<vmem>>) offsets(%dma_start3A_117 : memref<128xi32, #tpu.memory_space<vmem>>) semaphore(%arg21 : memref<!tpu.dma_semaphore, #tpu.memory_space<semaphore_mem>>)
    } else {
    }
    %scan3A_93 = arith.constant 0 : i32
    %scan3A_94 = arith.constant 0 : i32
    %scan3A_95 = arith.constant 20 : i32
    %scan3A_96 = arith.addi %scan3A_94, %scan3A_95 : i32
    %scan3A_97 = arith.constant 1 : i32
    scf.for %scan3A_115 = %scan3A_94 to %scan3A_96 step %scan3A_97  : i32 {
      %mul3A_116 = arith.constant 2 : i32
      %mul3A_117 = arith.muli %scan3A_115, %mul3A_116 : i32
      %add3A_118 = arith.constant 1 : i32
      %add3A_119 = arith.addi %mul3A_117, %add3A_118 : i32
      %add3A_120 = arith.constant 40 : i32
      %add3A_121 = arith.addi %add3A_120, %add3A_119 : i32
      %mul3A_122 = arith.constant 32 : i32
      %mul3A_123 = arith.muli %add3A_121, %mul3A_122 : i32
      %add3A_124 = arith.addi %mul3A_123, %add3A : i32
      %lt3A_125 = arith.constant 2500 : i32
      %lt3A_126 = arith.cmpi slt, %add3A_124, %lt3A_125 : i32
      %convert_element_type3A_127 = arith.extui %lt3A_126 : i1 to i32
      %cond3A_128 = arith.constant 0 : i32
      %cond3A_129 = arith.cmpi ne, %convert_element_type3A_127, %cond3A_128 : i32
      scf.if %cond3A_129 {
        %dma_start3A = arith.constant 0 : i32
        %dma_start3A_159 = tpu.memref_slice %arg16[%add3A_119, %dma_start3A] : memref<40x128xi32, #tpu.memory_space<vmem>> -> memref<1x128xi32, #tpu.memory_space<vmem>>
        %dma_start3A_160 = tpu.memref_squeeze %dma_start3A_159 : memref<1x128xi32, #tpu.memory_space<vmem>> -> memref<128xi32, #tpu.memory_space<vmem>>
        %dma_start3A_161 = arith.constant 0 : i32
        %dma_start3A_162 = arith.constant 0 : i32
        %dma_start3A_163 = tpu.memref_slice %arg2[%dma_start3A_161, %dma_start3A_162] : memref<10000x128xf32, #tpu.memory_space<hbm>> -> memref<10000x128xf32, #tpu.memory_space<hbm>>
        tpu.enqueue_indirect_dma source(%dma_start3A_163 : memref<10000x128xf32, #tpu.memory_space<hbm>>) target(%arg19 : memref<128x128xf32, #tpu.memory_space<vmem>>) offsets(%dma_start3A_160 : memref<128xi32, #tpu.memory_space<vmem>>) semaphore(%arg22 : memref<!tpu.dma_semaphore, #tpu.memory_space<semaphore_mem>>)
      } else {
      }
      %add3A_130 = arith.constant 40 : i32
      %add3A_131 = arith.addi %add3A_130, %mul3A_117 : i32
      %mul3A_132 = arith.constant 32 : i32
      %mul3A_133 = arith.muli %add3A_131, %mul3A_132 : i32
      %add3A_134 = arith.addi %mul3A_133, %add3A : i32
      %lt3A_135 = arith.constant 2500 : i32
      %lt3A_136 = arith.cmpi slt, %add3A_134, %lt3A_135 : i32
      %convert_element_type3A_137 = arith.extui %lt3A_136 : i1 to i32
      %cond3A_138 = arith.constant 0 : i32
      %cond3A_139 = arith.cmpi ne, %convert_element_type3A_137, %cond3A_138 : i32
      scf.if %cond3A_139 {
        %dma_wait3A = arith.constant 0 : i32
        %dma_wait3A_159 = tpu.memref_slice %arg16[%mul3A_117, %dma_wait3A] : memref<40x128xi32, #tpu.memory_space<vmem>> -> memref<1x128xi32, #tpu.memory_space<vmem>>
        %dma_wait3A_160 = tpu.memref_squeeze %dma_wait3A_159 : memref<1x128xi32, #tpu.memory_space<vmem>> -> memref<128xi32, #tpu.memory_space<vmem>>
        %dma_wait3A_161 = arith.constant 0 : i32
        %dma_wait3A_162 = arith.constant 0 : i32
        %dma_wait3A_163 = tpu.memref_slice %arg2[%dma_wait3A_161, %dma_wait3A_162] : memref<10000x128xf32, #tpu.memory_space<hbm>> -> memref<10000x128xf32, #tpu.memory_space<hbm>>
        tpu.wait_indirect_dma semaphore(%arg21 : memref<!tpu.dma_semaphore, #tpu.memory_space<semaphore_mem>>) src(%dma_wait3A_163 : memref<10000x128xf32, #tpu.memory_space<hbm>>) dst(%arg18 : memref<128x128xf32, #tpu.memory_space<vmem>>)
        "tpu.region"() ({
          %run_scoped3A = tpu.sem_alloc : memref<!tpu.dma_semaphore, #tpu.memory_space<semaphore_mem>>
          %dma_start3A = arith.constant 0 : i32
          %dma_start3A_164 = tpu.memref_slice %arg17[%mul3A_117, %dma_start3A] : memref<40x128xi32, #tpu.memory_space<vmem>> -> memref<1x128xi32, #tpu.memory_space<vmem>>
          %dma_start3A_165 = tpu.memref_squeeze %dma_start3A_164 : memref<1x128xi32, #tpu.memory_space<vmem>> -> memref<128xi32, #tpu.memory_space<vmem>>
          %dma_start3A_166 = arith.constant 0 : i32
          %dma_start3A_167 = arith.constant 0 : i32
          %dma_start3A_168 = tpu.memref_slice %arg13[%dma_start3A_166, %dma_start3A_167] : memref<10000x128xf32, #tpu.memory_space<vmem_shared>> -> memref<10000x128xf32, #tpu.memory_space<vmem_shared>>
          tpu.enqueue_indirect_dma source(%arg18 : memref<128x128xf32, #tpu.memory_space<vmem>>) target(%dma_start3A_168 : memref<10000x128xf32, #tpu.memory_space<vmem_shared>>) offsets(%dma_start3A_165 : memref<128xi32, #tpu.memory_space<vmem>>) semaphore(%run_scoped3A : memref<!tpu.dma_semaphore, #tpu.memory_space<semaphore_mem>>) {add = true}
          %dma_wait3A_169 = arith.constant 0 : i32
          %dma_wait3A_170 = tpu.memref_slice %arg17[%mul3A_117, %dma_wait3A_169] : memref<40x128xi32, #tpu.memory_space<vmem>> -> memref<1x128xi32, #tpu.memory_space<vmem>>
          %dma_wait3A_171 = tpu.memref_squeeze %dma_wait3A_170 : memref<1x128xi32, #tpu.memory_space<vmem>> -> memref<128xi32, #tpu.memory_space<vmem>>
          %dma_wait3A_172 = arith.constant 0 : i32
          %dma_wait3A_173 = arith.constant 0 : i32
          %dma_wait3A_174 = tpu.memref_slice %arg13[%dma_wait3A_172, %dma_wait3A_173] : memref<10000x128xf32, #tpu.memory_space<vmem_shared>> -> memref<10000x128xf32, #tpu.memory_space<vmem_shared>>
          tpu.wait_indirect_dma semaphore(%run_scoped3A : memref<!tpu.dma_semaphore, #tpu.memory_space<semaphore_mem>>) src(%arg18 : memref<128x128xf32, #tpu.memory_space<vmem>>) dst(%dma_wait3A_174 : memref<10000x128xf32, #tpu.memory_space<vmem_shared>>)
          tpu.yield
        }) : () -> ()
        "tpu.region"() ({
          %run_scoped3A = tpu.sem_alloc : memref<!tpu.dma_semaphore, #tpu.memory_space<semaphore_mem>>
          %dma_start3A = arith.constant 0 : i32
          %dma_start3A_164 = tpu.memref_slice %arg17[%mul3A_117, %dma_start3A] : memref<40x128xi32, #tpu.memory_space<vmem>> -> memref<1x128xi32, #tpu.memory_space<vmem>>
          %dma_start3A_165 = tpu.memref_squeeze %dma_start3A_164 : memref<1x128xi32, #tpu.memory_space<vmem>> -> memref<128xi32, #tpu.memory_space<vmem>>
          %dma_start3A_166 = arith.constant 0 : i32
          %dma_start3A_167 = tpu.memref_slice %arg14[%dma_start3A_166] : memref<10000xf32, #tpu.memory_space<vmem_shared>> -> memref<10000xf32, #tpu.memory_space<vmem_shared>>
          tpu.enqueue_indirect_dma source(%arg20 : memref<128xf32, #tpu.memory_space<vmem>>) target(%dma_start3A_167 : memref<10000xf32, #tpu.memory_space<vmem_shared>>) offsets(%dma_start3A_165 : memref<128xi32, #tpu.memory_space<vmem>>) semaphore(%run_scoped3A : memref<!tpu.dma_semaphore, #tpu.memory_space<semaphore_mem>>) {add = true}
          %dma_wait3A_168 = arith.constant 0 : i32
          %dma_wait3A_169 = tpu.memref_slice %arg17[%mul3A_117, %dma_wait3A_168] : memref<40x128xi32, #tpu.memory_space<vmem>> -> memref<1x128xi32, #tpu.memory_space<vmem>>
          %dma_wait3A_170 = tpu.memref_squeeze %dma_wait3A_169 : memref<1x128xi32, #tpu.memory_space<vmem>> -> memref<128xi32, #tpu.memory_space<vmem>>
          %dma_wait3A_171 = arith.constant 0 : i32
          %dma_wait3A_172 = tpu.memref_slice %arg14[%dma_wait3A_171] : memref<10000xf32, #tpu.memory_space<vmem_shared>> -> memref<10000xf32, #tpu.memory_space<vmem_shared>>
          tpu.wait_indirect_dma semaphore(%run_scoped3A : memref<!tpu.dma_semaphore, #tpu.memory_space<semaphore_mem>>) src(%arg20 : memref<128xf32, #tpu.memory_space<vmem>>) dst(%dma_wait3A_172 : memref<10000xf32, #tpu.memory_space<vmem_shared>>)
          tpu.yield
        }) : () -> ()
        "tpu.region"() ({
          %run_scoped3A = tpu.sem_alloc : memref<!tpu.dma_semaphore, #tpu.memory_space<semaphore_mem>>
          %dma_start3A = arith.constant 0 : i32
          %dma_start3A_164 = tpu.memref_slice %arg16[%mul3A_117, %dma_start3A] : memref<40x128xi32, #tpu.memory_space<vmem>> -> memref<1x128xi32, #tpu.memory_space<vmem>>
          %dma_start3A_165 = tpu.memref_squeeze %dma_start3A_164 : memref<1x128xi32, #tpu.memory_space<vmem>> -> memref<128xi32, #tpu.memory_space<vmem>>
          %dma_start3A_166 = arith.constant 0 : i32
          %dma_start3A_167 = tpu.memref_slice %arg15[%dma_start3A_166] : memref<10000xf32, #tpu.memory_space<vmem_shared>> -> memref<10000xf32, #tpu.memory_space<vmem_shared>>
          tpu.enqueue_indirect_dma source(%arg20 : memref<128xf32, #tpu.memory_space<vmem>>) target(%dma_start3A_167 : memref<10000xf32, #tpu.memory_space<vmem_shared>>) offsets(%dma_start3A_165 : memref<128xi32, #tpu.memory_space<vmem>>) semaphore(%run_scoped3A : memref<!tpu.dma_semaphore, #tpu.memory_space<semaphore_mem>>) {add = true}
          %dma_wait3A_168 = arith.constant 0 : i32
          %dma_wait3A_169 = tpu.memref_slice %arg16[%mul3A_117, %dma_wait3A_168] : memref<40x128xi32, #tpu.memory_space<vmem>> -> memref<1x128xi32, #tpu.memory_space<vmem>>
          %dma_wait3A_170 = tpu.memref_squeeze %dma_wait3A_169 : memref<1x128xi32, #tpu.memory_space<vmem>> -> memref<128xi32, #tpu.memory_space<vmem>>
          %dma_wait3A_171 = arith.constant 0 : i32
          %dma_wait3A_172 = tpu.memref_slice %arg15[%dma_wait3A_171] : memref<10000xf32, #tpu.memory_space<vmem_shared>> -> memref<10000xf32, #tpu.memory_space<vmem_shared>>
          tpu.wait_indirect_dma semaphore(%run_scoped3A : memref<!tpu.dma_semaphore, #tpu.memory_space<semaphore_mem>>) src(%arg20 : memref<128xf32, #tpu.memory_space<vmem>>) dst(%dma_wait3A_172 : memref<10000xf32, #tpu.memory_space<vmem_shared>>)
          tpu.yield
        }) : () -> ()
      } else {
      }
      %add3A_140 = arith.constant 2 : i32
      %add3A_141 = arith.addi %mul3A_117, %add3A_140 : i32
      %lt3A_142 = arith.constant 40 : i32
      %lt3A_143 = arith.cmpi slt, %add3A_141, %lt3A_142 : i32
      %convert_element_type3A_144 = arith.extui %lt3A_143 : i1 to i32
      %cond3A_145 = arith.constant 0 : i32
      %cond3A_146 = arith.cmpi ne, %convert_element_type3A_144, %cond3A_145 : i32
      scf.if %cond3A_146 {
        %add3A_159 = arith.constant 2 : i32
        %add3A_160 = arith.addi %mul3A_117, %add3A_159 : i32
        %add3A_161 = arith.constant 40 : i32
        %add3A_162 = arith.addi %add3A_161, %add3A_160 : i32
        %mul3A_163 = arith.constant 32 : i32
        %mul3A_164 = arith.muli %add3A_162, %mul3A_163 : i32
        %add3A_165 = arith.addi %mul3A_164, %add3A : i32
        %lt3A_166 = arith.constant 2500 : i32
        %lt3A_167 = arith.cmpi slt, %add3A_165, %lt3A_166 : i32
        %convert_element_type3A_168 = arith.extui %lt3A_167 : i1 to i32
        %cond3A_169 = arith.constant 0 : i32
        %cond3A_170 = arith.cmpi ne, %convert_element_type3A_168, %cond3A_169 : i32
        scf.if %cond3A_170 {
          %dma_start3A = arith.constant 0 : i32
          %dma_start3A_171 = tpu.memref_slice %arg16[%add3A_160, %dma_start3A] : memref<40x128xi32, #tpu.memory_space<vmem>> -> memref<1x128xi32, #tpu.memory_space<vmem>>
          %dma_start3A_172 = tpu.memref_squeeze %dma_start3A_171 : memref<1x128xi32, #tpu.memory_space<vmem>> -> memref<128xi32, #tpu.memory_space<vmem>>
          %dma_start3A_173 = arith.constant 0 : i32
          %dma_start3A_174 = arith.constant 0 : i32
          %dma_start3A_175 = tpu.memref_slice %arg2[%dma_start3A_173, %dma_start3A_174] : memref<10000x128xf32, #tpu.memory_space<hbm>> -> memref<10000x128xf32, #tpu.memory_space<hbm>>
          tpu.enqueue_indirect_dma source(%dma_start3A_175 : memref<10000x128xf32, #tpu.memory_space<hbm>>) target(%arg18 : memref<128x128xf32, #tpu.memory_space<vmem>>) offsets(%dma_start3A_172 : memref<128xi32, #tpu.memory_space<vmem>>) semaphore(%arg21 : memref<!tpu.dma_semaphore, #tpu.memory_space<semaphore_mem>>)
        } else {
        }
      } else {
      }
      %add3A_147 = arith.constant 1 : i32
      %add3A_148 = arith.addi %mul3A_117, %add3A_147 : i32
      %add3A_149 = arith.constant 40 : i32
      %add3A_150 = arith.addi %add3A_149, %add3A_148 : i32
      %mul3A_151 = arith.constant 32 : i32
      %mul3A_152 = arith.muli %add3A_150, %mul3A_151 : i32
      %add3A_153 = arith.addi %mul3A_152, %add3A : i32
      %lt3A_154 = arith.constant 2500 : i32
      %lt3A_155 = arith.cmpi slt, %add3A_153, %lt3A_154 : i32
      %convert_element_type3A_156 = arith.extui %lt3A_155 : i1 to i32
      %cond3A_157 = arith.constant 0 : i32
      %cond3A_158 = arith.cmpi ne, %convert_element_type3A_156, %cond3A_157 : i32
      scf.if %cond3A_158 {
        %dma_wait3A = arith.constant 0 : i32
        %dma_wait3A_159 = tpu.memref_slice %arg16[%add3A_148, %dma_wait3A] : memref<40x128xi32, #tpu.memory_space<vmem>> -> memref<1x128xi32, #tpu.memory_space<vmem>>
        %dma_wait3A_160 = tpu.memref_squeeze %dma_wait3A_159 : memref<1x128xi32, #tpu.memory_space<vmem>> -> memref<128xi32, #tpu.memory_space<vmem>>
        %dma_wait3A_161 = arith.constant 0 : i32
        %dma_wait3A_162 = arith.constant 0 : i32
        %dma_wait3A_163 = tpu.memref_slice %arg2[%dma_wait3A_161, %dma_wait3A_162] : memref<10000x128xf32, #tpu.memory_space<hbm>> -> memref<10000x128xf32, #tpu.memory_space<hbm>>
        tpu.wait_indirect_dma semaphore(%arg22 : memref<!tpu.dma_semaphore, #tpu.memory_space<semaphore_mem>>) src(%dma_wait3A_163 : memref<10000x128xf32, #tpu.memory_space<hbm>>) dst(%arg19 : memref<128x128xf32, #tpu.memory_space<vmem>>)
        "tpu.region"() ({
          %run_scoped3A = tpu.sem_alloc : memref<!tpu.dma_semaphore, #tpu.memory_space<semaphore_mem>>
          %dma_start3A = arith.constant 0 : i32
          %dma_start3A_164 = tpu.memref_slice %arg17[%add3A_148, %dma_start3A] : memref<40x128xi32, #tpu.memory_space<vmem>> -> memref<1x128xi32, #tpu.memory_space<vmem>>
          %dma_start3A_165 = tpu.memref_squeeze %dma_start3A_164 : memref<1x128xi32, #tpu.memory_space<vmem>> -> memref<128xi32, #tpu.memory_space<vmem>>
          %dma_start3A_166 = arith.constant 0 : i32
          %dma_start3A_167 = arith.constant 0 : i32
          %dma_start3A_168 = tpu.memref_slice %arg13[%dma_start3A_166, %dma_start3A_167] : memref<10000x128xf32, #tpu.memory_space<vmem_shared>> -> memref<10000x128xf32, #tpu.memory_space<vmem_shared>>
          tpu.enqueue_indirect_dma source(%arg19 : memref<128x128xf32, #tpu.memory_space<vmem>>) target(%dma_start3A_168 : memref<10000x128xf32, #tpu.memory_space<vmem_shared>>) offsets(%dma_start3A_165 : memref<128xi32, #tpu.memory_space<vmem>>) semaphore(%run_scoped3A : memref<!tpu.dma_semaphore, #tpu.memory_space<semaphore_mem>>) {add = true}
          %dma_wait3A_169 = arith.constant 0 : i32
          %dma_wait3A_170 = tpu.memref_slice %arg17[%add3A_148, %dma_wait3A_169] : memref<40x128xi32, #tpu.memory_space<vmem>> -> memref<1x128xi32, #tpu.memory_space<vmem>>
          %dma_wait3A_171 = tpu.memref_squeeze %dma_wait3A_170 : memref<1x128xi32, #tpu.memory_space<vmem>> -> memref<128xi32, #tpu.memory_space<vmem>>
          %dma_wait3A_172 = arith.constant 0 : i32
          %dma_wait3A_173 = arith.constant 0 : i32
          %dma_wait3A_174 = tpu.memref_slice %arg13[%dma_wait3A_172, %dma_wait3A_173] : memref<10000x128xf32, #tpu.memory_space<vmem_shared>> -> memref<10000x128xf32, #tpu.memory_space<vmem_shared>>
          tpu.wait_indirect_dma semaphore(%run_scoped3A : memref<!tpu.dma_semaphore, #tpu.memory_space<semaphore_mem>>) src(%arg19 : memref<128x128xf32, #tpu.memory_space<vmem>>) dst(%dma_wait3A_174 : memref<10000x128xf32, #tpu.memory_space<vmem_shared>>)
          tpu.yield
        }) : () -> ()
        "tpu.region"() ({
          %run_scoped3A = tpu.sem_alloc : memref<!tpu.dma_semaphore, #tpu.memory_space<semaphore_mem>>
          %dma_start3A = arith.constant 0 : i32
          %dma_start3A_164 = tpu.memref_slice %arg17[%add3A_148, %dma_start3A] : memref<40x128xi32, #tpu.memory_space<vmem>> -> memref<1x128xi32, #tpu.memory_space<vmem>>
          %dma_start3A_165 = tpu.memref_squeeze %dma_start3A_164 : memref<1x128xi32, #tpu.memory_space<vmem>> -> memref<128xi32, #tpu.memory_space<vmem>>
          %dma_start3A_166 = arith.constant 0 : i32
          %dma_start3A_167 = tpu.memref_slice %arg14[%dma_start3A_166] : memref<10000xf32, #tpu.memory_space<vmem_shared>> -> memref<10000xf32, #tpu.memory_space<vmem_shared>>
          tpu.enqueue_indirect_dma source(%arg20 : memref<128xf32, #tpu.memory_space<vmem>>) target(%dma_start3A_167 : memref<10000xf32, #tpu.memory_space<vmem_shared>>) offsets(%dma_start3A_165 : memref<128xi32, #tpu.memory_space<vmem>>) semaphore(%run_scoped3A : memref<!tpu.dma_semaphore, #tpu.memory_space<semaphore_mem>>) {add = true}
          %dma_wait3A_168 = arith.constant 0 : i32
          %dma_wait3A_169 = tpu.memref_slice %arg17[%add3A_148, %dma_wait3A_168] : memref<40x128xi32, #tpu.memory_space<vmem>> -> memref<1x128xi32, #tpu.memory_space<vmem>>
          %dma_wait3A_170 = tpu.memref_squeeze %dma_wait3A_169 : memref<1x128xi32, #tpu.memory_space<vmem>> -> memref<128xi32, #tpu.memory_space<vmem>>
          %dma_wait3A_171 = arith.constant 0 : i32
          %dma_wait3A_172 = tpu.memref_slice %arg14[%dma_wait3A_171] : memref<10000xf32, #tpu.memory_space<vmem_shared>> -> memref<10000xf32, #tpu.memory_space<vmem_shared>>
          tpu.wait_indirect_dma semaphore(%run_scoped3A : memref<!tpu.dma_semaphore, #tpu.memory_space<semaphore_mem>>) src(%arg20 : memref<128xf32, #tpu.memory_space<vmem>>) dst(%dma_wait3A_172 : memref<10000xf32, #tpu.memory_space<vmem_shared>>)
          tpu.yield
        }) : () -> ()
        "tpu.region"() ({
          %run_scoped3A = tpu.sem_alloc : memref<!tpu.dma_semaphore, #tpu.memory_space<semaphore_mem>>
          %dma_start3A = arith.constant 0 : i32
          %dma_start3A_164 = tpu.memref_slice %arg16[%add3A_148, %dma_start3A] : memref<40x128xi32, #tpu.memory_space<vmem>> -> memref<1x128xi32, #tpu.memory_space<vmem>>
          %dma_start3A_165 = tpu.memref_squeeze %dma_start3A_164 : memref<1x128xi32, #tpu.memory_space<vmem>> -> memref<128xi32, #tpu.memory_space<vmem>>
          %dma_start3A_166 = arith.constant 0 : i32
          %dma_start3A_167 = tpu.memref_slice %arg15[%dma_start3A_166] : memref<10000xf32, #tpu.memory_space<vmem_shared>> -> memref<10000xf32, #tpu.memory_space<vmem_shared>>
          tpu.enqueue_indirect_dma source(%arg20 : memref<128xf32, #tpu.memory_space<vmem>>) target(%dma_start3A_167 : memref<10000xf32, #tpu.memory_space<vmem_shared>>) offsets(%dma_start3A_165 : memref<128xi32, #tpu.memory_space<vmem>>) semaphore(%run_scoped3A : memref<!tpu.dma_semaphore, #tpu.memory_space<semaphore_mem>>) {add = true}
          %dma_wait3A_168 = arith.constant 0 : i32
          %dma_wait3A_169 = tpu.memref_slice %arg16[%add3A_148, %dma_wait3A_168] : memref<40x128xi32, #tpu.memory_space<vmem>> -> memref<1x128xi32, #tpu.memory_space<vmem>>
          %dma_wait3A_170 = tpu.memref_squeeze %dma_wait3A_169 : memref<1x128xi32, #tpu.memory_space<vmem>> -> memref<128xi32, #tpu.memory_space<vmem>>
          %dma_wait3A_171 = arith.constant 0 : i32
          %dma_wait3A_172 = tpu.memref_slice %arg15[%dma_wait3A_171] : memref<10000xf32, #tpu.memory_space<vmem_shared>> -> memref<10000xf32, #tpu.memory_space<vmem_shared>>
          tpu.wait_indirect_dma semaphore(%run_scoped3A : memref<!tpu.dma_semaphore, #tpu.memory_space<semaphore_mem>>) src(%arg20 : memref<128xf32, #tpu.memory_space<vmem>>) dst(%dma_wait3A_172 : memref<10000xf32, #tpu.memory_space<vmem_shared>>)
          tpu.yield
        }) : () -> ()
      } else {
      }
    }
    %scan3A_98 = arith.constant 20 : i32
    %barrier3A_99 = arith.constant 0 : index
    tpu.barrier barrier_id(%barrier3A_99)
    %lt3A_100 = arith.constant 15 : i32
    %lt3A_101 = arith.cmpi slt, %arg1, %lt3A_100 : i32
    %convert_element_type3A_102 = arith.extui %lt3A_101 : i1 to i32
    %cond3A_103 = arith.constant 0 : i32
    %cond3A_104 = arith.cmpi ne, %convert_element_type3A_102, %cond3A_103 : i32
    scf.if %cond3A_104 {
      %mul3A_115 = arith.constant 624 : i32
      %mul3A_116 = arith.muli %arg1, %mul3A_115 : i32
      %eq3A_117 = arith.constant 0 : i32
      %eq3A_118 = arith.cmpi eq, %arg0, %eq3A_117 : i32
      %convert_element_type3A_119 = arith.extui %eq3A_118 : i1 to i32
      %cond3A_120 = arith.constant 0 : i32
      %cond3A_121 = arith.cmpi ne, %convert_element_type3A_119, %cond3A_120 : i32
      scf.if %cond3A_121 {
        "tpu.region"() ({
          %run_scoped3A = tpu.sem_alloc : memref<!tpu.dma_semaphore, #tpu.memory_space<semaphore_mem>>
          %dma_start3A = arith.constant 0 : i32
          %dma_start3A_127 = tpu.memref_slice %arg7[%mul3A_116, %dma_start3A] : memref<10000x128xf32, #tpu.memory_space<hbm>> -> memref<624x128xf32, #tpu.memory_space<hbm>>
          %dma_start3A_128 = arith.constant 0 : i32
          %dma_start3A_129 = tpu.memref_slice %arg13[%mul3A_116, %dma_start3A_128] : memref<10000x128xf32, #tpu.memory_space<vmem_shared>> -> memref<624x128xf32, #tpu.memory_space<vmem_shared>>
          tpu.enqueue_dma source(%dma_start3A_129 : memref<624x128xf32, #tpu.memory_space<vmem_shared>>) target(%dma_start3A_127 : memref<624x128xf32, #tpu.memory_space<hbm>>) target_semaphore(%run_scoped3A : memref<!tpu.dma_semaphore, #tpu.memory_space<semaphore_mem>>)
          %dma_wait3A = arith.constant 0 : i32
          %dma_wait3A_130 = tpu.memref_slice %arg7[%mul3A_116, %dma_wait3A] : memref<10000x128xf32, #tpu.memory_space<hbm>> -> memref<624x128xf32, #tpu.memory_space<hbm>>
          %dma_wait3A_131 = arith.constant 0 : i32
          %dma_wait3A_132 = tpu.memref_slice %arg13[%mul3A_116, %dma_wait3A_131] : memref<10000x128xf32, #tpu.memory_space<vmem_shared>> -> memref<624x128xf32, #tpu.memory_space<vmem_shared>>
          tpu.wait_dma2 semaphore(%run_scoped3A : memref<!tpu.dma_semaphore, #tpu.memory_space<semaphore_mem>>) src(%dma_wait3A_132 : memref<624x128xf32, #tpu.memory_space<vmem_shared>>) dst(%dma_wait3A_130 : memref<624x128xf32, #tpu.memory_space<hbm>>)
          tpu.yield
        }) : () -> ()
      } else {
      }
      %eq3A_122 = arith.constant 1 : i32
      %eq3A_123 = arith.cmpi eq, %arg0, %eq3A_122 : i32
      %convert_element_type3A_124 = arith.extui %eq3A_123 : i1 to i32
      %cond3A_125 = arith.constant 0 : i32
      %cond3A_126 = arith.cmpi ne, %convert_element_type3A_124, %cond3A_125 : i32
      scf.if %cond3A_126 {
        "tpu.region"() ({
          %run_scoped3A = tpu.sem_alloc : memref<!tpu.dma_semaphore, #tpu.memory_space<semaphore_mem>>
          %dma_start3A = arith.constant 0 : i32
          %dma_start3A_127 = tpu.memref_slice %arg8[%mul3A_116, %dma_start3A] : memref<10000x128xf32, #tpu.memory_space<hbm>> -> memref<624x128xf32, #tpu.memory_space<hbm>>
          %dma_start3A_128 = arith.constant 0 : i32
          %dma_start3A_129 = tpu.memref_slice %arg13[%mul3A_116, %dma_start3A_128] : memref<10000x128xf32, #tpu.memory_space<vmem_shared>> -> memref<624x128xf32, #tpu.memory_space<vmem_shared>>
          tpu.enqueue_dma source(%dma_start3A_129 : memref<624x128xf32, #tpu.memory_space<vmem_shared>>) target(%dma_start3A_127 : memref<624x128xf32, #tpu.memory_space<hbm>>) target_semaphore(%run_scoped3A : memref<!tpu.dma_semaphore, #tpu.memory_space<semaphore_mem>>)
          %dma_wait3A = arith.constant 0 : i32
          %dma_wait3A_130 = tpu.memref_slice %arg8[%mul3A_116, %dma_wait3A] : memref<10000x128xf32, #tpu.memory_space<hbm>> -> memref<624x128xf32, #tpu.memory_space<hbm>>
          %dma_wait3A_131 = arith.constant 0 : i32
          %dma_wait3A_132 = tpu.memref_slice %arg13[%mul3A_116, %dma_wait3A_131] : memref<10000x128xf32, #tpu.memory_space<vmem_shared>> -> memref<624x128xf32, #tpu.memory_space<vmem_shared>>
          tpu.wait_dma2 semaphore(%run_scoped3A : memref<!tpu.dma_semaphore, #tpu.memory_space<semaphore_mem>>) src(%dma_wait3A_132 : memref<624x128xf32, #tpu.memory_space<vmem_shared>>) dst(%dma_wait3A_130 : memref<624x128xf32, #tpu.memory_space<hbm>>)
          tpu.yield
        }) : () -> ()
      } else {
      }
    } else {
    }
    %eq3A_105 = arith.constant 15 : i32
    %eq3A_106 = arith.cmpi eq, %arg1, %eq3A_105 : i32
    %convert_element_type3A_107 = arith.extui %eq3A_106 : i1 to i32
    %cond3A_108 = arith.constant 0 : i32
    %cond3A_109 = arith.cmpi ne, %convert_element_type3A_107, %cond3A_108 : i32
    scf.if %cond3A_109 {
      %eq3A_115 = arith.constant 0 : i32
      %eq3A_116 = arith.cmpi eq, %arg0, %eq3A_115 : i32
      %convert_element_type3A_117 = arith.extui %eq3A_116 : i1 to i32
      %cond3A_118 = arith.constant 0 : i32
      %cond3A_119 = arith.cmpi ne, %convert_element_type3A_117, %cond3A_118 : i32
      scf.if %cond3A_119 {
        "tpu.region"() ({
          %run_scoped3A = tpu.sem_alloc : memref<!tpu.dma_semaphore, #tpu.memory_space<semaphore_mem>>
          %dma_start3A = arith.constant 9360 : i32
          %dma_start3A_125 = arith.constant 0 : i32
          %dma_start3A_126 = tpu.memref_slice %arg7[%dma_start3A, %dma_start3A_125] : memref<10000x128xf32, #tpu.memory_space<hbm>> -> memref<640x128xf32, #tpu.memory_space<hbm>>
          %dma_start3A_127 = arith.constant 9360 : i32
          %dma_start3A_128 = arith.constant 0 : i32
          %dma_start3A_129 = tpu.memref_slice %arg13[%dma_start3A_127, %dma_start3A_128] : memref<10000x128xf32, #tpu.memory_space<vmem_shared>> -> memref<640x128xf32, #tpu.memory_space<vmem_shared>>
          tpu.enqueue_dma source(%dma_start3A_129 : memref<640x128xf32, #tpu.memory_space<vmem_shared>>) target(%dma_start3A_126 : memref<640x128xf32, #tpu.memory_space<hbm>>) target_semaphore(%run_scoped3A : memref<!tpu.dma_semaphore, #tpu.memory_space<semaphore_mem>>)
          %dma_wait3A = arith.constant 9360 : i32
          %dma_wait3A_130 = arith.constant 0 : i32
          %dma_wait3A_131 = tpu.memref_slice %arg7[%dma_wait3A, %dma_wait3A_130] : memref<10000x128xf32, #tpu.memory_space<hbm>> -> memref<640x128xf32, #tpu.memory_space<hbm>>
          %dma_wait3A_132 = arith.constant 9360 : i32
          %dma_wait3A_133 = arith.constant 0 : i32
          %dma_wait3A_134 = tpu.memref_slice %arg13[%dma_wait3A_132, %dma_wait3A_133] : memref<10000x128xf32, #tpu.memory_space<vmem_shared>> -> memref<640x128xf32, #tpu.memory_space<vmem_shared>>
          tpu.wait_dma2 semaphore(%run_scoped3A : memref<!tpu.dma_semaphore, #tpu.memory_space<semaphore_mem>>) src(%dma_wait3A_134 : memref<640x128xf32, #tpu.memory_space<vmem_shared>>) dst(%dma_wait3A_131 : memref<640x128xf32, #tpu.memory_space<hbm>>)
          tpu.yield
        }) : () -> ()
      } else {
      }
      %eq3A_120 = arith.constant 1 : i32
      %eq3A_121 = arith.cmpi eq, %arg0, %eq3A_120 : i32
      %convert_element_type3A_122 = arith.extui %eq3A_121 : i1 to i32
      %cond3A_123 = arith.constant 0 : i32
      %cond3A_124 = arith.cmpi ne, %convert_element_type3A_122, %cond3A_123 : i32
      scf.if %cond3A_124 {
        "tpu.region"() ({
          %run_scoped3A = tpu.sem_alloc : memref<!tpu.dma_semaphore, #tpu.memory_space<semaphore_mem>>
          %dma_start3A = arith.constant 9360 : i32
          %dma_start3A_125 = arith.constant 0 : i32
          %dma_start3A_126 = tpu.memref_slice %arg8[%dma_start3A, %dma_start3A_125] : memref<10000x128xf32, #tpu.memory_space<hbm>> -> memref<640x128xf32, #tpu.memory_space<hbm>>
          %dma_start3A_127 = arith.constant 9360 : i32
          %dma_start3A_128 = arith.constant 0 : i32
          %dma_start3A_129 = tpu.memref_slice %arg13[%dma_start3A_127, %dma_start3A_128] : memref<10000x128xf32, #tpu.memory_space<vmem_shared>> -> memref<640x128xf32, #tpu.memory_space<vmem_shared>>
          tpu.enqueue_dma source(%dma_start3A_129 : memref<640x128xf32, #tpu.memory_space<vmem_shared>>) target(%dma_start3A_126 : memref<640x128xf32, #tpu.memory_space<hbm>>) target_semaphore(%run_scoped3A : memref<!tpu.dma_semaphore, #tpu.memory_space<semaphore_mem>>)
          %dma_wait3A = arith.constant 9360 : i32
          %dma_wait3A_130 = arith.constant 0 : i32
          %dma_wait3A_131 = tpu.memref_slice %arg8[%dma_wait3A, %dma_wait3A_130] : memref<10000x128xf32, #tpu.memory_space<hbm>> -> memref<640x128xf32, #tpu.memory_space<hbm>>
          %dma_wait3A_132 = arith.constant 9360 : i32
          %dma_wait3A_133 = arith.constant 0 : i32
          %dma_wait3A_134 = tpu.memref_slice %arg13[%dma_wait3A_132, %dma_wait3A_133] : memref<10000x128xf32, #tpu.memory_space<vmem_shared>> -> memref<640x128xf32, #tpu.memory_space<vmem_shared>>
          tpu.wait_dma2 semaphore(%run_scoped3A : memref<!tpu.dma_semaphore, #tpu.memory_space<semaphore_mem>>) src(%dma_wait3A_134 : memref<640x128xf32, #tpu.memory_space<vmem_shared>>) dst(%dma_wait3A_131 : memref<640x128xf32, #tpu.memory_space<hbm>>)
          tpu.yield
        }) : () -> ()
      } else {
      }
    } else {
    }
    %eq3A_110 = arith.constant 0 : i32
    %eq3A_111 = arith.cmpi eq, %arg1, %eq3A_110 : i32
    %convert_element_type3A_112 = arith.extui %eq3A_111 : i1 to i32
    %cond3A_113 = arith.constant 0 : i32
    %cond3A_114 = arith.cmpi ne, %convert_element_type3A_112, %cond3A_113 : i32
    scf.if %cond3A_114 {
      %eq3A_115 = arith.constant 0 : i32
      %eq3A_116 = arith.cmpi eq, %arg0, %eq3A_115 : i32
      %convert_element_type3A_117 = arith.extui %eq3A_116 : i1 to i32
      %cond3A_118 = arith.constant 0 : i32
      %cond3A_119 = arith.cmpi ne, %convert_element_type3A_117, %cond3A_118 : i32
      scf.if %cond3A_119 {
        "tpu.region"() ({
          %run_scoped3A = tpu.sem_alloc : memref<!tpu.dma_semaphore, #tpu.memory_space<semaphore_mem>>
          tpu.enqueue_dma source(%arg14 : memref<10000xf32, #tpu.memory_space<vmem_shared>>) target(%arg9 : memref<10000xf32, #tpu.memory_space<hbm>>) target_semaphore(%run_scoped3A : memref<!tpu.dma_semaphore, #tpu.memory_space<semaphore_mem>>)
          tpu.wait_dma2 semaphore(%run_scoped3A : memref<!tpu.dma_semaphore, #tpu.memory_space<semaphore_mem>>) src(%arg14 : memref<10000xf32, #tpu.memory_space<vmem_shared>>) dst(%arg9 : memref<10000xf32, #tpu.memory_space<hbm>>)
          tpu.yield
        }) : () -> ()
        "tpu.region"() ({
          %run_scoped3A = tpu.sem_alloc : memref<!tpu.dma_semaphore, #tpu.memory_space<semaphore_mem>>
          tpu.enqueue_dma source(%arg15 : memref<10000xf32, #tpu.memory_space<vmem_shared>>) target(%arg11 : memref<10000xf32, #tpu.memory_space<hbm>>) target_semaphore(%run_scoped3A : memref<!tpu.dma_semaphore, #tpu.memory_space<semaphore_mem>>)
          tpu.wait_dma2 semaphore(%run_scoped3A : memref<!tpu.dma_semaphore, #tpu.memory_space<semaphore_mem>>) src(%arg15 : memref<10000xf32, #tpu.memory_space<vmem_shared>>) dst(%arg11 : memref<10000xf32, #tpu.memory_space<hbm>>)
          tpu.yield
        }) : () -> ()
      } else {
      }
      %eq3A_120 = arith.constant 1 : i32
      %eq3A_121 = arith.cmpi eq, %arg0, %eq3A_120 : i32
      %convert_element_type3A_122 = arith.extui %eq3A_121 : i1 to i32
      %cond3A_123 = arith.constant 0 : i32
      %cond3A_124 = arith.cmpi ne, %convert_element_type3A_122, %cond3A_123 : i32
      scf.if %cond3A_124 {
        "tpu.region"() ({
          %run_scoped3A = tpu.sem_alloc : memref<!tpu.dma_semaphore, #tpu.memory_space<semaphore_mem>>
          tpu.enqueue_dma source(%arg14 : memref<10000xf32, #tpu.memory_space<vmem_shared>>) target(%arg10 : memref<10000xf32, #tpu.memory_space<hbm>>) target_semaphore(%run_scoped3A : memref<!tpu.dma_semaphore, #tpu.memory_space<semaphore_mem>>)
          tpu.wait_dma2 semaphore(%run_scoped3A : memref<!tpu.dma_semaphore, #tpu.memory_space<semaphore_mem>>) src(%arg14 : memref<10000xf32, #tpu.memory_space<vmem_shared>>) dst(%arg10 : memref<10000xf32, #tpu.memory_space<hbm>>)
          tpu.yield
        }) : () -> ()
        "tpu.region"() ({
          %run_scoped3A = tpu.sem_alloc : memref<!tpu.dma_semaphore, #tpu.memory_space<semaphore_mem>>
          tpu.enqueue_dma source(%arg15 : memref<10000xf32, #tpu.memory_space<vmem_shared>>) target(%arg12 : memref<10000xf32, #tpu.memory_space<hbm>>) target_semaphore(%run_scoped3A : memref<!tpu.dma_semaphore, #tpu.memory_space<semaphore_mem>>)
          tpu.wait_dma2 semaphore(%run_scoped3A : memref<!tpu.dma_semaphore, #tpu.memory_space<semaphore_mem>>) src(%arg15 : memref<10000xf32, #tpu.memory_space<vmem_shared>>) dst(%arg12 : memref<10000xf32, #tpu.memory_space<hbm>>)
          tpu.yield
        }) : () -> ()
      } else {
      }
    } else {
    }
    return
  }
}

#map = affine_map<(d0, d1) -> (0, 0)>
module attributes {stable_mosaic.version = 14 : i64} {
  func.func @_agg_y(%arg0: i32, %arg1: i32, %arg2: memref<10000x128xf32, #tpu.memory_space<hbm>>, %arg3: memref<2560x128xi32, #tpu.memory_space<hbm>>, %arg4: memref<2560x128xi32, #tpu.memory_space<hbm>>, %arg5: memref<640x128xf32, #tpu.memory_space<hbm>>, %arg6: memref<10000x128xf32, #tpu.memory_space<hbm>>, %arg7: memref<10000x128xf32, #tpu.memory_space<hbm>>, %arg8: memref<10000x128xf32, #tpu.memory_space<vmem_shared>>, %arg9: memref<40x128xi32, #tpu.memory_space<vmem>>, %arg10: memref<40x128xi32, #tpu.memory_space<vmem>>, %arg11: memref<128x128xf32, #tpu.memory_space<vmem>>, %arg12: memref<128x128xf32, #tpu.memory_space<vmem>>, %arg13: memref<!tpu.dma_semaphore, #tpu.memory_space<semaphore_mem>>, %arg14: memref<!tpu.dma_semaphore, #tpu.memory_space<semaphore_mem>>) attributes {dimension_semantics = [#tpu.dimension_semantics<core_parallel>, #tpu.dimension_semantics<subcore_parallel>], iteration_bounds = array<i64: 2, 16>, scalar_prefetch = 0 : i64, scratch_operands = 7 : i64, tpu.core_type = #tpu.core_type<sc_vector_subcore>, window_params = [{transform_indices = #map}, {transform_indices = #map}, {transform_indices = #map}, {transform_indices = #map}, {transform_indices = #map}, {transform_indices = #map}]} {
    %mul3A = arith.constant 2 : i32
    %mul3A_0 = arith.muli %arg1, %mul3A : i32
    %add3A = arith.addi %mul3A_0, %arg0 : i32
    %mul3A_1 = arith.constant 80 : i32
    %mul3A_2 = arith.muli %add3A, %mul3A_1 : i32
    %add3A_3 = arith.constant 0 : i32
    %add3A_4 = arith.addi %mul3A_2, %add3A_3 : i32
    "tpu.region"() ({
      %run_scoped3A = tpu.sem_alloc : memref<!tpu.dma_semaphore, #tpu.memory_space<semaphore_mem>>
      %dma_start3A = arith.constant 0 : i32
      %dma_start3A_59 = tpu.memref_slice %arg3[%add3A_4, %dma_start3A] : memref<2560x128xi32, #tpu.memory_space<hbm>> -> memref<40x128xi32, #tpu.memory_space<hbm>>
      %dma_start3A_60 = arith.constant 0 : i32
      %dma_start3A_61 = tpu.memref_slice %arg3[%add3A_4, %dma_start3A_60] : memref<2560x128xi32, #tpu.memory_space<hbm>> -> memref<40x128xi32, #tpu.memory_space<hbm>>
      tpu.enqueue_dma source(%dma_start3A_61 : memref<40x128xi32, #tpu.memory_space<hbm>>) target(%arg9 : memref<40x128xi32, #tpu.memory_space<vmem>>) target_semaphore(%run_scoped3A : memref<!tpu.dma_semaphore, #tpu.memory_space<semaphore_mem>>)
      %dma_wait3A = arith.constant 0 : i32
      %dma_wait3A_62 = tpu.memref_slice %arg3[%add3A_4, %dma_wait3A] : memref<2560x128xi32, #tpu.memory_space<hbm>> -> memref<40x128xi32, #tpu.memory_space<hbm>>
      %dma_wait3A_63 = arith.constant 0 : i32
      %dma_wait3A_64 = tpu.memref_slice %arg3[%add3A_4, %dma_wait3A_63] : memref<2560x128xi32, #tpu.memory_space<hbm>> -> memref<40x128xi32, #tpu.memory_space<hbm>>
      tpu.wait_dma2 semaphore(%run_scoped3A : memref<!tpu.dma_semaphore, #tpu.memory_space<semaphore_mem>>) src(%dma_wait3A_64 : memref<40x128xi32, #tpu.memory_space<hbm>>) dst(%arg9 : memref<40x128xi32, #tpu.memory_space<vmem>>)
      tpu.yield
    }) : () -> ()
    %mul3A_5 = arith.constant 80 : i32
    %mul3A_6 = arith.muli %add3A, %mul3A_5 : i32
    %add3A_7 = arith.constant 0 : i32
    %add3A_8 = arith.addi %mul3A_6, %add3A_7 : i32
    "tpu.region"() ({
      %run_scoped3A = tpu.sem_alloc : memref<!tpu.dma_semaphore, #tpu.memory_space<semaphore_mem>>
      %dma_start3A = arith.constant 0 : i32
      %dma_start3A_59 = tpu.memref_slice %arg4[%add3A_8, %dma_start3A] : memref<2560x128xi32, #tpu.memory_space<hbm>> -> memref<40x128xi32, #tpu.memory_space<hbm>>
      %dma_start3A_60 = arith.constant 0 : i32
      %dma_start3A_61 = tpu.memref_slice %arg4[%add3A_8, %dma_start3A_60] : memref<2560x128xi32, #tpu.memory_space<hbm>> -> memref<40x128xi32, #tpu.memory_space<hbm>>
      tpu.enqueue_dma source(%dma_start3A_61 : memref<40x128xi32, #tpu.memory_space<hbm>>) target(%arg10 : memref<40x128xi32, #tpu.memory_space<vmem>>) target_semaphore(%run_scoped3A : memref<!tpu.dma_semaphore, #tpu.memory_space<semaphore_mem>>)
      %dma_wait3A = arith.constant 0 : i32
      %dma_wait3A_62 = tpu.memref_slice %arg4[%add3A_8, %dma_wait3A] : memref<2560x128xi32, #tpu.memory_space<hbm>> -> memref<40x128xi32, #tpu.memory_space<hbm>>
      %dma_wait3A_63 = arith.constant 0 : i32
      %dma_wait3A_64 = tpu.memref_slice %arg4[%add3A_8, %dma_wait3A_63] : memref<2560x128xi32, #tpu.memory_space<hbm>> -> memref<40x128xi32, #tpu.memory_space<hbm>>
      tpu.wait_dma2 semaphore(%run_scoped3A : memref<!tpu.dma_semaphore, #tpu.memory_space<semaphore_mem>>) src(%dma_wait3A_64 : memref<40x128xi32, #tpu.memory_space<hbm>>) dst(%arg10 : memref<40x128xi32, #tpu.memory_space<vmem>>)
      tpu.yield
    }) : () -> ()
    %add3A_9 = arith.constant 0 : i32
    %add3A_10 = arith.addi %add3A_9, %add3A : i32
    %lt3A = arith.constant 2500 : i32
    %lt3A_11 = arith.cmpi slt, %add3A_10, %lt3A : i32
    %convert_element_type3A = arith.extui %lt3A_11 : i1 to i32
    %cond3A = arith.constant 0 : i32
    %cond3A_12 = arith.cmpi ne, %convert_element_type3A, %cond3A : i32
    scf.if %cond3A_12 {
      %dma_start3A = arith.constant 0 : i32
      %dma_start3A_59 = arith.constant 0 : i32
      %dma_start3A_60 = tpu.memref_slice %arg9[%dma_start3A, %dma_start3A_59] : memref<40x128xi32, #tpu.memory_space<vmem>> -> memref<1x128xi32, #tpu.memory_space<vmem>>
      %dma_start3A_61 = tpu.memref_squeeze %dma_start3A_60 : memref<1x128xi32, #tpu.memory_space<vmem>> -> memref<128xi32, #tpu.memory_space<vmem>>
      %dma_start3A_62 = arith.constant 0 : i32
      %dma_start3A_63 = arith.constant 0 : i32
      %dma_start3A_64 = tpu.memref_slice %arg2[%dma_start3A_62, %dma_start3A_63] : memref<10000x128xf32, #tpu.memory_space<hbm>> -> memref<10000x128xf32, #tpu.memory_space<hbm>>
      tpu.enqueue_indirect_dma source(%dma_start3A_64 : memref<10000x128xf32, #tpu.memory_space<hbm>>) target(%arg11 : memref<128x128xf32, #tpu.memory_space<vmem>>) offsets(%dma_start3A_61 : memref<128xi32, #tpu.memory_space<vmem>>) semaphore(%arg13 : memref<!tpu.dma_semaphore, #tpu.memory_space<semaphore_mem>>)
    } else {
    }
    %lt3A_13 = arith.constant 15 : i32
    %lt3A_14 = arith.cmpi slt, %arg1, %lt3A_13 : i32
    %convert_element_type3A_15 = arith.extui %lt3A_14 : i1 to i32
    %cond3A_16 = arith.constant 0 : i32
    %cond3A_17 = arith.cmpi ne, %convert_element_type3A_15, %cond3A_16 : i32
    scf.if %cond3A_17 {
      %mul3A_59 = arith.constant 624 : i32
      %mul3A_60 = arith.muli %arg1, %mul3A_59 : i32
      "tpu.region"() ({
        %run_scoped3A = tpu.sem_alloc : memref<!tpu.dma_semaphore, #tpu.memory_space<semaphore_mem>>
        %dma_start3A = arith.constant 0 : i32
        %dma_start3A_61 = tpu.memref_slice %arg8[%mul3A_60, %dma_start3A] : memref<10000x128xf32, #tpu.memory_space<vmem_shared>> -> memref<624x128xf32, #tpu.memory_space<vmem_shared>>
        %dma_start3A_62 = arith.constant 0 : i32
        %dma_start3A_63 = arith.constant 0 : i32
        %dma_start3A_64 = tpu.memref_slice %arg5[%dma_start3A_62, %dma_start3A_63] : memref<640x128xf32, #tpu.memory_space<hbm>> -> memref<624x128xf32, #tpu.memory_space<hbm>>
        tpu.enqueue_dma source(%dma_start3A_64 : memref<624x128xf32, #tpu.memory_space<hbm>>) target(%dma_start3A_61 : memref<624x128xf32, #tpu.memory_space<vmem_shared>>) target_semaphore(%run_scoped3A : memref<!tpu.dma_semaphore, #tpu.memory_space<semaphore_mem>>)
        %dma_wait3A = arith.constant 0 : i32
        %dma_wait3A_65 = tpu.memref_slice %arg8[%mul3A_60, %dma_wait3A] : memref<10000x128xf32, #tpu.memory_space<vmem_shared>> -> memref<624x128xf32, #tpu.memory_space<vmem_shared>>
        %dma_wait3A_66 = arith.constant 0 : i32
        %dma_wait3A_67 = arith.constant 0 : i32
        %dma_wait3A_68 = tpu.memref_slice %arg5[%dma_wait3A_66, %dma_wait3A_67] : memref<640x128xf32, #tpu.memory_space<hbm>> -> memref<624x128xf32, #tpu.memory_space<hbm>>
        tpu.wait_dma2 semaphore(%run_scoped3A : memref<!tpu.dma_semaphore, #tpu.memory_space<semaphore_mem>>) src(%dma_wait3A_68 : memref<624x128xf32, #tpu.memory_space<hbm>>) dst(%dma_wait3A_65 : memref<624x128xf32, #tpu.memory_space<vmem_shared>>)
        tpu.yield
      }) : () -> ()
    } else {
    }
    %eq3A = arith.constant 15 : i32
    %eq3A_18 = arith.cmpi eq, %arg1, %eq3A : i32
    %convert_element_type3A_19 = arith.extui %eq3A_18 : i1 to i32
    %cond3A_20 = arith.constant 0 : i32
    %cond3A_21 = arith.cmpi ne, %convert_element_type3A_19, %cond3A_20 : i32
    scf.if %cond3A_21 {
      "tpu.region"() ({
        %run_scoped3A = tpu.sem_alloc : memref<!tpu.dma_semaphore, #tpu.memory_space<semaphore_mem>>
        %dma_start3A = arith.constant 9360 : i32
        %dma_start3A_59 = arith.constant 0 : i32
        %dma_start3A_60 = tpu.memref_slice %arg8[%dma_start3A, %dma_start3A_59] : memref<10000x128xf32, #tpu.memory_space<vmem_shared>> -> memref<640x128xf32, #tpu.memory_space<vmem_shared>>
        tpu.enqueue_dma source(%arg5 : memref<640x128xf32, #tpu.memory_space<hbm>>) target(%dma_start3A_60 : memref<640x128xf32, #tpu.memory_space<vmem_shared>>) target_semaphore(%run_scoped3A : memref<!tpu.dma_semaphore, #tpu.memory_space<semaphore_mem>>)
        %dma_wait3A = arith.constant 9360 : i32
        %dma_wait3A_61 = arith.constant 0 : i32
        %dma_wait3A_62 = tpu.memref_slice %arg8[%dma_wait3A, %dma_wait3A_61] : memref<10000x128xf32, #tpu.memory_space<vmem_shared>> -> memref<640x128xf32, #tpu.memory_space<vmem_shared>>
        tpu.wait_dma2 semaphore(%run_scoped3A : memref<!tpu.dma_semaphore, #tpu.memory_space<semaphore_mem>>) src(%arg5 : memref<640x128xf32, #tpu.memory_space<hbm>>) dst(%dma_wait3A_62 : memref<640x128xf32, #tpu.memory_space<vmem_shared>>)
        tpu.yield
      }) : () -> ()
    } else {
    }
    %barrier3A = arith.constant 0 : index
    tpu.barrier barrier_id(%barrier3A)
    %scan3A = arith.constant 0 : i32
    %scan3A_22 = arith.constant 0 : i32
    %scan3A_23 = arith.constant 20 : i32
    %scan3A_24 = arith.addi %scan3A_22, %scan3A_23 : i32
    %scan3A_25 = arith.constant 1 : i32
    scf.for %scan3A_59 = %scan3A_22 to %scan3A_24 step %scan3A_25  : i32 {
      %mul3A_60 = arith.constant 2 : i32
      %mul3A_61 = arith.muli %scan3A_59, %mul3A_60 : i32
      %add3A_62 = arith.constant 1 : i32
      %add3A_63 = arith.addi %mul3A_61, %add3A_62 : i32
      %add3A_64 = arith.constant 0 : i32
      %add3A_65 = arith.addi %add3A_64, %add3A_63 : i32
      %mul3A_66 = arith.constant 32 : i32
      %mul3A_67 = arith.muli %add3A_65, %mul3A_66 : i32
      %add3A_68 = arith.addi %mul3A_67, %add3A : i32
      %lt3A_69 = arith.constant 2500 : i32
      %lt3A_70 = arith.cmpi slt, %add3A_68, %lt3A_69 : i32
      %convert_element_type3A_71 = arith.extui %lt3A_70 : i1 to i32
      %cond3A_72 = arith.constant 0 : i32
      %cond3A_73 = arith.cmpi ne, %convert_element_type3A_71, %cond3A_72 : i32
      scf.if %cond3A_73 {
        %dma_start3A = arith.constant 0 : i32
        %dma_start3A_103 = tpu.memref_slice %arg9[%add3A_63, %dma_start3A] : memref<40x128xi32, #tpu.memory_space<vmem>> -> memref<1x128xi32, #tpu.memory_space<vmem>>
        %dma_start3A_104 = tpu.memref_squeeze %dma_start3A_103 : memref<1x128xi32, #tpu.memory_space<vmem>> -> memref<128xi32, #tpu.memory_space<vmem>>
        %dma_start3A_105 = arith.constant 0 : i32
        %dma_start3A_106 = arith.constant 0 : i32
        %dma_start3A_107 = tpu.memref_slice %arg2[%dma_start3A_105, %dma_start3A_106] : memref<10000x128xf32, #tpu.memory_space<hbm>> -> memref<10000x128xf32, #tpu.memory_space<hbm>>
        tpu.enqueue_indirect_dma source(%dma_start3A_107 : memref<10000x128xf32, #tpu.memory_space<hbm>>) target(%arg12 : memref<128x128xf32, #tpu.memory_space<vmem>>) offsets(%dma_start3A_104 : memref<128xi32, #tpu.memory_space<vmem>>) semaphore(%arg14 : memref<!tpu.dma_semaphore, #tpu.memory_space<semaphore_mem>>)
      } else {
      }
      %add3A_74 = arith.constant 0 : i32
      %add3A_75 = arith.addi %add3A_74, %mul3A_61 : i32
      %mul3A_76 = arith.constant 32 : i32
      %mul3A_77 = arith.muli %add3A_75, %mul3A_76 : i32
      %add3A_78 = arith.addi %mul3A_77, %add3A : i32
      %lt3A_79 = arith.constant 2500 : i32
      %lt3A_80 = arith.cmpi slt, %add3A_78, %lt3A_79 : i32
      %convert_element_type3A_81 = arith.extui %lt3A_80 : i1 to i32
      %cond3A_82 = arith.constant 0 : i32
      %cond3A_83 = arith.cmpi ne, %convert_element_type3A_81, %cond3A_82 : i32
      scf.if %cond3A_83 {
        %dma_wait3A = arith.constant 0 : i32
        %dma_wait3A_103 = tpu.memref_slice %arg9[%mul3A_61, %dma_wait3A] : memref<40x128xi32, #tpu.memory_space<vmem>> -> memref<1x128xi32, #tpu.memory_space<vmem>>
        %dma_wait3A_104 = tpu.memref_squeeze %dma_wait3A_103 : memref<1x128xi32, #tpu.memory_space<vmem>> -> memref<128xi32, #tpu.memory_space<vmem>>
        %dma_wait3A_105 = arith.constant 0 : i32
        %dma_wait3A_106 = arith.constant 0 : i32
        %dma_wait3A_107 = tpu.memref_slice %arg2[%dma_wait3A_105, %dma_wait3A_106] : memref<10000x128xf32, #tpu.memory_space<hbm>> -> memref<10000x128xf32, #tpu.memory_space<hbm>>
        tpu.wait_indirect_dma semaphore(%arg13 : memref<!tpu.dma_semaphore, #tpu.memory_space<semaphore_mem>>) src(%dma_wait3A_107 : memref<10000x128xf32, #tpu.memory_space<hbm>>) dst(%arg11 : memref<128x128xf32, #tpu.memory_space<vmem>>)
        "tpu.region"() ({
          %run_scoped3A = tpu.sem_alloc : memref<!tpu.dma_semaphore, #tpu.memory_space<semaphore_mem>>
          %dma_start3A = arith.constant 0 : i32
          %dma_start3A_108 = tpu.memref_slice %arg10[%mul3A_61, %dma_start3A] : memref<40x128xi32, #tpu.memory_space<vmem>> -> memref<1x128xi32, #tpu.memory_space<vmem>>
          %dma_start3A_109 = tpu.memref_squeeze %dma_start3A_108 : memref<1x128xi32, #tpu.memory_space<vmem>> -> memref<128xi32, #tpu.memory_space<vmem>>
          %dma_start3A_110 = arith.constant 0 : i32
          %dma_start3A_111 = arith.constant 0 : i32
          %dma_start3A_112 = tpu.memref_slice %arg8[%dma_start3A_110, %dma_start3A_111] : memref<10000x128xf32, #tpu.memory_space<vmem_shared>> -> memref<10000x128xf32, #tpu.memory_space<vmem_shared>>
          tpu.enqueue_indirect_dma source(%arg11 : memref<128x128xf32, #tpu.memory_space<vmem>>) target(%dma_start3A_112 : memref<10000x128xf32, #tpu.memory_space<vmem_shared>>) offsets(%dma_start3A_109 : memref<128xi32, #tpu.memory_space<vmem>>) semaphore(%run_scoped3A : memref<!tpu.dma_semaphore, #tpu.memory_space<semaphore_mem>>) {add = true}
          %dma_wait3A_113 = arith.constant 0 : i32
          %dma_wait3A_114 = tpu.memref_slice %arg10[%mul3A_61, %dma_wait3A_113] : memref<40x128xi32, #tpu.memory_space<vmem>> -> memref<1x128xi32, #tpu.memory_space<vmem>>
          %dma_wait3A_115 = tpu.memref_squeeze %dma_wait3A_114 : memref<1x128xi32, #tpu.memory_space<vmem>> -> memref<128xi32, #tpu.memory_space<vmem>>
          %dma_wait3A_116 = arith.constant 0 : i32
          %dma_wait3A_117 = arith.constant 0 : i32
          %dma_wait3A_118 = tpu.memref_slice %arg8[%dma_wait3A_116, %dma_wait3A_117] : memref<10000x128xf32, #tpu.memory_space<vmem_shared>> -> memref<10000x128xf32, #tpu.memory_space<vmem_shared>>
          tpu.wait_indirect_dma semaphore(%run_scoped3A : memref<!tpu.dma_semaphore, #tpu.memory_space<semaphore_mem>>) src(%arg11 : memref<128x128xf32, #tpu.memory_space<vmem>>) dst(%dma_wait3A_118 : memref<10000x128xf32, #tpu.memory_space<vmem_shared>>)
          tpu.yield
        }) : () -> ()
      } else {
      }
      %add3A_84 = arith.constant 2 : i32
      %add3A_85 = arith.addi %mul3A_61, %add3A_84 : i32
      %lt3A_86 = arith.constant 40 : i32
      %lt3A_87 = arith.cmpi slt, %add3A_85, %lt3A_86 : i32
      %convert_element_type3A_88 = arith.extui %lt3A_87 : i1 to i32
      %cond3A_89 = arith.constant 0 : i32
      %cond3A_90 = arith.cmpi ne, %convert_element_type3A_88, %cond3A_89 : i32
      scf.if %cond3A_90 {
        %add3A_103 = arith.constant 2 : i32
        %add3A_104 = arith.addi %mul3A_61, %add3A_103 : i32
        %add3A_105 = arith.constant 0 : i32
        %add3A_106 = arith.addi %add3A_105, %add3A_104 : i32
        %mul3A_107 = arith.constant 32 : i32
        %mul3A_108 = arith.muli %add3A_106, %mul3A_107 : i32
        %add3A_109 = arith.addi %mul3A_108, %add3A : i32
        %lt3A_110 = arith.constant 2500 : i32
        %lt3A_111 = arith.cmpi slt, %add3A_109, %lt3A_110 : i32
        %convert_element_type3A_112 = arith.extui %lt3A_111 : i1 to i32
        %cond3A_113 = arith.constant 0 : i32
        %cond3A_114 = arith.cmpi ne, %convert_element_type3A_112, %cond3A_113 : i32
        scf.if %cond3A_114 {
          %dma_start3A = arith.constant 0 : i32
          %dma_start3A_115 = tpu.memref_slice %arg9[%add3A_104, %dma_start3A] : memref<40x128xi32, #tpu.memory_space<vmem>> -> memref<1x128xi32, #tpu.memory_space<vmem>>
          %dma_start3A_116 = tpu.memref_squeeze %dma_start3A_115 : memref<1x128xi32, #tpu.memory_space<vmem>> -> memref<128xi32, #tpu.memory_space<vmem>>
          %dma_start3A_117 = arith.constant 0 : i32
          %dma_start3A_118 = arith.constant 0 : i32
          %dma_start3A_119 = tpu.memref_slice %arg2[%dma_start3A_117, %dma_start3A_118] : memref<10000x128xf32, #tpu.memory_space<hbm>> -> memref<10000x128xf32, #tpu.memory_space<hbm>>
          tpu.enqueue_indirect_dma source(%dma_start3A_119 : memref<10000x128xf32, #tpu.memory_space<hbm>>) target(%arg11 : memref<128x128xf32, #tpu.memory_space<vmem>>) offsets(%dma_start3A_116 : memref<128xi32, #tpu.memory_space<vmem>>) semaphore(%arg13 : memref<!tpu.dma_semaphore, #tpu.memory_space<semaphore_mem>>)
        } else {
        }
      } else {
      }
      %add3A_91 = arith.constant 1 : i32
      %add3A_92 = arith.addi %mul3A_61, %add3A_91 : i32
      %add3A_93 = arith.constant 0 : i32
      %add3A_94 = arith.addi %add3A_93, %add3A_92 : i32
      %mul3A_95 = arith.constant 32 : i32
      %mul3A_96 = arith.muli %add3A_94, %mul3A_95 : i32
      %add3A_97 = arith.addi %mul3A_96, %add3A : i32
      %lt3A_98 = arith.constant 2500 : i32
      %lt3A_99 = arith.cmpi slt, %add3A_97, %lt3A_98 : i32
      %convert_element_type3A_100 = arith.extui %lt3A_99 : i1 to i32
      %cond3A_101 = arith.constant 0 : i32
      %cond3A_102 = arith.cmpi ne, %convert_element_type3A_100, %cond3A_101 : i32
      scf.if %cond3A_102 {
        %dma_wait3A = arith.constant 0 : i32
        %dma_wait3A_103 = tpu.memref_slice %arg9[%add3A_92, %dma_wait3A] : memref<40x128xi32, #tpu.memory_space<vmem>> -> memref<1x128xi32, #tpu.memory_space<vmem>>
        %dma_wait3A_104 = tpu.memref_squeeze %dma_wait3A_103 : memref<1x128xi32, #tpu.memory_space<vmem>> -> memref<128xi32, #tpu.memory_space<vmem>>
        %dma_wait3A_105 = arith.constant 0 : i32
        %dma_wait3A_106 = arith.constant 0 : i32
        %dma_wait3A_107 = tpu.memref_slice %arg2[%dma_wait3A_105, %dma_wait3A_106] : memref<10000x128xf32, #tpu.memory_space<hbm>> -> memref<10000x128xf32, #tpu.memory_space<hbm>>
        tpu.wait_indirect_dma semaphore(%arg14 : memref<!tpu.dma_semaphore, #tpu.memory_space<semaphore_mem>>) src(%dma_wait3A_107 : memref<10000x128xf32, #tpu.memory_space<hbm>>) dst(%arg12 : memref<128x128xf32, #tpu.memory_space<vmem>>)
        "tpu.region"() ({
          %run_scoped3A = tpu.sem_alloc : memref<!tpu.dma_semaphore, #tpu.memory_space<semaphore_mem>>
          %dma_start3A = arith.constant 0 : i32
          %dma_start3A_108 = tpu.memref_slice %arg10[%add3A_92, %dma_start3A] : memref<40x128xi32, #tpu.memory_space<vmem>> -> memref<1x128xi32, #tpu.memory_space<vmem>>
          %dma_start3A_109 = tpu.memref_squeeze %dma_start3A_108 : memref<1x128xi32, #tpu.memory_space<vmem>> -> memref<128xi32, #tpu.memory_space<vmem>>
          %dma_start3A_110 = arith.constant 0 : i32
          %dma_start3A_111 = arith.constant 0 : i32
          %dma_start3A_112 = tpu.memref_slice %arg8[%dma_start3A_110, %dma_start3A_111] : memref<10000x128xf32, #tpu.memory_space<vmem_shared>> -> memref<10000x128xf32, #tpu.memory_space<vmem_shared>>
          tpu.enqueue_indirect_dma source(%arg12 : memref<128x128xf32, #tpu.memory_space<vmem>>) target(%dma_start3A_112 : memref<10000x128xf32, #tpu.memory_space<vmem_shared>>) offsets(%dma_start3A_109 : memref<128xi32, #tpu.memory_space<vmem>>) semaphore(%run_scoped3A : memref<!tpu.dma_semaphore, #tpu.memory_space<semaphore_mem>>) {add = true}
          %dma_wait3A_113 = arith.constant 0 : i32
          %dma_wait3A_114 = tpu.memref_slice %arg10[%add3A_92, %dma_wait3A_113] : memref<40x128xi32, #tpu.memory_space<vmem>> -> memref<1x128xi32, #tpu.memory_space<vmem>>
          %dma_wait3A_115 = tpu.memref_squeeze %dma_wait3A_114 : memref<1x128xi32, #tpu.memory_space<vmem>> -> memref<128xi32, #tpu.memory_space<vmem>>
          %dma_wait3A_116 = arith.constant 0 : i32
          %dma_wait3A_117 = arith.constant 0 : i32
          %dma_wait3A_118 = tpu.memref_slice %arg8[%dma_wait3A_116, %dma_wait3A_117] : memref<10000x128xf32, #tpu.memory_space<vmem_shared>> -> memref<10000x128xf32, #tpu.memory_space<vmem_shared>>
          tpu.wait_indirect_dma semaphore(%run_scoped3A : memref<!tpu.dma_semaphore, #tpu.memory_space<semaphore_mem>>) src(%arg12 : memref<128x128xf32, #tpu.memory_space<vmem>>) dst(%dma_wait3A_118 : memref<10000x128xf32, #tpu.memory_space<vmem_shared>>)
          tpu.yield
        }) : () -> ()
      } else {
      }
    }
    %scan3A_26 = arith.constant 20 : i32
    %mul3A_27 = arith.constant 80 : i32
    %mul3A_28 = arith.muli %add3A, %mul3A_27 : i32
    %add3A_29 = arith.constant 40 : i32
    %add3A_30 = arith.addi %mul3A_28, %add3A_29 : i32
    "tpu.region"() ({
      %run_scoped3A = tpu.sem_alloc : memref<!tpu.dma_semaphore, #tpu.memory_space<semaphore_mem>>
      %dma_start3A = arith.constant 0 : i32
      %dma_start3A_59 = tpu.memref_slice %arg3[%add3A_30, %dma_start3A] : memref<2560x128xi32, #tpu.memory_space<hbm>> -> memref<40x128xi32, #tpu.memory_space<hbm>>
      %dma_start3A_60 = arith.constant 0 : i32
      %dma_start3A_61 = tpu.memref_slice %arg3[%add3A_30, %dma_start3A_60] : memref<2560x128xi32, #tpu.memory_space<hbm>> -> memref<40x128xi32, #tpu.memory_space<hbm>>
      tpu.enqueue_dma source(%dma_start3A_61 : memref<40x128xi32, #tpu.memory_space<hbm>>) target(%arg9 : memref<40x128xi32, #tpu.memory_space<vmem>>) target_semaphore(%run_scoped3A : memref<!tpu.dma_semaphore, #tpu.memory_space<semaphore_mem>>)
      %dma_wait3A = arith.constant 0 : i32
      %dma_wait3A_62 = tpu.memref_slice %arg3[%add3A_30, %dma_wait3A] : memref<2560x128xi32, #tpu.memory_space<hbm>> -> memref<40x128xi32, #tpu.memory_space<hbm>>
      %dma_wait3A_63 = arith.constant 0 : i32
      %dma_wait3A_64 = tpu.memref_slice %arg3[%add3A_30, %dma_wait3A_63] : memref<2560x128xi32, #tpu.memory_space<hbm>> -> memref<40x128xi32, #tpu.memory_space<hbm>>
      tpu.wait_dma2 semaphore(%run_scoped3A : memref<!tpu.dma_semaphore, #tpu.memory_space<semaphore_mem>>) src(%dma_wait3A_64 : memref<40x128xi32, #tpu.memory_space<hbm>>) dst(%arg9 : memref<40x128xi32, #tpu.memory_space<vmem>>)
      tpu.yield
    }) : () -> ()
    %mul3A_31 = arith.constant 80 : i32
    %mul3A_32 = arith.muli %add3A, %mul3A_31 : i32
    %add3A_33 = arith.constant 40 : i32
    %add3A_34 = arith.addi %mul3A_32, %add3A_33 : i32
    "tpu.region"() ({
      %run_scoped3A = tpu.sem_alloc : memref<!tpu.dma_semaphore, #tpu.memory_space<semaphore_mem>>
      %dma_start3A = arith.constant 0 : i32
      %dma_start3A_59 = tpu.memref_slice %arg4[%add3A_34, %dma_start3A] : memref<2560x128xi32, #tpu.memory_space<hbm>> -> memref<40x128xi32, #tpu.memory_space<hbm>>
      %dma_start3A_60 = arith.constant 0 : i32
      %dma_start3A_61 = tpu.memref_slice %arg4[%add3A_34, %dma_start3A_60] : memref<2560x128xi32, #tpu.memory_space<hbm>> -> memref<40x128xi32, #tpu.memory_space<hbm>>
      tpu.enqueue_dma source(%dma_start3A_61 : memref<40x128xi32, #tpu.memory_space<hbm>>) target(%arg10 : memref<40x128xi32, #tpu.memory_space<vmem>>) target_semaphore(%run_scoped3A : memref<!tpu.dma_semaphore, #tpu.memory_space<semaphore_mem>>)
      %dma_wait3A = arith.constant 0 : i32
      %dma_wait3A_62 = tpu.memref_slice %arg4[%add3A_34, %dma_wait3A] : memref<2560x128xi32, #tpu.memory_space<hbm>> -> memref<40x128xi32, #tpu.memory_space<hbm>>
      %dma_wait3A_63 = arith.constant 0 : i32
      %dma_wait3A_64 = tpu.memref_slice %arg4[%add3A_34, %dma_wait3A_63] : memref<2560x128xi32, #tpu.memory_space<hbm>> -> memref<40x128xi32, #tpu.memory_space<hbm>>
      tpu.wait_dma2 semaphore(%run_scoped3A : memref<!tpu.dma_semaphore, #tpu.memory_space<semaphore_mem>>) src(%dma_wait3A_64 : memref<40x128xi32, #tpu.memory_space<hbm>>) dst(%arg10 : memref<40x128xi32, #tpu.memory_space<vmem>>)
      tpu.yield
    }) : () -> ()
    %add3A_35 = arith.constant 1280 : i32
    %add3A_36 = arith.addi %add3A_35, %add3A : i32
    %lt3A_37 = arith.constant 2500 : i32
    %lt3A_38 = arith.cmpi slt, %add3A_36, %lt3A_37 : i32
    %convert_element_type3A_39 = arith.extui %lt3A_38 : i1 to i32
    %cond3A_40 = arith.constant 0 : i32
    %cond3A_41 = arith.cmpi ne, %convert_element_type3A_39, %cond3A_40 : i32
    scf.if %cond3A_41 {
      %dma_start3A = arith.constant 0 : i32
      %dma_start3A_59 = arith.constant 0 : i32
      %dma_start3A_60 = tpu.memref_slice %arg9[%dma_start3A, %dma_start3A_59] : memref<40x128xi32, #tpu.memory_space<vmem>> -> memref<1x128xi32, #tpu.memory_space<vmem>>
      %dma_start3A_61 = tpu.memref_squeeze %dma_start3A_60 : memref<1x128xi32, #tpu.memory_space<vmem>> -> memref<128xi32, #tpu.memory_space<vmem>>
      %dma_start3A_62 = arith.constant 0 : i32
      %dma_start3A_63 = arith.constant 0 : i32
      %dma_start3A_64 = tpu.memref_slice %arg2[%dma_start3A_62, %dma_start3A_63] : memref<10000x128xf32, #tpu.memory_space<hbm>> -> memref<10000x128xf32, #tpu.memory_space<hbm>>
      tpu.enqueue_indirect_dma source(%dma_start3A_64 : memref<10000x128xf32, #tpu.memory_space<hbm>>) target(%arg11 : memref<128x128xf32, #tpu.memory_space<vmem>>) offsets(%dma_start3A_61 : memref<128xi32, #tpu.memory_space<vmem>>) semaphore(%arg13 : memref<!tpu.dma_semaphore, #tpu.memory_space<semaphore_mem>>)
    } else {
    }
    %scan3A_42 = arith.constant 0 : i32
    %scan3A_43 = arith.constant 0 : i32
    %scan3A_44 = arith.constant 20 : i32
    %scan3A_45 = arith.addi %scan3A_43, %scan3A_44 : i32
    %scan3A_46 = arith.constant 1 : i32
    scf.for %scan3A_59 = %scan3A_43 to %scan3A_45 step %scan3A_46  : i32 {
      %mul3A_60 = arith.constant 2 : i32
      %mul3A_61 = arith.muli %scan3A_59, %mul3A_60 : i32
      %add3A_62 = arith.constant 1 : i32
      %add3A_63 = arith.addi %mul3A_61, %add3A_62 : i32
      %add3A_64 = arith.constant 40 : i32
      %add3A_65 = arith.addi %add3A_64, %add3A_63 : i32
      %mul3A_66 = arith.constant 32 : i32
      %mul3A_67 = arith.muli %add3A_65, %mul3A_66 : i32
      %add3A_68 = arith.addi %mul3A_67, %add3A : i32
      %lt3A_69 = arith.constant 2500 : i32
      %lt3A_70 = arith.cmpi slt, %add3A_68, %lt3A_69 : i32
      %convert_element_type3A_71 = arith.extui %lt3A_70 : i1 to i32
      %cond3A_72 = arith.constant 0 : i32
      %cond3A_73 = arith.cmpi ne, %convert_element_type3A_71, %cond3A_72 : i32
      scf.if %cond3A_73 {
        %dma_start3A = arith.constant 0 : i32
        %dma_start3A_103 = tpu.memref_slice %arg9[%add3A_63, %dma_start3A] : memref<40x128xi32, #tpu.memory_space<vmem>> -> memref<1x128xi32, #tpu.memory_space<vmem>>
        %dma_start3A_104 = tpu.memref_squeeze %dma_start3A_103 : memref<1x128xi32, #tpu.memory_space<vmem>> -> memref<128xi32, #tpu.memory_space<vmem>>
        %dma_start3A_105 = arith.constant 0 : i32
        %dma_start3A_106 = arith.constant 0 : i32
        %dma_start3A_107 = tpu.memref_slice %arg2[%dma_start3A_105, %dma_start3A_106] : memref<10000x128xf32, #tpu.memory_space<hbm>> -> memref<10000x128xf32, #tpu.memory_space<hbm>>
        tpu.enqueue_indirect_dma source(%dma_start3A_107 : memref<10000x128xf32, #tpu.memory_space<hbm>>) target(%arg12 : memref<128x128xf32, #tpu.memory_space<vmem>>) offsets(%dma_start3A_104 : memref<128xi32, #tpu.memory_space<vmem>>) semaphore(%arg14 : memref<!tpu.dma_semaphore, #tpu.memory_space<semaphore_mem>>)
      } else {
      }
      %add3A_74 = arith.constant 40 : i32
      %add3A_75 = arith.addi %add3A_74, %mul3A_61 : i32
      %mul3A_76 = arith.constant 32 : i32
      %mul3A_77 = arith.muli %add3A_75, %mul3A_76 : i32
      %add3A_78 = arith.addi %mul3A_77, %add3A : i32
      %lt3A_79 = arith.constant 2500 : i32
      %lt3A_80 = arith.cmpi slt, %add3A_78, %lt3A_79 : i32
      %convert_element_type3A_81 = arith.extui %lt3A_80 : i1 to i32
      %cond3A_82 = arith.constant 0 : i32
      %cond3A_83 = arith.cmpi ne, %convert_element_type3A_81, %cond3A_82 : i32
      scf.if %cond3A_83 {
        %dma_wait3A = arith.constant 0 : i32
        %dma_wait3A_103 = tpu.memref_slice %arg9[%mul3A_61, %dma_wait3A] : memref<40x128xi32, #tpu.memory_space<vmem>> -> memref<1x128xi32, #tpu.memory_space<vmem>>
        %dma_wait3A_104 = tpu.memref_squeeze %dma_wait3A_103 : memref<1x128xi32, #tpu.memory_space<vmem>> -> memref<128xi32, #tpu.memory_space<vmem>>
        %dma_wait3A_105 = arith.constant 0 : i32
        %dma_wait3A_106 = arith.constant 0 : i32
        %dma_wait3A_107 = tpu.memref_slice %arg2[%dma_wait3A_105, %dma_wait3A_106] : memref<10000x128xf32, #tpu.memory_space<hbm>> -> memref<10000x128xf32, #tpu.memory_space<hbm>>
        tpu.wait_indirect_dma semaphore(%arg13 : memref<!tpu.dma_semaphore, #tpu.memory_space<semaphore_mem>>) src(%dma_wait3A_107 : memref<10000x128xf32, #tpu.memory_space<hbm>>) dst(%arg11 : memref<128x128xf32, #tpu.memory_space<vmem>>)
        "tpu.region"() ({
          %run_scoped3A = tpu.sem_alloc : memref<!tpu.dma_semaphore, #tpu.memory_space<semaphore_mem>>
          %dma_start3A = arith.constant 0 : i32
          %dma_start3A_108 = tpu.memref_slice %arg10[%mul3A_61, %dma_start3A] : memref<40x128xi32, #tpu.memory_space<vmem>> -> memref<1x128xi32, #tpu.memory_space<vmem>>
          %dma_start3A_109 = tpu.memref_squeeze %dma_start3A_108 : memref<1x128xi32, #tpu.memory_space<vmem>> -> memref<128xi32, #tpu.memory_space<vmem>>
          %dma_start3A_110 = arith.constant 0 : i32
          %dma_start3A_111 = arith.constant 0 : i32
          %dma_start3A_112 = tpu.memref_slice %arg8[%dma_start3A_110, %dma_start3A_111] : memref<10000x128xf32, #tpu.memory_space<vmem_shared>> -> memref<10000x128xf32, #tpu.memory_space<vmem_shared>>
          tpu.enqueue_indirect_dma source(%arg11 : memref<128x128xf32, #tpu.memory_space<vmem>>) target(%dma_start3A_112 : memref<10000x128xf32, #tpu.memory_space<vmem_shared>>) offsets(%dma_start3A_109 : memref<128xi32, #tpu.memory_space<vmem>>) semaphore(%run_scoped3A : memref<!tpu.dma_semaphore, #tpu.memory_space<semaphore_mem>>) {add = true}
          %dma_wait3A_113 = arith.constant 0 : i32
          %dma_wait3A_114 = tpu.memref_slice %arg10[%mul3A_61, %dma_wait3A_113] : memref<40x128xi32, #tpu.memory_space<vmem>> -> memref<1x128xi32, #tpu.memory_space<vmem>>
          %dma_wait3A_115 = tpu.memref_squeeze %dma_wait3A_114 : memref<1x128xi32, #tpu.memory_space<vmem>> -> memref<128xi32, #tpu.memory_space<vmem>>
          %dma_wait3A_116 = arith.constant 0 : i32
          %dma_wait3A_117 = arith.constant 0 : i32
          %dma_wait3A_118 = tpu.memref_slice %arg8[%dma_wait3A_116, %dma_wait3A_117] : memref<10000x128xf32, #tpu.memory_space<vmem_shared>> -> memref<10000x128xf32, #tpu.memory_space<vmem_shared>>
          tpu.wait_indirect_dma semaphore(%run_scoped3A : memref<!tpu.dma_semaphore, #tpu.memory_space<semaphore_mem>>) src(%arg11 : memref<128x128xf32, #tpu.memory_space<vmem>>) dst(%dma_wait3A_118 : memref<10000x128xf32, #tpu.memory_space<vmem_shared>>)
          tpu.yield
        }) : () -> ()
      } else {
      }
      %add3A_84 = arith.constant 2 : i32
      %add3A_85 = arith.addi %mul3A_61, %add3A_84 : i32
      %lt3A_86 = arith.constant 40 : i32
      %lt3A_87 = arith.cmpi slt, %add3A_85, %lt3A_86 : i32
      %convert_element_type3A_88 = arith.extui %lt3A_87 : i1 to i32
      %cond3A_89 = arith.constant 0 : i32
      %cond3A_90 = arith.cmpi ne, %convert_element_type3A_88, %cond3A_89 : i32
      scf.if %cond3A_90 {
        %add3A_103 = arith.constant 2 : i32
        %add3A_104 = arith.addi %mul3A_61, %add3A_103 : i32
        %add3A_105 = arith.constant 40 : i32
        %add3A_106 = arith.addi %add3A_105, %add3A_104 : i32
        %mul3A_107 = arith.constant 32 : i32
        %mul3A_108 = arith.muli %add3A_106, %mul3A_107 : i32
        %add3A_109 = arith.addi %mul3A_108, %add3A : i32
        %lt3A_110 = arith.constant 2500 : i32
        %lt3A_111 = arith.cmpi slt, %add3A_109, %lt3A_110 : i32
        %convert_element_type3A_112 = arith.extui %lt3A_111 : i1 to i32
        %cond3A_113 = arith.constant 0 : i32
        %cond3A_114 = arith.cmpi ne, %convert_element_type3A_112, %cond3A_113 : i32
        scf.if %cond3A_114 {
          %dma_start3A = arith.constant 0 : i32
          %dma_start3A_115 = tpu.memref_slice %arg9[%add3A_104, %dma_start3A] : memref<40x128xi32, #tpu.memory_space<vmem>> -> memref<1x128xi32, #tpu.memory_space<vmem>>
          %dma_start3A_116 = tpu.memref_squeeze %dma_start3A_115 : memref<1x128xi32, #tpu.memory_space<vmem>> -> memref<128xi32, #tpu.memory_space<vmem>>
          %dma_start3A_117 = arith.constant 0 : i32
          %dma_start3A_118 = arith.constant 0 : i32
          %dma_start3A_119 = tpu.memref_slice %arg2[%dma_start3A_117, %dma_start3A_118] : memref<10000x128xf32, #tpu.memory_space<hbm>> -> memref<10000x128xf32, #tpu.memory_space<hbm>>
          tpu.enqueue_indirect_dma source(%dma_start3A_119 : memref<10000x128xf32, #tpu.memory_space<hbm>>) target(%arg11 : memref<128x128xf32, #tpu.memory_space<vmem>>) offsets(%dma_start3A_116 : memref<128xi32, #tpu.memory_space<vmem>>) semaphore(%arg13 : memref<!tpu.dma_semaphore, #tpu.memory_space<semaphore_mem>>)
        } else {
        }
      } else {
      }
      %add3A_91 = arith.constant 1 : i32
      %add3A_92 = arith.addi %mul3A_61, %add3A_91 : i32
      %add3A_93 = arith.constant 40 : i32
      %add3A_94 = arith.addi %add3A_93, %add3A_92 : i32
      %mul3A_95 = arith.constant 32 : i32
      %mul3A_96 = arith.muli %add3A_94, %mul3A_95 : i32
      %add3A_97 = arith.addi %mul3A_96, %add3A : i32
      %lt3A_98 = arith.constant 2500 : i32
      %lt3A_99 = arith.cmpi slt, %add3A_97, %lt3A_98 : i32
      %convert_element_type3A_100 = arith.extui %lt3A_99 : i1 to i32
      %cond3A_101 = arith.constant 0 : i32
      %cond3A_102 = arith.cmpi ne, %convert_element_type3A_100, %cond3A_101 : i32
      scf.if %cond3A_102 {
        %dma_wait3A = arith.constant 0 : i32
        %dma_wait3A_103 = tpu.memref_slice %arg9[%add3A_92, %dma_wait3A] : memref<40x128xi32, #tpu.memory_space<vmem>> -> memref<1x128xi32, #tpu.memory_space<vmem>>
        %dma_wait3A_104 = tpu.memref_squeeze %dma_wait3A_103 : memref<1x128xi32, #tpu.memory_space<vmem>> -> memref<128xi32, #tpu.memory_space<vmem>>
        %dma_wait3A_105 = arith.constant 0 : i32
        %dma_wait3A_106 = arith.constant 0 : i32
        %dma_wait3A_107 = tpu.memref_slice %arg2[%dma_wait3A_105, %dma_wait3A_106] : memref<10000x128xf32, #tpu.memory_space<hbm>> -> memref<10000x128xf32, #tpu.memory_space<hbm>>
        tpu.wait_indirect_dma semaphore(%arg14 : memref<!tpu.dma_semaphore, #tpu.memory_space<semaphore_mem>>) src(%dma_wait3A_107 : memref<10000x128xf32, #tpu.memory_space<hbm>>) dst(%arg12 : memref<128x128xf32, #tpu.memory_space<vmem>>)
        "tpu.region"() ({
          %run_scoped3A = tpu.sem_alloc : memref<!tpu.dma_semaphore, #tpu.memory_space<semaphore_mem>>
          %dma_start3A = arith.constant 0 : i32
          %dma_start3A_108 = tpu.memref_slice %arg10[%add3A_92, %dma_start3A] : memref<40x128xi32, #tpu.memory_space<vmem>> -> memref<1x128xi32, #tpu.memory_space<vmem>>
          %dma_start3A_109 = tpu.memref_squeeze %dma_start3A_108 : memref<1x128xi32, #tpu.memory_space<vmem>> -> memref<128xi32, #tpu.memory_space<vmem>>
          %dma_start3A_110 = arith.constant 0 : i32
          %dma_start3A_111 = arith.constant 0 : i32
          %dma_start3A_112 = tpu.memref_slice %arg8[%dma_start3A_110, %dma_start3A_111] : memref<10000x128xf32, #tpu.memory_space<vmem_shared>> -> memref<10000x128xf32, #tpu.memory_space<vmem_shared>>
          tpu.enqueue_indirect_dma source(%arg12 : memref<128x128xf32, #tpu.memory_space<vmem>>) target(%dma_start3A_112 : memref<10000x128xf32, #tpu.memory_space<vmem_shared>>) offsets(%dma_start3A_109 : memref<128xi32, #tpu.memory_space<vmem>>) semaphore(%run_scoped3A : memref<!tpu.dma_semaphore, #tpu.memory_space<semaphore_mem>>) {add = true}
          %dma_wait3A_113 = arith.constant 0 : i32
          %dma_wait3A_114 = tpu.memref_slice %arg10[%add3A_92, %dma_wait3A_113] : memref<40x128xi32, #tpu.memory_space<vmem>> -> memref<1x128xi32, #tpu.memory_space<vmem>>
          %dma_wait3A_115 = tpu.memref_squeeze %dma_wait3A_114 : memref<1x128xi32, #tpu.memory_space<vmem>> -> memref<128xi32, #tpu.memory_space<vmem>>
          %dma_wait3A_116 = arith.constant 0 : i32
          %dma_wait3A_117 = arith.constant 0 : i32
          %dma_wait3A_118 = tpu.memref_slice %arg8[%dma_wait3A_116, %dma_wait3A_117] : memref<10000x128xf32, #tpu.memory_space<vmem_shared>> -> memref<10000x128xf32, #tpu.memory_space<vmem_shared>>
          tpu.wait_indirect_dma semaphore(%run_scoped3A : memref<!tpu.dma_semaphore, #tpu.memory_space<semaphore_mem>>) src(%arg12 : memref<128x128xf32, #tpu.memory_space<vmem>>) dst(%dma_wait3A_118 : memref<10000x128xf32, #tpu.memory_space<vmem_shared>>)
          tpu.yield
        }) : () -> ()
      } else {
      }
    }
    %scan3A_47 = arith.constant 20 : i32
    %barrier3A_48 = arith.constant 0 : index
    tpu.barrier barrier_id(%barrier3A_48)
    %lt3A_49 = arith.constant 15 : i32
    %lt3A_50 = arith.cmpi slt, %arg1, %lt3A_49 : i32
    %convert_element_type3A_51 = arith.extui %lt3A_50 : i1 to i32
    %cond3A_52 = arith.constant 0 : i32
    %cond3A_53 = arith.cmpi ne, %convert_element_type3A_51, %cond3A_52 : i32
    scf.if %cond3A_53 {
      %mul3A_59 = arith.constant 624 : i32
      %mul3A_60 = arith.muli %arg1, %mul3A_59 : i32
      %eq3A_61 = arith.constant 0 : i32
      %eq3A_62 = arith.cmpi eq, %arg0, %eq3A_61 : i32
      %convert_element_type3A_63 = arith.extui %eq3A_62 : i1 to i32
      %cond3A_64 = arith.constant 0 : i32
      %cond3A_65 = arith.cmpi ne, %convert_element_type3A_63, %cond3A_64 : i32
      scf.if %cond3A_65 {
        "tpu.region"() ({
          %run_scoped3A = tpu.sem_alloc : memref<!tpu.dma_semaphore, #tpu.memory_space<semaphore_mem>>
          %dma_start3A = arith.constant 0 : i32
          %dma_start3A_71 = tpu.memref_slice %arg6[%mul3A_60, %dma_start3A] : memref<10000x128xf32, #tpu.memory_space<hbm>> -> memref<624x128xf32, #tpu.memory_space<hbm>>
          %dma_start3A_72 = arith.constant 0 : i32
          %dma_start3A_73 = tpu.memref_slice %arg8[%mul3A_60, %dma_start3A_72] : memref<10000x128xf32, #tpu.memory_space<vmem_shared>> -> memref<624x128xf32, #tpu.memory_space<vmem_shared>>
          tpu.enqueue_dma source(%dma_start3A_73 : memref<624x128xf32, #tpu.memory_space<vmem_shared>>) target(%dma_start3A_71 : memref<624x128xf32, #tpu.memory_space<hbm>>) target_semaphore(%run_scoped3A : memref<!tpu.dma_semaphore, #tpu.memory_space<semaphore_mem>>)
          %dma_wait3A = arith.constant 0 : i32
          %dma_wait3A_74 = tpu.memref_slice %arg6[%mul3A_60, %dma_wait3A] : memref<10000x128xf32, #tpu.memory_space<hbm>> -> memref<624x128xf32, #tpu.memory_space<hbm>>
          %dma_wait3A_75 = arith.constant 0 : i32
          %dma_wait3A_76 = tpu.memref_slice %arg8[%mul3A_60, %dma_wait3A_75] : memref<10000x128xf32, #tpu.memory_space<vmem_shared>> -> memref<624x128xf32, #tpu.memory_space<vmem_shared>>
          tpu.wait_dma2 semaphore(%run_scoped3A : memref<!tpu.dma_semaphore, #tpu.memory_space<semaphore_mem>>) src(%dma_wait3A_76 : memref<624x128xf32, #tpu.memory_space<vmem_shared>>) dst(%dma_wait3A_74 : memref<624x128xf32, #tpu.memory_space<hbm>>)
          tpu.yield
        }) : () -> ()
      } else {
      }
      %eq3A_66 = arith.constant 1 : i32
      %eq3A_67 = arith.cmpi eq, %arg0, %eq3A_66 : i32
      %convert_element_type3A_68 = arith.extui %eq3A_67 : i1 to i32
      %cond3A_69 = arith.constant 0 : i32
      %cond3A_70 = arith.cmpi ne, %convert_element_type3A_68, %cond3A_69 : i32
      scf.if %cond3A_70 {
        "tpu.region"() ({
          %run_scoped3A = tpu.sem_alloc : memref<!tpu.dma_semaphore, #tpu.memory_space<semaphore_mem>>
          %dma_start3A = arith.constant 0 : i32
          %dma_start3A_71 = tpu.memref_slice %arg7[%mul3A_60, %dma_start3A] : memref<10000x128xf32, #tpu.memory_space<hbm>> -> memref<624x128xf32, #tpu.memory_space<hbm>>
          %dma_start3A_72 = arith.constant 0 : i32
          %dma_start3A_73 = tpu.memref_slice %arg8[%mul3A_60, %dma_start3A_72] : memref<10000x128xf32, #tpu.memory_space<vmem_shared>> -> memref<624x128xf32, #tpu.memory_space<vmem_shared>>
          tpu.enqueue_dma source(%dma_start3A_73 : memref<624x128xf32, #tpu.memory_space<vmem_shared>>) target(%dma_start3A_71 : memref<624x128xf32, #tpu.memory_space<hbm>>) target_semaphore(%run_scoped3A : memref<!tpu.dma_semaphore, #tpu.memory_space<semaphore_mem>>)
          %dma_wait3A = arith.constant 0 : i32
          %dma_wait3A_74 = tpu.memref_slice %arg7[%mul3A_60, %dma_wait3A] : memref<10000x128xf32, #tpu.memory_space<hbm>> -> memref<624x128xf32, #tpu.memory_space<hbm>>
          %dma_wait3A_75 = arith.constant 0 : i32
          %dma_wait3A_76 = tpu.memref_slice %arg8[%mul3A_60, %dma_wait3A_75] : memref<10000x128xf32, #tpu.memory_space<vmem_shared>> -> memref<624x128xf32, #tpu.memory_space<vmem_shared>>
          tpu.wait_dma2 semaphore(%run_scoped3A : memref<!tpu.dma_semaphore, #tpu.memory_space<semaphore_mem>>) src(%dma_wait3A_76 : memref<624x128xf32, #tpu.memory_space<vmem_shared>>) dst(%dma_wait3A_74 : memref<624x128xf32, #tpu.memory_space<hbm>>)
          tpu.yield
        }) : () -> ()
      } else {
      }
    } else {
    }
    %eq3A_54 = arith.constant 15 : i32
    %eq3A_55 = arith.cmpi eq, %arg1, %eq3A_54 : i32
    %convert_element_type3A_56 = arith.extui %eq3A_55 : i1 to i32
    %cond3A_57 = arith.constant 0 : i32
    %cond3A_58 = arith.cmpi ne, %convert_element_type3A_56, %cond3A_57 : i32
    scf.if %cond3A_58 {
      %eq3A_59 = arith.constant 0 : i32
      %eq3A_60 = arith.cmpi eq, %arg0, %eq3A_59 : i32
      %convert_element_type3A_61 = arith.extui %eq3A_60 : i1 to i32
      %cond3A_62 = arith.constant 0 : i32
      %cond3A_63 = arith.cmpi ne, %convert_element_type3A_61, %cond3A_62 : i32
      scf.if %cond3A_63 {
        "tpu.region"() ({
          %run_scoped3A = tpu.sem_alloc : memref<!tpu.dma_semaphore, #tpu.memory_space<semaphore_mem>>
          %dma_start3A = arith.constant 9360 : i32
          %dma_start3A_69 = arith.constant 0 : i32
          %dma_start3A_70 = tpu.memref_slice %arg6[%dma_start3A, %dma_start3A_69] : memref<10000x128xf32, #tpu.memory_space<hbm>> -> memref<640x128xf32, #tpu.memory_space<hbm>>
          %dma_start3A_71 = arith.constant 9360 : i32
          %dma_start3A_72 = arith.constant 0 : i32
          %dma_start3A_73 = tpu.memref_slice %arg8[%dma_start3A_71, %dma_start3A_72] : memref<10000x128xf32, #tpu.memory_space<vmem_shared>> -> memref<640x128xf32, #tpu.memory_space<vmem_shared>>
          tpu.enqueue_dma source(%dma_start3A_73 : memref<640x128xf32, #tpu.memory_space<vmem_shared>>) target(%dma_start3A_70 : memref<640x128xf32, #tpu.memory_space<hbm>>) target_semaphore(%run_scoped3A : memref<!tpu.dma_semaphore, #tpu.memory_space<semaphore_mem>>)
          %dma_wait3A = arith.constant 9360 : i32
          %dma_wait3A_74 = arith.constant 0 : i32
          %dma_wait3A_75 = tpu.memref_slice %arg6[%dma_wait3A, %dma_wait3A_74] : memref<10000x128xf32, #tpu.memory_space<hbm>> -> memref<640x128xf32, #tpu.memory_space<hbm>>
          %dma_wait3A_76 = arith.constant 9360 : i32
          %dma_wait3A_77 = arith.constant 0 : i32
          %dma_wait3A_78 = tpu.memref_slice %arg8[%dma_wait3A_76, %dma_wait3A_77] : memref<10000x128xf32, #tpu.memory_space<vmem_shared>> -> memref<640x128xf32, #tpu.memory_space<vmem_shared>>
          tpu.wait_dma2 semaphore(%run_scoped3A : memref<!tpu.dma_semaphore, #tpu.memory_space<semaphore_mem>>) src(%dma_wait3A_78 : memref<640x128xf32, #tpu.memory_space<vmem_shared>>) dst(%dma_wait3A_75 : memref<640x128xf32, #tpu.memory_space<hbm>>)
          tpu.yield
        }) : () -> ()
      } else {
      }
      %eq3A_64 = arith.constant 1 : i32
      %eq3A_65 = arith.cmpi eq, %arg0, %eq3A_64 : i32
      %convert_element_type3A_66 = arith.extui %eq3A_65 : i1 to i32
      %cond3A_67 = arith.constant 0 : i32
      %cond3A_68 = arith.cmpi ne, %convert_element_type3A_66, %cond3A_67 : i32
      scf.if %cond3A_68 {
        "tpu.region"() ({
          %run_scoped3A = tpu.sem_alloc : memref<!tpu.dma_semaphore, #tpu.memory_space<semaphore_mem>>
          %dma_start3A = arith.constant 9360 : i32
          %dma_start3A_69 = arith.constant 0 : i32
          %dma_start3A_70 = tpu.memref_slice %arg7[%dma_start3A, %dma_start3A_69] : memref<10000x128xf32, #tpu.memory_space<hbm>> -> memref<640x128xf32, #tpu.memory_space<hbm>>
          %dma_start3A_71 = arith.constant 9360 : i32
          %dma_start3A_72 = arith.constant 0 : i32
          %dma_start3A_73 = tpu.memref_slice %arg8[%dma_start3A_71, %dma_start3A_72] : memref<10000x128xf32, #tpu.memory_space<vmem_shared>> -> memref<640x128xf32, #tpu.memory_space<vmem_shared>>
          tpu.enqueue_dma source(%dma_start3A_73 : memref<640x128xf32, #tpu.memory_space<vmem_shared>>) target(%dma_start3A_70 : memref<640x128xf32, #tpu.memory_space<hbm>>) target_semaphore(%run_scoped3A : memref<!tpu.dma_semaphore, #tpu.memory_space<semaphore_mem>>)
          %dma_wait3A = arith.constant 9360 : i32
          %dma_wait3A_74 = arith.constant 0 : i32
          %dma_wait3A_75 = tpu.memref_slice %arg7[%dma_wait3A, %dma_wait3A_74] : memref<10000x128xf32, #tpu.memory_space<hbm>> -> memref<640x128xf32, #tpu.memory_space<hbm>>
          %dma_wait3A_76 = arith.constant 9360 : i32
          %dma_wait3A_77 = arith.constant 0 : i32
          %dma_wait3A_78 = tpu.memref_slice %arg8[%dma_wait3A_76, %dma_wait3A_77] : memref<10000x128xf32, #tpu.memory_space<vmem_shared>> -> memref<640x128xf32, #tpu.memory_space<vmem_shared>>
          tpu.wait_dma2 semaphore(%run_scoped3A : memref<!tpu.dma_semaphore, #tpu.memory_space<semaphore_mem>>) src(%dma_wait3A_78 : memref<640x128xf32, #tpu.memory_space<vmem_shared>>) dst(%dma_wait3A_75 : memref<640x128xf32, #tpu.memory_space<hbm>>)
          tpu.yield
        }) : () -> ()
      } else {
      }
    } else {
    }
    return
  }
}

module attributes {stable_mosaic.version = 14 : i64} {
  func.func @_prep_body(%arg0: memref<10000x128xf32, #tpu.memory_space<vmem>>, %arg1: memref<10000x2xf32, #tpu.memory_space<vmem>>, %arg2: memref<10000x2xf32, #tpu.memory_space<vmem>>, %arg3: memref<10000x128xf32, #tpu.memory_space<vmem>>, %arg4: memref<10000x1xf32, #tpu.memory_space<vmem>>, %arg5: memref<10000x1xf32, #tpu.memory_space<vmem>>) attributes {dimension_semantics = [], scalar_prefetch = 0 : i64, scratch_operands = 0 : i64, tpu.core_type = #tpu.core_type<tc>} {
    %get3A = arith.constant 0 : index
    %get3A_0 = arith.constant 0 : index
    %get3A_1 = vector.load %arg1[%get3A, %get3A_0] : memref<10000x2xf32, #tpu.memory_space<vmem>>, vector<10000x2xf32>
    %reduce_sum3A = arith.constant dense<0.000000e+00> : vector<10000xf32>
    %reduce_sum3A_2 = vector.multi_reduction <add>, %get3A_1, %reduce_sum3A [1] : vector<10000x2xf32> to vector<10000xf32>
    %broadcast_in_dim3A = vector.shape_cast %reduce_sum3A_2 : vector<10000xf32> to vector<10000x1xf32>
    %max3A = arith.constant 1.000000e+00 : f32
    %max3A_3 = vector.broadcast %max3A : f32 to vector<10000x1xf32>
    %max3A_4 = arith.maximumf %broadcast_in_dim3A, %max3A_3 : vector<10000x1xf32>
    %get3A_5 = arith.constant 0 : index
    %get3A_6 = arith.constant 0 : index
    %get3A_7 = vector.load %arg2[%get3A_5, %get3A_6] : memref<10000x2xf32, #tpu.memory_space<vmem>>, vector<10000x2xf32>
    %reduce_sum3A_8 = arith.constant dense<0.000000e+00> : vector<10000xf32>
    %reduce_sum3A_9 = vector.multi_reduction <add>, %get3A_7, %reduce_sum3A_8 [1] : vector<10000x2xf32> to vector<10000xf32>
    %broadcast_in_dim3A_10 = vector.shape_cast %reduce_sum3A_9 : vector<10000xf32> to vector<10000x1xf32>
    %max3A_11 = arith.constant 1.000000e+00 : f32
    %max3A_12 = vector.broadcast %max3A_11 : f32 to vector<10000x1xf32>
    %max3A_13 = arith.maximumf %broadcast_in_dim3A_10, %max3A_12 : vector<10000x1xf32>
    %rsqrt3A = math.rsqrt %max3A_4 : vector<10000x1xf32>
    %swap3A = arith.constant 0 : index
    %swap3A_14 = arith.constant 0 : index
    %swap3A_15 = vector.load %arg4[%swap3A, %swap3A_14] : memref<10000x1xf32, #tpu.memory_space<vmem>>, vector<10000x1xf32>
    tpu.vector_store %arg4[%swap3A, %swap3A_14], %rsqrt3A {strides = array<i32>} : memref<10000x1xf32, #tpu.memory_space<vmem>>, vector<10000x1xf32>,
    %div3A = arith.constant 1.000000e+00 : f32
    %div3A_16 = vector.broadcast %div3A : f32 to vector<10000x1xf32>
    %div3A_17 = arith.divf %div3A_16, %max3A_4 : vector<10000x1xf32>
    %swap3A_18 = arith.constant 0 : index
    %swap3A_19 = arith.constant 0 : index
    %swap3A_20 = vector.load %arg5[%swap3A_18, %swap3A_19] : memref<10000x1xf32, #tpu.memory_space<vmem>>, vector<10000x1xf32>
    tpu.vector_store %arg5[%swap3A_18, %swap3A_19], %div3A_17 {strides = array<i32>} : memref<10000x1xf32, #tpu.memory_space<vmem>>, vector<10000x1xf32>,
    %get3A_21 = arith.constant 0 : index
    %get3A_22 = arith.constant 0 : index
    %get3A_23 = vector.load %arg0[%get3A_21, %get3A_22] : memref<10000x128xf32, #tpu.memory_space<vmem>>, vector<10000x128xf32>
    %rsqrt3A_24 = math.rsqrt %max3A_13 : vector<10000x1xf32>
    %mul3A = vector.broadcast %rsqrt3A_24 : vector<10000x1xf32> to vector<10000x128xf32>
    %mul3A_25 = arith.mulf %get3A_23, %mul3A : vector<10000x128xf32>
    %swap3A_26 = arith.constant 0 : index
    %swap3A_27 = arith.constant 0 : index
    %swap3A_28 = vector.load %arg3[%swap3A_26, %swap3A_27] : memref<10000x128xf32, #tpu.memory_space<vmem>>, vector<10000x128xf32>
    tpu.vector_store %arg3[%swap3A_26, %swap3A_27], %mul3A_25 {strides = array<i32>} : memref<10000x128xf32, #tpu.memory_space<vmem>>, vector<10000x128xf32>,
    return
  }
}

module attributes {stable_mosaic.version = 14 : i64} {
  func.func @_base_body(%arg0: i32, %arg1: memref<4xf32, #tpu.memory_space<smem>>, %arg2: memref<1000x128xf32, #tpu.memory_space<vmem>>, %arg3: memref<1000x128xf32, #tpu.memory_space<vmem>>, %arg4: memref<128x128xf32, #tpu.memory_space<vmem>>, %arg5: memref<128x128xf32, #tpu.memory_space<vmem>>, %arg6: memref<1000x128xf32, #tpu.memory_space<vmem>>) attributes {dimension_semantics = [#tpu.dimension_semantics<arbitrary>], iteration_bounds = array<i64: 10>, scalar_prefetch = 0 : i64, scratch_operands = 0 : i64, tpu.core_type = #tpu.core_type<tc>, window_params = [{transform_indices = @transform_0, window_bounds = array<i64: 4>}, {transform_indices = @transform_1, window_bounds = array<i64: 1000, 128>}, {transform_indices = @transform_2, window_bounds = array<i64: 1000, 128>}, {pipeline_mode = #tpu.pipeline_mode<synchronous>, transform_indices = @transform_3, window_bounds = array<i64: 128, 128>}, {pipeline_mode = #tpu.pipeline_mode<synchronous>, transform_indices = @transform_4, window_bounds = array<i64: 128, 128>}, {transform_indices = @transform_5, window_bounds = array<i64: 1000, 128>}]} {
    %get3A = arith.constant 1 : index
    %get3A_0 = memref.load %arg1[%get3A] : memref<4xf32, #tpu.memory_space<smem>>
    %get3A_1 = arith.constant 2 : index
    %get3A_2 = memref.load %arg1[%get3A_1] : memref<4xf32, #tpu.memory_space<smem>>
    %get3A_3 = arith.constant 3 : index
    %get3A_4 = memref.load %arg1[%get3A_3] : memref<4xf32, #tpu.memory_space<smem>>
    %get3A_5 = arith.constant 0 : index
    %get3A_6 = arith.constant 0 : index
    %get3A_7 = vector.load %arg4[%get3A_5, %get3A_6] : memref<128x128xf32, #tpu.memory_space<vmem>>, vector<128x128xf32>
    %mul3A = vector.broadcast %get3A_0 : f32 to vector<128x128xf32>
    %mul3A_8 = arith.mulf %get3A_7, %mul3A : vector<128x128xf32>
    %get3A_9 = arith.constant 0 : index
    %get3A_10 = arith.constant 0 : index
    %get3A_11 = vector.load %arg5[%get3A_9, %get3A_10] : memref<128x128xf32, #tpu.memory_space<vmem>>, vector<128x128xf32>
    %mul3A_12 = vector.broadcast %get3A_2 : f32 to vector<128x128xf32>
    %mul3A_13 = arith.mulf %get3A_11, %mul3A_12 : vector<128x128xf32>
    %add3A = arith.addf %mul3A_8, %mul3A_13 : vector<128x128xf32>
    %get3A_14 = arith.constant 0 : index
    %get3A_15 = arith.constant 0 : index
    %get3A_16 = vector.load %arg2[%get3A_14, %get3A_15] : memref<1000x128xf32, #tpu.memory_space<vmem>>, vector<1000x128xf32>
    %dot_general3A = arith.constant dense<0.000000e+00> : vector<1000x128xf32>
    %dot_general3A_17 = tpu.matmul %get3A_16, %add3A, %dot_general3A {dimension_numbers = #tpu.dot_dimension_numbers<[1], [0], [0], [1], [0, 0, 1, 1], [], []>, transpose_lhs_hint = false} : vector<1000x128xf32>, vector<128x128xf32>, vector<1000x128xf32> -> vector<1000x128xf32>
    %get3A_18 = arith.constant 0 : index
    %get3A_19 = arith.constant 0 : index
    %get3A_20 = vector.load %arg2[%get3A_18, %get3A_19] : memref<1000x128xf32, #tpu.memory_space<vmem>>, vector<1000x128xf32>
    %get3A_21 = arith.constant 0 : index
    %get3A_22 = arith.constant 0 : index
    %get3A_23 = vector.load %arg3[%get3A_21, %get3A_22] : memref<1000x128xf32, #tpu.memory_space<vmem>>, vector<1000x128xf32>
    %add3A_24 = arith.addf %get3A_20, %get3A_23 : vector<1000x128xf32>
    %mul3A_25 = arith.constant 5.000000e-01 : f32
    %mul3A_26 = arith.mulf %mul3A_25, %get3A_4 : f32
    %mul3A_27 = vector.broadcast %mul3A_26 : f32 to vector<1000x128xf32>
    %mul3A_28 = arith.mulf %add3A_24, %mul3A_27 : vector<1000x128xf32>
    %add3A_29 = arith.addf %dot_general3A_17, %mul3A_28 : vector<1000x128xf32>
    %swap3A = arith.constant 0 : index
    %swap3A_30 = arith.constant 0 : index
    %swap3A_31 = vector.load %arg6[%swap3A, %swap3A_30] : memref<1000x128xf32, #tpu.memory_space<vmem>>, vector<1000x128xf32>
    tpu.vector_store %arg6[%swap3A, %swap3A_30], %add3A_29 {strides = array<i32>} : memref<1000x128xf32, #tpu.memory_space<vmem>>, vector<1000x128xf32>,
    return
  }
  func.func @transform_0(%arg0: i32) -> i32 {
    %c0_i32 = arith.constant 0 : i32
    %c0_i32_0 = arith.constant 0 : i32
    return %c0_i32 : i32
  }
  func.func @transform_1(%arg0: i32) -> (i32, i32) {
    %c0_i32 = arith.constant 0 : i32
    %c0_i32_0 = arith.constant 0 : i32
    return %arg0, %c0_i32 : i32, i32
  }
  func.func @transform_2(%arg0: i32) -> (i32, i32) {
    %c0_i32 = arith.constant 0 : i32
    %c0_i32_0 = arith.constant 0 : i32
    return %arg0, %c0_i32 : i32, i32
  }
  func.func @transform_3(%arg0: i32) -> (i32, i32) {
    %c0_i32 = arith.constant 0 : i32
    %c0_i32_0 = arith.constant 0 : i32
    %c0_i32_1 = arith.constant 0 : i32
    return %c0_i32, %c0_i32_0 : i32, i32
  }
  func.func @transform_4(%arg0: i32) -> (i32, i32) {
    %c0_i32 = arith.constant 0 : i32
    %c0_i32_0 = arith.constant 0 : i32
    %c0_i32_1 = arith.constant 0 : i32
    return %c0_i32, %c0_i32_0 : i32, i32
  }
  func.func @transform_5(%arg0: i32) -> (i32, i32) {
    %c0_i32 = arith.constant 0 : i32
    %c0_i32_0 = arith.constant 0 : i32
    return %arg0, %c0_i32 : i32, i32
  }
}

module attributes {stable_mosaic.version = 14 : i64} {
  func.func @_combine_body(%arg0: i32, %arg1: memref<4xf32, #tpu.memory_space<smem>>, %arg2: memref<1000x128xf32, #tpu.memory_space<vmem>>, %arg3: memref<1000x128xf32, #tpu.memory_space<vmem>>, %arg4: memref<1000x128xf32, #tpu.memory_space<vmem>>, %arg5: memref<1000x128xf32, #tpu.memory_space<vmem>>, %arg6: memref<1000x128xf32, #tpu.memory_space<vmem>>, %arg7: memref<1000x1xf32, #tpu.memory_space<vmem>>, %arg8: memref<1000x1xf32, #tpu.memory_space<vmem>>, %arg9: memref<128x128xf32, #tpu.memory_space<vmem>>, %arg10: memref<128x128xf32, #tpu.memory_space<vmem>>, %arg11: memref<128x128xf32, #tpu.memory_space<vmem>>, %arg12: memref<1000x128xf32, #tpu.memory_space<vmem>>) attributes {dimension_semantics = [#tpu.dimension_semantics<arbitrary>], iteration_bounds = array<i64: 10>, scalar_prefetch = 0 : i64, scratch_operands = 0 : i64, tpu.core_type = #tpu.core_type<tc>, window_params = [{transform_indices = @transform_0, window_bounds = array<i64: 4>}, {transform_indices = @transform_1, window_bounds = array<i64: 1000, 128>}, {transform_indices = @transform_2, window_bounds = array<i64: 1000, 128>}, {transform_indices = @transform_3, window_bounds = array<i64: 1000, 128>}, {transform_indices = @transform_4, window_bounds = array<i64: 1000, 128>}, {transform_indices = @transform_5, window_bounds = array<i64: 1000, 128>}, {transform_indices = @transform_6, window_bounds = array<i64: 1000, 1>}, {transform_indices = @transform_7, window_bounds = array<i64: 1000, 1>}, {pipeline_mode = #tpu.pipeline_mode<synchronous>, transform_indices = @transform_8, window_bounds = array<i64: 128, 128>}, {pipeline_mode = #tpu.pipeline_mode<synchronous>, transform_indices = @transform_9, window_bounds = array<i64: 128, 128>}, {pipeline_mode = #tpu.pipeline_mode<synchronous>, transform_indices = @transform_10, window_bounds = array<i64: 128, 128>}, {transform_indices = @transform_11, window_bounds = array<i64: 1000, 128>}]} {
    %get3A = arith.constant 0 : index
    %get3A_0 = memref.load %arg1[%get3A] : memref<4xf32, #tpu.memory_space<smem>>
    %get3A_1 = arith.constant 1 : index
    %get3A_2 = memref.load %arg1[%get3A_1] : memref<4xf32, #tpu.memory_space<smem>>
    %get3A_3 = arith.constant 2 : index
    %get3A_4 = memref.load %arg1[%get3A_3] : memref<4xf32, #tpu.memory_space<smem>>
    %get3A_5 = arith.constant 0 : index
    %get3A_6 = arith.constant 0 : index
    %get3A_7 = vector.load %arg2[%get3A_5, %get3A_6] : memref<1000x128xf32, #tpu.memory_space<vmem>>, vector<1000x128xf32>
    %get3A_8 = arith.constant 0 : index
    %get3A_9 = arith.constant 0 : index
    %get3A_10 = vector.load %arg3[%get3A_8, %get3A_9] : memref<1000x128xf32, #tpu.memory_space<vmem>>, vector<1000x128xf32>
    %add3A = arith.addf %get3A_7, %get3A_10 : vector<1000x128xf32>
    %get3A_11 = arith.constant 0 : index
    %get3A_12 = arith.constant 0 : index
    %get3A_13 = vector.load %arg4[%get3A_11, %get3A_12] : memref<1000x128xf32, #tpu.memory_space<vmem>>, vector<1000x128xf32>
    %get3A_14 = arith.constant 0 : index
    %get3A_15 = arith.constant 0 : index
    %get3A_16 = vector.load %arg5[%get3A_14, %get3A_15] : memref<1000x128xf32, #tpu.memory_space<vmem>>, vector<1000x128xf32>
    %add3A_17 = arith.addf %get3A_13, %get3A_16 : vector<1000x128xf32>
    %get3A_18 = arith.constant 0 : index
    %get3A_19 = arith.constant 0 : index
    %get3A_20 = vector.load %arg7[%get3A_18, %get3A_19] : memref<1000x1xf32, #tpu.memory_space<vmem>>, vector<1000x1xf32>
    %mul3A = vector.broadcast %get3A_20 : vector<1000x1xf32> to vector<1000x128xf32>
    %mul3A_21 = arith.mulf %add3A_17, %mul3A : vector<1000x128xf32>
    %get3A_22 = arith.constant 0 : index
    %get3A_23 = arith.constant 0 : index
    %get3A_24 = vector.load %arg8[%get3A_22, %get3A_23] : memref<1000x1xf32, #tpu.memory_space<vmem>>, vector<1000x1xf32>
    %mul3A_25 = vector.broadcast %get3A_24 : vector<1000x1xf32> to vector<1000x128xf32>
    %mul3A_26 = arith.mulf %add3A, %mul3A_25 : vector<1000x128xf32>
    %get3A_27 = arith.constant 0 : index
    %get3A_28 = arith.constant 0 : index
    %get3A_29 = vector.load %arg9[%get3A_27, %get3A_28] : memref<128x128xf32, #tpu.memory_space<vmem>>, vector<128x128xf32>
    %dot_general3A = arith.constant dense<0.000000e+00> : vector<1000x128xf32>
    %dot_general3A_30 = tpu.matmul %mul3A_21, %get3A_29, %dot_general3A {dimension_numbers = #tpu.dot_dimension_numbers<[1], [0], [0], [1], [0, 0, 1, 1], [], []>, transpose_lhs_hint = false} : vector<1000x128xf32>, vector<128x128xf32>, vector<1000x128xf32> -> vector<1000x128xf32>
    %mul3A_31 = vector.broadcast %get3A_0 : f32 to vector<1000x128xf32>
    %mul3A_32 = arith.mulf %dot_general3A_30, %mul3A_31 : vector<1000x128xf32>
    %get3A_33 = arith.constant 0 : index
    %get3A_34 = arith.constant 0 : index
    %get3A_35 = vector.load %arg10[%get3A_33, %get3A_34] : memref<128x128xf32, #tpu.memory_space<vmem>>, vector<128x128xf32>
    %dot_general3A_36 = arith.constant dense<0.000000e+00> : vector<1000x128xf32>
    %dot_general3A_37 = tpu.matmul %mul3A_26, %get3A_35, %dot_general3A_36 {dimension_numbers = #tpu.dot_dimension_numbers<[1], [0], [0], [1], [0, 0, 1, 1], [], []>, transpose_lhs_hint = false} : vector<1000x128xf32>, vector<128x128xf32>, vector<1000x128xf32> -> vector<1000x128xf32>
    %mul3A_38 = vector.broadcast %get3A_2 : f32 to vector<1000x128xf32>
    %mul3A_39 = arith.mulf %dot_general3A_37, %mul3A_38 : vector<1000x128xf32>
    %add3A_40 = arith.addf %mul3A_32, %mul3A_39 : vector<1000x128xf32>
    %get3A_41 = arith.constant 0 : index
    %get3A_42 = arith.constant 0 : index
    %get3A_43 = vector.load %arg11[%get3A_41, %get3A_42] : memref<128x128xf32, #tpu.memory_space<vmem>>, vector<128x128xf32>
    %dot_general3A_44 = arith.constant dense<0.000000e+00> : vector<1000x128xf32>
    %dot_general3A_45 = tpu.matmul %add3A, %get3A_43, %dot_general3A_44 {dimension_numbers = #tpu.dot_dimension_numbers<[1], [0], [0], [1], [0, 0, 1, 1], [], []>, transpose_lhs_hint = false} : vector<1000x128xf32>, vector<128x128xf32>, vector<1000x128xf32> -> vector<1000x128xf32>
    %mul3A_46 = vector.broadcast %get3A_4 : f32 to vector<1000x128xf32>
    %mul3A_47 = arith.mulf %dot_general3A_45, %mul3A_46 : vector<1000x128xf32>
    %add3A_48 = arith.addf %add3A_40, %mul3A_47 : vector<1000x128xf32>
    %get3A_49 = arith.constant 0 : index
    %get3A_50 = arith.constant 0 : index
    %get3A_51 = vector.load %arg6[%get3A_49, %get3A_50] : memref<1000x128xf32, #tpu.memory_space<vmem>>, vector<1000x128xf32>
    %add3A_52 = arith.addf %add3A_48, %get3A_51 : vector<1000x128xf32>
    %swap3A = arith.constant 0 : index
    %swap3A_53 = arith.constant 0 : index
    %swap3A_54 = vector.load %arg12[%swap3A, %swap3A_53] : memref<1000x128xf32, #tpu.memory_space<vmem>>, vector<1000x128xf32>
    tpu.vector_store %arg12[%swap3A, %swap3A_53], %add3A_52 {strides = array<i32>} : memref<1000x128xf32, #tpu.memory_space<vmem>>, vector<1000x128xf32>,
    return
  }
  func.func @transform_0(%arg0: i32) -> i32 {
    %c0_i32 = arith.constant 0 : i32
    %c0_i32_0 = arith.constant 0 : i32
    return %c0_i32 : i32
  }
  func.func @transform_1(%arg0: i32) -> (i32, i32) {
    %c0_i32 = arith.constant 0 : i32
    %c0_i32_0 = arith.constant 0 : i32
    return %arg0, %c0_i32 : i32, i32
  }
  func.func @transform_2(%arg0: i32) -> (i32, i32) {
    %c0_i32 = arith.constant 0 : i32
    %c0_i32_0 = arith.constant 0 : i32
    return %arg0, %c0_i32 : i32, i32
  }
  func.func @transform_3(%arg0: i32) -> (i32, i32) {
    %c0_i32 = arith.constant 0 : i32
    %c0_i32_0 = arith.constant 0 : i32
    return %arg0, %c0_i32 : i32, i32
  }
  func.func @transform_4(%arg0: i32) -> (i32, i32) {
    %c0_i32 = arith.constant 0 : i32
    %c0_i32_0 = arith.constant 0 : i32
    return %arg0, %c0_i32 : i32, i32
  }
  func.func @transform_5(%arg0: i32) -> (i32, i32) {
    %c0_i32 = arith.constant 0 : i32
    %c0_i32_0 = arith.constant 0 : i32
    return %arg0, %c0_i32 : i32, i32
  }
  func.func @transform_6(%arg0: i32) -> (i32, i32) {
    %c0_i32 = arith.constant 0 : i32
    %c0_i32_0 = arith.constant 0 : i32
    return %arg0, %c0_i32 : i32, i32
  }
  func.func @transform_7(%arg0: i32) -> (i32, i32) {
    %c0_i32 = arith.constant 0 : i32
    %c0_i32_0 = arith.constant 0 : i32
    return %arg0, %c0_i32 : i32, i32
  }
  func.func @transform_8(%arg0: i32) -> (i32, i32) {
    %c0_i32 = arith.constant 0 : i32
    %c0_i32_0 = arith.constant 0 : i32
    %c0_i32_1 = arith.constant 0 : i32
    return %c0_i32, %c0_i32_0 : i32, i32
  }
  func.func @transform_9(%arg0: i32) -> (i32, i32) {
    %c0_i32 = arith.constant 0 : i32
    %c0_i32_0 = arith.constant 0 : i32
    %c0_i32_1 = arith.constant 0 : i32
    return %c0_i32, %c0_i32_0 : i32, i32
  }
  func.func @transform_10(%arg0: i32) -> (i32, i32) {
    %c0_i32 = arith.constant 0 : i32
    %c0_i32_0 = arith.constant 0 : i32
    %c0_i32_1 = arith.constant 0 : i32
    return %c0_i32, %c0_i32_0 : i32, i32
  }
  func.func @transform_11(%arg0: i32) -> (i32, i32) {
    %c0_i32 = arith.constant 0 : i32
    %c0_i32_0 = arith.constant 0 : i32
    return %arg0, %c0_i32 : i32, i32
  }
}

</mosaic_0001>

<sc_bundles>
// kernel: kernel.10.cloned.1.call-start
scs
__scs_entry_jumppad:
0x0: {  	(pc) =	sbr.rel $0x88, $3  }
0x1: {  	(tag) =	ssettag $0x0;
	lr =	simm.s32 $0x1  }
0x2: {  	[smem:$0x3F99] =	sst lr;
	_ =	strace $0xD0000000  }
0x3: {  	_ = 	snop  }
0x4: {  	_ = 	snop  }
0x5: {  	_ = 	snop  }
0x6: {  	_ = 	snop  }
0x7: {  	_ = 	snop  }
__scs_overlays_trampoline_lowered:
0x8: {  	[smem:$0x3FA8] =	sst s0  }
0x9: {  	[smem:$0x3FA9] =	sst s1  }
0xa: {  	[smem:$0x3FAA] =	sst s2  }
0xb: {  	[smem:$0x3FAB] =	sst s3  }
0xc: {  	[smem:$0x3FAC] =	sst s4  }
0xd: {  	[smem:$0x3FAD] =	sst s5  }
0xe: {  	[smem:$0x3FAE] =	sst s6  }
0xf: {  	[smem:$0x3FAF] =	sst s7  }
0x10: {  	[smem:$0x3FB0] =	sst s8  }
0x11: {  	[smem:$0x3FB1] =	sst s9;
	s0 =	simm.s32 @!p0 $0x0  }
0x12: {  	s1 =	sld [smem:$0x3F97];
	s0 =	simm.s32 @p0 $0x1  }
0x13: {  	[smem:$0x3FB2] =	sst s0;
	s0 =	simm.s32 @!p1 $0x0  }
0x14: {  	s2 =	sld [smem:$0x3F96];
	s0 =	simm.s32 @p1 $0x1  }
0x15: {  	[smem:$0x3FB3] =	sst s0;
	s0 =	simm.s32 @!p2 $0x0  }
0x16: {  	s3 =	sld [smem:$0x3FDB];
	s0 =	simm.s32 @p2 $0x1  }
0x17: {  	s4 =	simm.s32 $0x1BF5;
	[smem:$0x3FB5] =	sst s0  }
0x18: {  	s0 =	sld [smem:$0x3F98];
	_ =	swait.ge [sflag:s4], $0x0  }
0x19: {  	s7 =	sld [smem:$0x3F99]  }
0x1a: {  	s8 =	sadd.s32 $0xFFFFE003, lr  }
0x1b: {  	s9 =	sadd.s32 $0xFFFFFEF7, lr;
	s5 =	simm.s32 $0xFFFFFFFF;
	p2 =	slt.u32 s8, $0xFFFFF086  }
0x1c: {  	p1 =	slt.u32 s9, $0xF7A;
	s5 =	simm.s32 @!p2 $0x0  }
0x1d: {  	s5 =	simm.s32 @p1 $0x1;
	p0 =	seq.s32 s7, s2  }
0x1e: {  	s7 =	smul.u32 @!p0 $0xF7A, s2;
	p2 =	seq.s32 @!p0 s5, $0x0  }
0x1f: {  	s9 =	smul.u32 $0xF7A, s1;
	s8 =	simm.s32 @!p0 $0x1BF5;
	p2 =	por !p2, p0  }
0x20: {  	[sflag:s8] =	ssyncset.s32 @!p0 $0xFFFFF086;
	s6 =	sadd.s32 @!p0 s3, s7;
	s7 =	simm.s32 @!p0 $0x108  }
0x21: {  	s3 =	sadd.s32 s3, s9;
	s6 =	sadd.s32 @!p0 $0x88, s6;
	s7 =	simm.s32 @p2 $0x1082  }
0x22: {  	[simem:s7], [sflag:s8] =	dma.local @!p0 [hbm:s6], $0xF7A  }
0x23: {  	s9 =	sor.u32 $0xD0000000, s2;
	s6 =	simm.s32 $0x108;
	_ =	swait.ge @!p0 [sflag:s8], $0x0  }
0x24: {  	s3 =	sadd.s32 $0x88, s3;
	s6 =	simm.s32 @!p1 $0x1082;
	[sflag:s4] =	ssyncset.s32 $0xFFFFF086  }
0x25: {  	[simem:s6], [sflag:s4] =	dma.local [hbm:s3], $0xF7A  }
0x26: {  	[smem:$0x3F99] =	sst s1;
	(tag) =	ssettag s2;
	_ =	strace s9  }
0x27: {  	s1 =	sld [smem:$0x3FA9]  }
0x28: {  	s2 =	sld [smem:$0x3FAA]  }
0x29: {  	s4 =	sld [smem:$0x3FAC]  }
0x2a: {  	p0 =	seq.s32 s5, $0x0;
	s5 =	sld [smem:$0x3FAD]  }
0x2b: {  	s6 =	sld [smem:$0x3FAE]  }
0x2c: {  	s7 =	sld [smem:$0x3FAF]  }
0x2d: {  	s3 =	simm.s32 $0x108;
	s8 =	sld [smem:$0x3FB0]  }
0x2e: {  	s3 =	simm.s32 @!p0 $0x1082;
	s9 =	sld [smem:$0x3FB1]  }
0x2f: {  	lr =	sadd.s32 s0, s3;
	s0 =	sld [smem:$0x3FA8]  }
0x30: {  	s3 =	sld [smem:$0x3FAB]  }
0x31: {  	[smem:$0x3FB4] =	sst s10  }
0x32: {  	s10 =	sld [smem:$0x3FB2];
	_ =	sdelay $0x3  }
0x33: {  	p0 =	seq.s32 s10, $0x1;
	s10 =	sld [smem:$0x3FB4];
	_ =	sdelay $0x3  }
0x34: {  	[smem:$0x3FB4] =	sst s10  }
0x35: {  	s10 =	sld [smem:$0x3FB3];
	_ =	sdelay $0x3  }
0x36: {  	p1 =	seq.s32 s10, $0x1;
	s10 =	sld [smem:$0x3FB4];
	_ =	sdelay $0x3  }
0x37: {  	[smem:$0x3FB4] =	sst s10  }
0x38: {  	s10 =	sld [smem:$0x3FB5]  }
0x39: {  	_ = 	snop;
	(pc) =	sbr.ind lr, $3  }
0x3a: {  	_ = 	snop  }
0x3b: {  	_ = 	snop  }
0x3c: {  	p2 =	seq.s32 s10, $0x1;
	s10 =	sld [smem:$0x3FB4]  }
0x3d: {  	_ =	shalt  }
0x3e: {  	_ =	shalt  }
0x3f: {  	_ =	shalt  }
0x40: {  	_ =	shalt  }
0x41: {  	_ =	shalt  }
0x42: {  	_ =	shalt  }
0x43: {  	_ =	shalt  }
0x44: {  	_ =	shalt  }
0x45: {  	_ =	shalt  }
0x46: {  	_ =	shalt  }
0x47: {  	_ =	shalt  }
0x48: {  	_ =	shalt  }
0x49: {  	_ =	shalt  }
0x4a: {  	_ =	shalt  }
0x4b: {  	_ =	shalt  }
0x4c: {  	_ =	shalt  }
0x4d: {  	_ =	shalt  }
0x4e: {  	_ =	shalt  }
0x4f: {  	_ =	shalt  }
0x50: {  	_ =	shalt  }
0x51: {  	_ =	shalt  }
0x52: {  	_ =	shalt  }
0x53: {  	_ =	shalt  }
0x54: {  	_ =	shalt  }
0x55: {  	_ =	shalt  }
0x56: {  	_ =	shalt  }
0x57: {  	_ =	shalt  }
0x58: {  	_ =	shalt  }
0x59: {  	_ =	shalt  }
0x5a: {  	_ =	shalt  }
0x5b: {  	_ =	shalt  }
0x5c: {  	_ =	shalt  }
0x5d: {  	_ =	shalt  }
0x5e: {  	_ =	shalt  }
0x5f: {  	_ =	shalt  }
0x60: {  	_ =	shalt  }
0x61: {  	_ =	shalt  }
0x62: {  	_ =	shalt  }
0x63: {  	_ =	shalt  }
0x64: {  	_ =	shalt  }
0x65: {  	_ =	shalt  }
0x66: {  	_ =	shalt  }
0x67: {  	_ =	shalt  }
0x68: {  	_ =	shalt  }
0x69: {  	_ =	shalt  }
0x6a: {  	_ =	shalt  }
0x6b: {  	_ =	shalt  }
0x6c: {  	_ =	shalt  }
0x6d: {  	_ =	shalt  }
0x6e: {  	_ =	shalt  }
0x6f: {  	_ =	shalt  }
0x70: {  	_ =	shalt  }
0x71: {  	_ =	shalt  }
0x72: {  	_ =	shalt  }
0x73: {  	_ =	shalt  }
0x74: {  	_ =	shalt  }
0x75: {  	_ =	shalt  }
0x76: {  	_ =	shalt  }
0x77: {  	_ =	shalt  }
0x78: {  	_ =	shalt  }
0x79: {  	_ =	shalt  }
0x7a: {  	_ =	shalt  }
0x7b: {  	_ =	shalt  }
0x7c: {  	_ =	shalt  }
0x7d: {  	_ =	shalt  }
0x7e: {  	_ =	shalt  }
0x7f: {  	_ =	shalt  }
0x80: {  	_ =	shalt  }
0x81: {  	_ =	shalt  }
0x82: {  	_ =	shalt  }
0x83: {  	_ =	shalt  }
0x84: {  	_ =	shalt  }
0x85: {  	_ =	shalt  }
0x86: {  	_ =	shalt  }
0x87: {  	_ =	shalt  }
.Lfunc_end0:
.L_simem_size_0:
called_computation.1_lowered:
.L_overlay_start_0:
0x88: {  	s2 =	sld [smem:$0x3FD9]  }
0x89: {  	s3 =	sld [smem:$0x3FFE];
	_ =	sdelay $0x1  }
0x8a: {  	s1 =	srdreg.scid  }
0x8b: {  	s0 =	sand.u32 $0x1, s1  }
0x8c: {  	s17 =	sshll.u32 s0, $0xA;
	s2 =	sadd.s32 s3, s2  }
0x8d: {  	s2 =	sadd.s32 s2, s17  }
0x8e: {  	[smem:$0x3FC0] =	sst s2  }
0x8f: {  	_ = 	snop  }
0x90: {  	s2 =	sld [smem:$0x3FD0];
	(tm) =	ssettm $0x1  }
0x91: {  	s18 =	sld [smem:$0x3FFB];
	_ =	sdelay $0x3  }
0x92: {  	_ =	strace s18  }
0x93: {  	s3 =	sld [smem:$0x3FFC];
	_ =	sdelay $0x3  }
0x94: {  	_ =	strace s3  }
0x95: {  	s3 =	sld [smem:$0x3FFD];
	_ =	sdelay $0x3  }
0x96: {  	_ =	strace s3  }
0x97: {  	_ =	strace $0x8FFFFFFF  }
0x98: {  	s19 =	sld [smem:$0x3FDB];
	_ =	sdelay $0x1  }
0x99: {  	s4 =	simm.s32 $_scs_section_size  }
0x9a: {  	s5 =	simm.s32 $_size__tile_overlayer_lowered;
	s6 =	simm.s32 $_tile_overlayer_lowered  }
0x9b: {  	s22 =	simm.s32 $0x1BFF;
	s21 =	sshll.u32 s6, $0x1;
	s3 =	sadd.s32 s4, s19  }
0x9c: {  	s7 =	simm.s32 $0x0;
	s20 =	sshll.u32 s5, $0x1;
	s5 =	sadd.s32 s21, s3  }
0x9d: {  	[timem:s7], [sflag:s22] =	dma.local [hbm:s5], s20  }
0x9e: {  	_ =	swait.ge [sflag:s22], s20  }
0x9f: {  	s4 =	ssub.s32 $0x0, s20;
	[sflag:s22] =	ssyncset.done $0x0  }
0xa0: {  	[sflag:s22] =	ssyncadd.s32 s4;
	_ =	sdelay $0x1  }
0xa1: {  	s23 =	simm.s32 $0x1B8B  }
0xa2: {  	_ =	swait.ge [sflag:s23], $0x1  }
0xa3: {  	[sflag:s23] =	ssyncset.done $0x0  }
0xa4: {  	s25 =	simm.s32 $0x1B8E;
	s24 =	sld [smem:$0x3FFE];
	[sflag:s23] =	ssyncadd.s32 $0xFFFFFFFF  }
0xa5: {  	s26 =	simm.s32 $execute0_lowered;
	[smem:$0x3FD2] =	sst s25  }
0xa6: {  	s5 =	sshll.u32 s26, $0x1;
	_ =	strace $0x80000049;
	[dreg:$0x1] =	wrdreg $0xFFFFFFFF  }
0xa7: {  	s28 =	simm.s32 $_size_execute0_lowered;
	s3 =	sadd.s32 s3, s5;
	[dreg:$0x0] =	wrdreg $0x0  }
0xa8: {  	s5 =	sshll.u32 s28, $0x1;
	[dreg:$0x2] =	wrdreg s3  }
0xa9: {  	[dreg:$0x3] =	wrdreg s5  }
0xaa: {  	[dreg:$0x4] =	wrdreg $0xC0  }
0xab: {  	_ =	task [dreg:s7], $0x5FFFF  }
0xac: {  	[dreg:$0x1] =	wrdreg $0xFFFFFFFF  }
0xad: {  	[dreg:$0x0] =	wrdreg $0x60  }
0xae: {  	[dreg:$0x2] =	wrdreg s2  }
0xaf: {  	[dreg:$0x3] =	wrdreg s24  }
0xb0: {  	[dreg:$0x4] =	wrdreg $0x0  }
0xb1: {  	[dreg:$0x5] =	wrdreg $0x9  }
0xb2: {  	_ =	task.clear_ibuf [dreg:s7], $0x6FFFF;
	_ =	strace $0x90000049  }
0xb3: {  	s29 =	simm.s32 $0x9;
	_ =	strace $0x8000004B  }
0xb4: {  	_ =	swait.ge [sflag:s29], $0x1  }
0xb5: {  	[sflag:s29] =	ssyncadd.s32 $0xFFFFFFFF  }
0xb6: {  	_ =	strace $0x9000004B  }
0xb7: {  	_ =	sfence  }
0xb8: {  	s30 =	sld [smem:$0x0];
	_ =	sdelay $0x2  }
0xb9: {  	s31 =	sshll.u32 s1, $0xD;
	s1 =	sshrl.u32 s1, $0x2  }
0xba: {  	s3 =	sand.u32 $0x4000, s31;
	s1 =	sadd.s32 s1, s30  }
0xbb: {  	s0 =	sor.u32 s3, s0;
	s1 =	sshll.u32 s1, $0x11  }
0xbc: {  	s0 =	sor.u32 s1, s0  }
0xbd: {  	s0 =	sadd.s32 $0x8F2B, s0  }
0xbe: {  	[sflag:s0] =	ssyncadd.remote.s32 $0x1  }
0xbf: {  	_ =	sfence.sel $0xFFFF  }
0xc0: {  	[dreg:$0x0] =	wrdreg $0xFFFFFFFF;
	(pc) =	sbr.abs _section_cstart, $3  }
0xc1: {  	[dreg:$0x1] =	wrdreg $0xFFFFFFFF  }
0xc2: {  	_ =	task.clear_ibuf [dreg:s7], $0x2FFFF;
	_ =	strace $0x9FFFFFFF  }
0xc3: {  	(tm) =	ssettm $0x7FFFFFFF  }
tec
execute0_lowered:
.L_overlay_start_1:
0x0: {  	(tag) =	ssettag $0x1  }
0x1: {  	s2 =	rddreg [dreg:$0x0]  }
0x2: {  	s0 =	rddreg [dreg:$0x1]  }
0x3: {  	s3 =	rddreg [dreg:$0x2]  }
0x4: {  	s1 =	stileid.u32;
	s5 =	srdreg.scid  }
0x5: {  	s4 =	simm.s32 $0x0;
	s18 =	simm.s32 $0x13880;
	s19 =	simm.s32 $0x3  }
0x6: {  	s21 =	simm.s32 $0x80;
	s22 =	simm.s32 $0x16080;
	s23 =	simm.s32 $0x1A080  }
0x7: {  	s24 =	simm.s32 $0x1;
	s25 =	simm.s32 $0x4;
	s29 =	simm.s32 $0x15F80  }
0x8: {  	s31 =	simm.s32 $0x0;
	s13 =	sand.u32 $0x1, s5;
	s12 =	sshll.u32 s1, $0x1  }
0x9: {  	[smem:$0x7FF] =	sst s4;
	s6 =	smul.u32 $0x2700, s1;
	s10 =	sadd.s32 $0x3E00, s0  }
0xa: {  	s11 =	sadd.s32 $0xDE00, s0;
	s14 =	smul.u32 $0x4E000, s1;
	s5 =	sadd.s32 $0x17E00, s0  }
0xb: {  	s30 =	sadd.s32 $0xDCF00, s0;
	p1 =	seq.s32 s1, $0xF;
	p2 =	sgt.u32 s1, $0x1  }
0xc: {  	s7 =	sor.u32 s13, s12;
	_ =	strace $0x8000004A;
	s9 =	ssub.s32 $0x2, s13  }
0xd: {  	s12 =	ssub.s32 $0x484, s12;
	p0 =	seq.s32 s13, $0x1;
	s8 =	smul.u32 $0x500, s7  }
0xe: {  	[dreg:$0x4] =	wrdreg s30;
	s15 =	sshrl.u32 s9, $0x1;
	s16 =	smul.u32 $0x2800, s7  }
0xf: {  	s17 =	sadd.s32 s6, s0;
	s26 =	sshrl.u32 s14, $0x2;
	s0 =	sadd.s32 $0x104100, s0  }
.Ltmp0:
0x10: {  	s15 =	ssub.s32 s9, s15;
	s9 =	sadd.s32 $0x124800, s3;
	(pc) =	sbr.rel .LBB2_1-.Ltmp0, $4  }
0x11: {  	s13 =	sadd.s32 $0xB8600, s17;
	[dreg:$0x5] =	wrdreg s0;
	s28 =	sshrl.u32 s16, $0x3  }
0x12: {  	s6 =	sadd.s32 s10, s8;
	s7 =	sadd.s32 s11, s8;
	s14 =	sadd.s32 $0x280, s28  }
0x13: {  	s8 =	sadd.s32 s26, s3;
	s26 =	simm.s32 $0x2;
	s10 =	sadd.s32 s10, s14  }
0x14: {  	s11 =	sadd.s32 s11, s14;
	s14 =	sadd.s32 $0xDF800, s17;
	s17 =	smax.u32 s15, $0x1  }
.LBB2_9:
0x15: {  	s0 =	sshrl.u32 @p0 s9, $0x3;
	s15 =	simm.s32 @p0 $0x1FC3;
	s16 =	rddreg [dreg:$0x5]  }
0x16: {  	[hbm:s16], [sflag:s15] =	dma.local @p0 [spmem:s0], $0x2800  }
0x17: {  	s0 =	simm.s32 @p0 $0x3  }
0x18: {  	_ =	swait.ge @p0 [sflag:s0], $0x2800  }
0x19: {  	s15 =	simm.s32 @!p0 $0x1FC3;
	[sflag:s0] =	ssyncset.done @p0 $0x0  }
0x1a: {  	s16 =	rddreg [dreg:$0x4];
	[sflag:s0] =	ssyncadd.s32 @p0 $0xFFFFD800;
	s0 =	sshrl.u32 @!p0 s9, $0x3  }
0x1b: {  	[hbm:s16], [sflag:s15] =	dma.local @!p0 [spmem:s0], $0x2800  }
0x1c: {  	s0 =	simm.s32 @!p0 $0x3  }
0x1d: {  	_ =	swait.ge @!p0 [sflag:s0], $0x2800  }
0x1e: {  	[sflag:s0] =	ssyncset.done @!p0 $0x0  }
0x1f: {  	[sflag:s0] =	ssyncadd.s32 @!p0 $0xFFFFD800  }
.LBB2_10:
0x20: {  	s31 =	sadd.s32 $0x1, s31  }
0x21: {  	p3 =	sne.s32 s31, s17  }
.Ltmp1:
0x22: {  	_ = 	snop;
	(pc) =	sbr.rel @!p3 .LBB2_11-.Ltmp1, $1  }
0x23: {  	_ =	sdelay $0x3  }
.LBB2_1:
0x24: {  	[tilespmem:s18], [sflag:$0x3] =	stream.linear.gather [hbm4b:s6+s4], $0x1400, $0x38;
	[tilespmem:$0x1E080] =	vst v63  }
0x25: {  	_ =	swait.ge [sflag:s19], $0x1400  }
0x26: {  	[sflag:s19] =	ssyncset.done $0x0  }
0x27: {  	s0 =	simm.s32 $0x14C80;
	[sflag:s19] =	ssyncadd.s32 $0xFFFFEC00  }
0x28: {  	[tilespmem:s0], [sflag:$0x3] =	stream.linear.gather [hbm4b:s7+s4], $0x1400, $0x38;
	[tilespmem:$0x1E080] =	vst v63  }
0x29: {  	_ =	swait.ge [sflag:s19], $0x1400  }
0x2a: {  	[sflag:s19] =	ssyncset.done $0x0  }
0x2b: {  	s15 =	simm.s32 @p1 $0x1FC3;
	s0 =	sshrl.u32 @p1 s9, $0x3;
	[sflag:s19] =	ssyncadd.s32 $0xFFFFEC00  }
0x2c: {  	[tilespmem:s22], [sflag:$0x1] =	stream.indirect.gather [hbm4b:s2+s21], $0x80, s18, s21, $0xb8;
	[tilespmem:$0x1E080] =	vst v63  }
0x2d: {  	[spmem:s0], [sflag:s15] =	dma.local @p1 [hbm:s5], $0x2800  }
0x2e: {  	s0 =	simm.s32 @p1 $0x3  }
0x2f: {  	_ =	swait.ge @p1 [sflag:s0], $0x2800  }
0x30: {  	s15 =	sshll.u32 @!p1 s1, $0x6;
	[sflag:s0] =	ssyncset.done @p1 $0x0  }
0x31: {  	[sflag:s0] =	ssyncadd.s32 @p1 $0xFFFFD800;
	s0 =	sor.u32 @!p1 $0x1C03, s15;
	s15 =	sshrl.u32 @!p1 s8, $0x3  }
0x32: {  	[spmem:s15], [sflag:s0] =	dma.local @!p1 [hbm:s5], $0x2700  }
0x33: {  	s0 =	simm.s32 @!p1 $0x3  }
0x34: {  	_ =	swait.ge @!p1 [sflag:s0], $0x2700  }
0x35: {  	[sflag:s0] =	ssyncset.done @!p1 $0x0  }
0x36: {  	[sflag:s0] =	ssyncadd.s32 @!p1 $0xFFFFD900  }
0x37: {  	s16 =	simm.s32 $0x13900;
	[bflag:$0x0] =	sbarrier.arrive $0xFFFF  }
0x38: {  	[tilespmem:s23], [sflag:$0x2] =	stream.indirect.gather [hbm4b:s2+s21], $0x80, s16, s21, $0xb8;
	[tilespmem:$0x1E080] =	vst v63  }
0x39: {  	_ =	swait.ge [sflag:s24], $0x4000  }
0x3a: {  	[sflag:s24] =	ssyncset.done $0x0  }
0x3b: {  	s20 =	simm.s32 $0x14C80;
	[sflag:s24] =	ssyncadd.s32 $0xFFFFC000  }
0x3c: {  	[spmem:s3] =	stream.indirect.scatter.add.f32 [tilespmem:s22], [sflag:$0x4], $0x80, s20, s21, $0xb8;
	[tilespmem:$0x1E080] =	vst v63  }
0x3d: {  	_ =	swait.ge [sflag:s25], $0x4000  }
0x3e: {  	[sflag:s25] =	ssyncset.done $0x0  }
0x3f: {  	s28 =	simm.s32 $0x13980;
	[sflag:s25] =	ssyncadd.s32 $0xFFFFC000  }
0x40: {  	[tilespmem:s22], [sflag:$0x1] =	stream.indirect.gather [hbm4b:s2+s21], $0x80, s28, s21, $0xb8;
	[tilespmem:$0x1E080] =	vst v63  }
0x41: {  	_ =	swait.ge [sflag:s26], $0x4000  }
0x42: {  	[sflag:s26] =	ssyncset.done $0x0  }
0x43: {  	s30 =	simm.s32 $0x14D00;
	[sflag:s26] =	ssyncadd.s32 $0xFFFFC000  }
0x44: {  	[spmem:s3] =	stream.indirect.scatter.add.f32 [tilespmem:s23], [sflag:$0x3], $0x80, s30, s21, $0xb8;
	[tilespmem:$0x1E080] =	vst v63  }
0x45: {  	_ =	swait.ge [sflag:s19], $0x4000  }
0x46: {  	s15 =	simm.s32 $0x800;
	s0 =	simm.s32 $0x100;
	[sflag:s19] =	ssyncset.done $0x0  }
.LBB2_2:
0x47: {  	s16 =	sadd.s32 $0x13900, s0  }
0x48: {  	[sflag:s19] =	ssyncadd.s32 $0xFFFFC000;
	s20 =	smov.u32 s15;
	s28 =	sadd.s32 $0x400, s15  }
0x49: {  	[tilespmem:s23], [sflag:$0x2] =	stream.indirect.gather [hbm4b:s2+s21], $0x80, s16, s21, $0xb8;
	[tilespmem:$0x1E080] =	vst v63  }
0x4a: {  	p3 =	sne.s32 s15, $0x4800;
	_ =	swait.ge [sflag:s24], $0x4000  }
0x4b: {  	[sflag:s24] =	ssyncset.done $0x0  }
0x4c: {  	s15 =	sadd.s32 $0x14C80, s0;
	[sflag:s24] =	ssyncadd.s32 $0xFFFFC000  }
0x4d: {  	[spmem:s3] =	stream.indirect.scatter.add.f32 [tilespmem:s22], [sflag:$0x4], $0x80, s15, s21, $0xb8;
	[tilespmem:$0x1E080] =	vst v63  }
0x4e: {  	_ =	swait.ge [sflag:s25], $0x4000  }
0x4f: {  	[sflag:s25] =	ssyncset.done $0x0  }
0x50: {  	s15 =	sadd.s32 $0x13980, s0;
	[sflag:s25] =	ssyncadd.s32 $0xFFFFC000  }
0x51: {  	[tilespmem:s22], [sflag:$0x1] =	stream.indirect.gather [hbm4b:s2+s21], $0x80, s15, s21, $0xb8;
	[tilespmem:$0x1E080] =	vst v63  }
0x52: {  	_ =	swait.ge [sflag:s26], $0x4000  }
.Ltmp2:
0x53: {  	[sflag:s26] =	ssyncset.done $0x0;
	(pc) =	sbr.rel @p3 .LBB2_2-.Ltmp2, $4  }
0x54: {  	s0 =	sadd.s32 $0x14D00, s0;
	[sflag:s26] =	ssyncadd.s32 $0xFFFFC000  }
0x55: {  	[spmem:s3] =	stream.indirect.scatter.add.f32 [tilespmem:s23], [sflag:$0x3], $0x80, s0, s21, $0xb8;
	[tilespmem:$0x1E080] =	vst v63  }
0x56: {  	_ =	swait.ge [sflag:s19], $0x4000  }
0x57: {  	s15 =	smov.u32 s28;
	s0 =	sshra.s32 s20, $0x2;
	[sflag:s19] =	ssyncset.done $0x0  }
0x58: {  	s15 =	sadd.s32 $0x13900, s0;
	[sflag:s19] =	ssyncadd.s32 $0xFFFFC000  }
0x59: {  	[tilespmem:s23], [sflag:$0x2] =	stream.indirect.gather [hbm4b:s2+s21], $0x80, s15, s21, $0xb8;
	[tilespmem:$0x1E080] =	vst v63  }
0x5a: {  	_ =	swait.ge [sflag:s24], $0x4000  }
0x5b: {  	[sflag:s24] =	ssyncset.done $0x0  }
0x5c: {  	s16 =	sadd.s32 $0x14C80, s0;
	[sflag:s24] =	ssyncadd.s32 $0xFFFFC000  }
0x5d: {  	[spmem:s3] =	stream.indirect.scatter.add.f32 [tilespmem:s22], [sflag:$0x4], $0x80, s16, s21, $0xb8;
	[tilespmem:$0x1E080] =	vst v63  }
0x5e: {  	_ =	swait.ge [sflag:s25], $0x4000  }
0x5f: {  	[sflag:s25] =	ssyncset.done $0x0  }
0x60: {  	s20 =	sadd.s32 $0x13980, s0;
	[sflag:s25] =	ssyncadd.s32 $0xFFFFC000  }
0x61: {  	[tilespmem:s22], [sflag:$0x1] =	stream.indirect.gather [hbm4b:s2+s21], $0x80, s20, s21, $0xb8;
	[tilespmem:$0x1E080] =	vst v63  }
0x62: {  	_ =	swait.ge [sflag:s26], $0x4000  }
0x63: {  	[sflag:s26] =	ssyncset.done $0x0  }
0x64: {  	s28 =	sadd.s32 $0x14D00, s0;
	[sflag:s26] =	ssyncadd.s32 $0xFFFFC000  }
0x65: {  	[spmem:s3] =	stream.indirect.scatter.add.f32 [tilespmem:s23], [sflag:$0x3], $0x80, s28, s21, $0xb8;
	[tilespmem:$0x1E080] =	vst v63  }
0x66: {  	_ =	swait.ge [sflag:s19], $0x4000  }
0x67: {  	[sflag:s19] =	ssyncset.done $0x0  }
0x68: {  	s30 =	simm.s32 $0x14C00;
	[sflag:s19] =	ssyncadd.s32 $0xFFFFC000  }
0x69: {  	[tilespmem:s23], [sflag:$0x2] =	stream.indirect.gather [hbm4b:s2+s21], $0x80, s30, s21, $0xb8;
	[tilespmem:$0x1E080] =	vst v63  }
0x6a: {  	_ =	swait.ge [sflag:s24], $0x4000  }
0x6b: {  	[sflag:s24] =	ssyncset.done $0x0  }
0x6c: {  	[sflag:s24] =	ssyncadd.s32 $0xFFFFC000  }
0x6d: {  	[spmem:s3] =	stream.indirect.scatter.add.f32 [tilespmem:s22], [sflag:$0x4], $0x80, s29, s21, $0xb8;
	[tilespmem:$0x1E080] =	vst v63  }
0x6e: {  	_ =	swait.ge [sflag:s25], $0x4000  }
0x6f: {  	[sflag:s25] =	ssyncset.done $0x0  }
0x70: {  	[sflag:s25] =	ssyncadd.s32 $0xFFFFC000  }
0x71: {  	_ =	swait.ge [sflag:s26], $0x4000  }
0x72: {  	[sflag:s26] =	ssyncset.done $0x0  }
0x73: {  	s15 =	simm.s32 $0x16000;
	[sflag:s26] =	ssyncadd.s32 $0xFFFFC000  }
0x74: {  	[spmem:s3] =	stream.indirect.scatter.add.f32 [tilespmem:s23], [sflag:$0x3], $0x80, s15, s21, $0xb8;
	[tilespmem:$0x1E080] =	vst v63  }
0x75: {  	_ =	swait.ge [sflag:s19], $0x4000  }
0x76: {  	[sflag:s19] =	ssyncset.done $0x0  }
0x77: {  	s16 =	simm.s32 $0x0;
	[sflag:s19] =	ssyncadd.s32 $0xFFFFC000  }
0x78: {  	[tilespmem:s18], [sflag:$0x3] =	stream.linear.gather [hbm4b:s10+s16], $0x1400, $0x38;
	[tilespmem:$0x1E080] =	vst v63  }
0x79: {  	_ =	swait.ge [sflag:s19], $0x1400  }
0x7a: {  	[sflag:s19] =	ssyncset.done $0x0  }
0x7b: {  	s20 =	simm.s32 $0x14C80;
	[sflag:s19] =	ssyncadd.s32 $0xFFFFEC00  }
0x7c: {  	[tilespmem:s20], [sflag:$0x3] =	stream.linear.gather [hbm4b:s11+s16], $0x1400, $0x38;
	[tilespmem:$0x1E080] =	vst v63  }
0x7d: {  	_ =	swait.ge [sflag:s19], $0x1400  }
0x7e: {  	[sflag:s19] =	ssyncset.done $0x0  }
0x7f: {  	[sflag:s19] =	ssyncadd.s32 $0xFFFFEC00  }
0x80: {  	[tilespmem:s22], [sflag:$0x1] =	stream.indirect.gather [hbm4b:s2+s21], $0x80, s18, s21, $0xb8;
	[tilespmem:$0x1E080] =	vst v63  }
0x81: {  	s28 =	simm.s32 $0x13900  }
0x82: {  	[tilespmem:s23], [sflag:$0x2] =	stream.indirect.gather [hbm4b:s2+s21], $0x80, s28, s21, $0xb8;
	[tilespmem:$0x1E080] =	vst v63  }
0x83: {  	_ =	swait.ge [sflag:s24], $0x4000  }
0x84: {  	[sflag:s24] =	ssyncset.done $0x0  }
0x85: {  	[sflag:s24] =	ssyncadd.s32 $0xFFFFC000  }
0x86: {  	[spmem:s3] =	stream.indirect.scatter.add.f32 [tilespmem:s22], [sflag:$0x4], $0x80, s20, s21, $0xb8;
	[tilespmem:$0x1E080] =	vst v63  }
0x87: {  	_ =	swait.ge [sflag:s25], $0x4000  }
0x88: {  	s0 =	simm.s32 $0x13980;
	p3 =	sle.u32 s12, $0x0;
	[sflag:s25] =	ssyncset.done $0x0  }
0x89: {  	s15 =	simm.s32 @!p3 $0x80;
	s16 =	simm.s32 @!p3 $0x16080;
	[sflag:s25] =	ssyncadd.s32 $0xFFFFC000  }
0x8a: {  	[tilespmem:s16], [sflag:$0x1] =	stream.indirect.gather @!p3 [hbm4b:s2+s15], $0x80, s0, s15, $0xb8;
	[tilespmem:$0x1E080] =	vst v63  }
0x8b: {  	_ =	swait.ge [sflag:s26], $0x4000  }
0x8c: {  	[sflag:s26] =	ssyncset.done $0x0  }
0x8d: {  	s30 =	simm.s32 $0x14D00;
	[sflag:s26] =	ssyncadd.s32 $0xFFFFC000  }
0x8e: {  	[spmem:s3] =	stream.indirect.scatter.add.f32 [tilespmem:s23], [sflag:$0x3], $0x80, s30, s21, $0xb8;
	[tilespmem:$0x1E080] =	vst v63  }
0x8f: {  	s20 =	simm.s32 $0x80;
	s16 =	simm.s32 $0x40;
	_ =	swait.ge [sflag:s19], $0x4000  }
0x90: {  	s15 =	simm.s32 $0x13A80;
	s0 =	simm.s32 $0x14D80;
	[sflag:s19] =	ssyncset.done $0x0  }
.LBB2_4:
0x91: {  	s28 =	sadd.s32 $0xFFFFFF80, s15  }
0x92: {  	[sflag:s19] =	ssyncadd.s32 $0xFFFFC000;
	s30 =	smov.u32 s20;
	s20 =	sadd.s32 $0x40, s20  }
0x93: {  	[tilespmem:s23], [sflag:$0x2] =	stream.indirect.gather [hbm4b:s2+s21], $0x80, s28, s21, $0xb8;
	[tilespmem:$0x1E080] =	vst v63  }
0x94: {  	p3 =	sne.s32 s20, $0x4C0;
	_ =	swait.ge [sflag:s24], $0x4000  }
0x95: {  	[sflag:s24] =	ssyncset.done $0x0  }
0x96: {  	[sflag:s24] =	ssyncadd.s32 $0xFFFFC000  }
0x97: {  	[spmem:s3] =	stream.indirect.scatter.add.f32 [tilespmem:s22], [sflag:$0x4], $0x80, s0, s21, $0xb8;
	[tilespmem:$0x1E080] =	vst v63  }
0x98: {  	_ =	swait.ge [sflag:s25], $0x4000  }
0x99: {  	p4 =	sge.u32 s16, s12;
	s16 =	smov.u32 s30;
	[sflag:s25] =	ssyncset.done $0x0  }
0x9a: {  	s28 =	simm.s32 @!p4 $0x80;
	s30 =	simm.s32 @!p4 $0x16080;
	[sflag:s25] =	ssyncadd.s32 $0xFFFFC000  }
0x9b: {  	[tilespmem:s30], [sflag:$0x1] =	stream.indirect.gather @!p4 [hbm4b:s2+s28], $0x80, s15, s28, $0xb8;
	[tilespmem:$0x1E080] =	vst v63  }
0x9c: {  	_ =	swait.ge [sflag:s26], $0x4000  }
.Ltmp3:
0x9d: {  	[sflag:s26] =	ssyncset.done $0x0;
	(pc) =	sbr.rel @p3 .LBB2_4-.Ltmp3, $4  }
0x9e: {  	s28 =	sadd.s32 $0x80, s0;
	[sflag:s26] =	ssyncadd.s32 $0xFFFFC000  }
0x9f: {  	[spmem:s3] =	stream.indirect.scatter.add.f32 [tilespmem:s23], [sflag:$0x3], $0x80, s28, s21, $0xb8;
	[tilespmem:$0x1E080] =	vst v63  }
0xa0: {  	_ =	swait.ge [sflag:s19], $0x4000  }
0xa1: {  	s15 =	sadd.s32 $0x100, s15;
	s0 =	sadd.s32 $0x100, s0;
	[sflag:s19] =	ssyncset.done $0x0  }
0xa2: {  	s20 =	sadd.s32 $0xFFFFFF80, s15;
	[sflag:s19] =	ssyncadd.s32 $0xFFFFC000  }
0xa3: {  	[tilespmem:s23], [sflag:$0x2] =	stream.indirect.gather [hbm4b:s2+s21], $0x80, s20, s21, $0xb8;
	[tilespmem:$0x1E080] =	vst v63  }
0xa4: {  	_ =	swait.ge [sflag:s24], $0x4000  }
0xa5: {  	[sflag:s24] =	ssyncset.done $0x0  }
0xa6: {  	[sflag:s24] =	ssyncadd.s32 $0xFFFFC000  }
0xa7: {  	[spmem:s3] =	stream.indirect.scatter.add.f32 [tilespmem:s22], [sflag:$0x4], $0x80, s0, s21, $0xb8;
	[tilespmem:$0x1E080] =	vst v63  }
0xa8: {  	_ =	swait.ge [sflag:s25], $0x4000  }
0xa9: {  	p3 =	sge.u32 s16, s12;
	[sflag:s25] =	ssyncset.done $0x0  }
0xaa: {  	s16 =	simm.s32 @!p3 $0x80;
	s20 =	simm.s32 @!p3 $0x16080;
	[sflag:s25] =	ssyncadd.s32 $0xFFFFC000  }
0xab: {  	[tilespmem:s20], [sflag:$0x1] =	stream.indirect.gather @!p3 [hbm4b:s2+s16], $0x80, s15, s16, $0xb8;
	[tilespmem:$0x1E080] =	vst v63  }
0xac: {  	_ =	swait.ge [sflag:s26], $0x4000  }
0xad: {  	[sflag:s26] =	ssyncset.done $0x0  }
.Ltmp4:
0xae: {  	s30 =	sadd.s32 $0x80, s0;
	[sflag:s26] =	ssyncadd.s32 $0xFFFFC000;
	(pc) =	sbr.rel @p2 .LBB2_7-.Ltmp4, $4  }
0xaf: {  	[spmem:s3] =	stream.indirect.scatter.add.f32 [tilespmem:s23], [sflag:$0x3], $0x80, s30, s21, $0xb8;
	[tilespmem:$0x1E080] =	vst v63  }
0xb0: {  	_ =	swait.ge [sflag:s19], $0x4000  }
0xb1: {  	[sflag:s19] =	ssyncset.done $0x0  }
0xb2: {  	[sflag:s19] =	ssyncadd.s32 $0xFFFFC000  }
0xb3: {  	_ =	swait.ge [sflag:s24], $0x4000  }
0xb4: {  	[sflag:s24] =	ssyncset.done $0x0  }
0xb5: {  	[sflag:s24] =	ssyncadd.s32 $0xFFFFC000  }
0xb6: {  	[spmem:s3] =	stream.indirect.scatter.add.f32 [tilespmem:s22], [sflag:$0x4], $0x80, s29, s21, $0xb8;
	[tilespmem:$0x1E080] =	vst v63  }
.Ltmp5:
0xb7: {  	_ =	swait.ge [sflag:s25], $0x4000;
	(pc) =	sbr.rel .LBB2_8-.Ltmp5, $3  }
0xb8: {  	[sflag:s25] =	ssyncset.done $0x0  }
0xb9: {  	[sflag:s25] =	ssyncadd.s32 $0xFFFFC000  }
0xba: {  	[bflag:$0x0] =	sbarrier.arrive $0xFFFF;
	_ =	sdelay $0x1  }
.LBB2_7:
.Ltmp6:
0xbb: {  	(pc) =	sbr.rel @p1 .LBB2_9-.Ltmp6, $2  }
0xbc: {  	_ =	sdelay $0x1  }
0xbd: {  	[bflag:$0x0] =	sbarrier.arrive $0xFFFF;
	_ =	sdelay $0x1  }
.LBB2_8:
0xbe: {  	s0 =	sshll.u32 @p0 s1, $0x6  }
0xbf: {  	s15 =	sshrl.u32 @p0 s8, $0x3;
	s0 =	sor.u32 @p0 $0x1C03, s0  }
0xc0: {  	[hbm:s14], [sflag:s0] =	dma.local @p0 [spmem:s15], $0x2700  }
0xc1: {  	s0 =	simm.s32 @p0 $0x3  }
0xc2: {  	_ =	swait.ge @p0 [sflag:s0], $0x2700  }
0xc3: {  	s15 =	sshll.u32 @!p0 s1, $0x6;
	[sflag:s0] =	ssyncset.done @p0 $0x0  }
0xc4: {  	[sflag:s0] =	ssyncadd.s32 @p0 $0xFFFFD900;
	s0 =	sor.u32 @!p0 $0x1C03, s15;
	s15 =	sshrl.u32 @!p0 s8, $0x3  }
0xc5: {  	[hbm:s13], [sflag:s0] =	dma.local @!p0 [spmem:s15], $0x2700  }
.Ltmp7:
0xc6: {  	_ = 	snop;
	(pc) =	sbr.rel .LBB2_10-.Ltmp7, $4  }
0xc7: {  	s0 =	simm.s32 @!p0 $0x3  }
0xc8: {  	_ =	swait.ge @!p0 [sflag:s0], $0x2700  }
0xc9: {  	[sflag:s0] =	ssyncset.done @!p0 $0x0  }
0xca: {  	[sflag:s0] =	ssyncadd.s32 @!p0 $0xFFFFD900  }
.LBB2_11:
0xcb: {  	_ =	sfence.sel $0x180000  }
0xcc: {  	[bflag:$0x0] =	sbarrier.arrive $0xFFFF  }
0xcd: {  	_ =	strace $0x9000004A  }
0xce: {  	[bflag:$0x2] =	sbarrier.arrive $0xFFFF  }
0xcf: {  	p0 =	sne.s32 s1, $0x0;
	s0 =	rddreg [dreg:$0x3]  }
0xd0: {  	s0 =	sadd.s32 @!p0 $0x100000, s0  }
0xd1: {  	[sflag:s0] =	ssyncadd.tile.s32 @!p0 $0x1;
	_ =	shalt  }
.Lfunc_end2:
_tile_overlayer_lowered:
.L_overlay_start_2:
0xd2: {  	(tag) =	ssettag $0x2  }
0xd3: {  	s0 =	rddreg [dreg:$0x0];
	s2 =	stileid.u32  }
0xd4: {  	s1 =	rddreg [dreg:$0x1];
	p0 =	sne.s32 s2, $0x0  }
0xd5: {  	s3 =	rddreg [dreg:$0x2];
	[bflag:$0x3] =	sbarrier.arrive $0xFFFF;
	s2 =	simm.s32 @!p0 $0x1C03  }
0xd6: {  	[timem:s3], [sflag:s2] =	dma.local @!p0 [hbm:s0], s1  }
0xd7: {  	s0 =	simm.s32 @!p0 $0x3  }
0xd8: {  	_ =	swait.ge @!p0 [sflag:s0], s1  }
0xd9: {  	s1 =	ssub.s32 @!p0 $0x0, s1;
	[sflag:s0] =	ssyncset.done @!p0 $0x0  }
0xda: {  	[sflag:s0] =	ssyncadd.s32 @!p0 s1  }
0xdb: {  	[bflag:$0x3] =	sbarrier.arrive $0xFFFF  }
0xdc: {  	_ =	shalt  }

// kernel: kernel.7.cloned.1.call-start
scs
__scs_entry_jumppad:
0x0: {  	(pc) =	sbr.rel $0x88, $3  }
0x1: {  	(tag) =	ssettag $0x0;
	lr =	simm.s32 $0x1  }
0x2: {  	[smem:$0x3F99] =	sst lr;
	_ =	strace $0xD0000000  }
0x3: {  	_ = 	snop  }
0x4: {  	_ = 	snop  }
0x5: {  	_ = 	snop  }
0x6: {  	_ = 	snop  }
0x7: {  	_ = 	snop  }
__scs_overlays_trampoline_lowered:
0x8: {  	[smem:$0x3FA8] =	sst s0  }
0x9: {  	[smem:$0x3FA9] =	sst s1  }
0xa: {  	[smem:$0x3FAA] =	sst s2  }
0xb: {  	[smem:$0x3FAB] =	sst s3  }
0xc: {  	[smem:$0x3FAC] =	sst s4  }
0xd: {  	[smem:$0x3FAD] =	sst s5  }
0xe: {  	[smem:$0x3FAE] =	sst s6  }
0xf: {  	[smem:$0x3FAF] =	sst s7  }
0x10: {  	[smem:$0x3FB0] =	sst s8  }
0x11: {  	[smem:$0x3FB1] =	sst s9;
	s0 =	simm.s32 @!p0 $0x0  }
0x12: {  	s1 =	sld [smem:$0x3F97];
	s0 =	simm.s32 @p0 $0x1  }
0x13: {  	[smem:$0x3FB2] =	sst s0;
	s0 =	simm.s32 @!p1 $0x0  }
0x14: {  	s2 =	sld [smem:$0x3F96];
	s0 =	simm.s32 @p1 $0x1  }
0x15: {  	[smem:$0x3FB3] =	sst s0;
	s0 =	simm.s32 @!p2 $0x0  }
0x16: {  	s3 =	sld [smem:$0x3FDB];
	s0 =	simm.s32 @p2 $0x1  }
0x17: {  	s4 =	simm.s32 $0x1BF5;
	[smem:$0x3FB5] =	sst s0  }
0x18: {  	s0 =	sld [smem:$0x3F98];
	_ =	swait.ge [sflag:s4], $0x0  }
0x19: {  	s7 =	sld [smem:$0x3F99]  }
0x1a: {  	s8 =	sadd.s32 $0xFFFFE003, lr  }
0x1b: {  	s9 =	sadd.s32 $0xFFFFFEF7, lr;
	s5 =	simm.s32 $0xFFFFFFFF;
	p2 =	slt.u32 s8, $0xFFFFF086  }
0x1c: {  	p1 =	slt.u32 s9, $0xF7A;
	s5 =	simm.s32 @!p2 $0x0  }
0x1d: {  	s5 =	simm.s32 @p1 $0x1;
	p0 =	seq.s32 s7, s2  }
0x1e: {  	s7 =	smul.u32 @!p0 $0xF7A, s2;
	p2 =	seq.s32 @!p0 s5, $0x0  }
0x1f: {  	s9 =	smul.u32 $0xF7A, s1;
	s8 =	simm.s32 @!p0 $0x1BF5;
	p2 =	por !p2, p0  }
0x20: {  	[sflag:s8] =	ssyncset.s32 @!p0 $0xFFFFF086;
	s6 =	sadd.s32 @!p0 s3, s7;
	s7 =	simm.s32 @!p0 $0x108  }
0x21: {  	s3 =	sadd.s32 s3, s9;
	s6 =	sadd.s32 @!p0 $0x88, s6;
	s7 =	simm.s32 @p2 $0x1082  }
0x22: {  	[simem:s7], [sflag:s8] =	dma.local @!p0 [hbm:s6], $0xF7A  }
0x23: {  	s9 =	sor.u32 $0xD0000000, s2;
	s6 =	simm.s32 $0x108;
	_ =	swait.ge @!p0 [sflag:s8], $0x0  }
0x24: {  	s3 =	sadd.s32 $0x88, s3;
	s6 =	simm.s32 @!p1 $0x1082;
	[sflag:s4] =	ssyncset.s32 $0xFFFFF086  }
0x25: {  	[simem:s6], [sflag:s4] =	dma.local [hbm:s3], $0xF7A  }
0x26: {  	[smem:$0x3F99] =	sst s1;
	(tag) =	ssettag s2;
	_ =	strace s9  }
0x27: {  	s1 =	sld [smem:$0x3FA9]  }
0x28: {  	s2 =	sld [smem:$0x3FAA]  }
0x29: {  	s4 =	sld [smem:$0x3FAC]  }
0x2a: {  	p0 =	seq.s32 s5, $0x0;
	s5 =	sld [smem:$0x3FAD]  }
0x2b: {  	s6 =	sld [smem:$0x3FAE]  }
0x2c: {  	s7 =	sld [smem:$0x3FAF]  }
0x2d: {  	s3 =	simm.s32 $0x108;
	s8 =	sld [smem:$0x3FB0]  }
0x2e: {  	s3 =	simm.s32 @!p0 $0x1082;
	s9 =	sld [smem:$0x3FB1]  }
0x2f: {  	lr =	sadd.s32 s0, s3;
	s0 =	sld [smem:$0x3FA8]  }
0x30: {  	s3 =	sld [smem:$0x3FAB]  }
0x31: {  	[smem:$0x3FB4] =	sst s10  }
0x32: {  	s10 =	sld [smem:$0x3FB2];
	_ =	sdelay $0x3  }
0x33: {  	p0 =	seq.s32 s10, $0x1;
	s10 =	sld [smem:$0x3FB4];
	_ =	sdelay $0x3  }
0x34: {  	[smem:$0x3FB4] =	sst s10  }
0x35: {  	s10 =	sld [smem:$0x3FB3];
	_ =	sdelay $0x3  }
0x36: {  	p1 =	seq.s32 s10, $0x1;
	s10 =	sld [smem:$0x3FB4];
	_ =	sdelay $0x3  }
0x37: {  	[smem:$0x3FB4] =	sst s10  }
0x38: {  	s10 =	sld [smem:$0x3FB5]  }
0x39: {  	_ = 	snop;
	(pc) =	sbr.ind lr, $3  }
0x3a: {  	_ = 	snop  }
0x3b: {  	_ = 	snop  }
0x3c: {  	p2 =	seq.s32 s10, $0x1;
	s10 =	sld [smem:$0x3FB4]  }
0x3d: {  	_ =	shalt  }
0x3e: {  	_ =	shalt  }
0x3f: {  	_ =	shalt  }
0x40: {  	_ =	shalt  }
0x41: {  	_ =	shalt  }
0x42: {  	_ =	shalt  }
0x43: {  	_ =	shalt  }
0x44: {  	_ =	shalt  }
0x45: {  	_ =	shalt  }
0x46: {  	_ =	shalt  }
0x47: {  	_ =	shalt  }
0x48: {  	_ =	shalt  }
0x49: {  	_ =	shalt  }
0x4a: {  	_ =	shalt  }
0x4b: {  	_ =	shalt  }
0x4c: {  	_ =	shalt  }
0x4d: {  	_ =	shalt  }
0x4e: {  	_ =	shalt  }
0x4f: {  	_ =	shalt  }
0x50: {  	_ =	shalt  }
0x51: {  	_ =	shalt  }
0x52: {  	_ =	shalt  }
0x53: {  	_ =	shalt  }
0x54: {  	_ =	shalt  }
0x55: {  	_ =	shalt  }
0x56: {  	_ =	shalt  }
0x57: {  	_ =	shalt  }
0x58: {  	_ =	shalt  }
0x59: {  	_ =	shalt  }
0x5a: {  	_ =	shalt  }
0x5b: {  	_ =	shalt  }
0x5c: {  	_ =	shalt  }
0x5d: {  	_ =	shalt  }
0x5e: {  	_ =	shalt  }
0x5f: {  	_ =	shalt  }
0x60: {  	_ =	shalt  }
0x61: {  	_ =	shalt  }
0x62: {  	_ =	shalt  }
0x63: {  	_ =	shalt  }
0x64: {  	_ =	shalt  }
0x65: {  	_ =	shalt  }
0x66: {  	_ =	shalt  }
0x67: {  	_ =	shalt  }
0x68: {  	_ =	shalt  }
0x69: {  	_ =	shalt  }
0x6a: {  	_ =	shalt  }
0x6b: {  	_ =	shalt  }
0x6c: {  	_ =	shalt  }
0x6d: {  	_ =	shalt  }
0x6e: {  	_ =	shalt  }
0x6f: {  	_ =	shalt  }
0x70: {  	_ =	shalt  }
0x71: {  	_ =	shalt  }
0x72: {  	_ =	shalt  }
0x73: {  	_ =	shalt  }
0x74: {  	_ =	shalt  }
0x75: {  	_ =	shalt  }
0x76: {  	_ =	shalt  }
0x77: {  	_ =	shalt  }
0x78: {  	_ =	shalt  }
0x79: {  	_ =	shalt  }
0x7a: {  	_ =	shalt  }
0x7b: {  	_ =	shalt  }
0x7c: {  	_ =	shalt  }
0x7d: {  	_ =	shalt  }
0x7e: {  	_ =	shalt  }
0x7f: {  	_ =	shalt  }
0x80: {  	_ =	shalt  }
0x81: {  	_ =	shalt  }
0x82: {  	_ =	shalt  }
0x83: {  	_ =	shalt  }
0x84: {  	_ =	shalt  }
0x85: {  	_ =	shalt  }
0x86: {  	_ =	shalt  }
0x87: {  	_ =	shalt  }
.Lfunc_end0:
.L_simem_size_0:
called_computation_lowered:
.L_overlay_start_0:
0x88: {  	s2 =	sld [smem:$0x3FD9]  }
0x89: {  	s3 =	sld [smem:$0x3FFE];
	_ =	sdelay $0x1  }
0x8a: {  	s1 =	srdreg.scid  }
0x8b: {  	s0 =	sand.u32 $0x1, s1  }
0x8c: {  	s17 =	sshll.u32 s0, $0xA;
	s2 =	sadd.s32 s3, s2  }
0x8d: {  	s2 =	sadd.s32 s2, s17  }
0x8e: {  	[smem:$0x3FC0] =	sst s2  }
0x8f: {  	_ = 	snop  }
0x90: {  	s2 =	sld [smem:$0x3FC9]  }
0x91: {  	s18 =	sld [smem:$0x3FD0];
	(tm) =	ssettm $0x1  }
0x92: {  	s4 =	sld [smem:$0x3FFB];
	_ =	sdelay $0x3  }
0x93: {  	_ =	strace s4  }
0x94: {  	s4 =	sld [smem:$0x3FFC];
	_ =	sdelay $0x3  }
0x95: {  	_ =	strace s4  }
0x96: {  	s4 =	sld [smem:$0x3FFD];
	_ =	sdelay $0x3  }
0x97: {  	_ =	strace s4  }
0x98: {  	_ =	strace $0x8FFFFFFF  }
0x99: {  	s19 =	sld [smem:$0x3FDB];
	_ =	sdelay $0x1  }
0x9a: {  	s5 =	simm.s32 $_scs_section_size  }
0x9b: {  	s6 =	simm.s32 $_size__tile_overlayer_lowered;
	s7 =	simm.s32 $_tile_overlayer_lowered  }
0x9c: {  	s22 =	simm.s32 $0x1BFF;
	s21 =	sshll.u32 s7, $0x1;
	s4 =	sadd.s32 s5, s19  }
0x9d: {  	s8 =	simm.s32 $0x0;
	s20 =	sshll.u32 s6, $0x1;
	s6 =	sadd.s32 s21, s4  }
0x9e: {  	[timem:s8], [sflag:s22] =	dma.local [hbm:s6], s20  }
0x9f: {  	_ =	swait.ge [sflag:s22], s20  }
0xa0: {  	s5 =	ssub.s32 $0x0, s20;
	[sflag:s22] =	ssyncset.done $0x0  }
0xa1: {  	[sflag:s22] =	ssyncadd.s32 s5;
	_ =	sdelay $0x1  }
0xa2: {  	s23 =	simm.s32 $0x1B8B  }
0xa3: {  	_ =	swait.ge [sflag:s23], $0x1  }
0xa4: {  	[sflag:s23] =	ssyncset.done $0x0  }
0xa5: {  	s25 =	simm.s32 $0x1B8E;
	s24 =	sld [smem:$0x3FFE];
	[sflag:s23] =	ssyncadd.s32 $0xFFFFFFFF  }
0xa6: {  	s26 =	simm.s32 $execute0_lowered;
	[smem:$0x3FD2] =	sst s25  }
0xa7: {  	s6 =	sshll.u32 s26, $0x1;
	_ =	strace $0x80000046;
	[dreg:$0x1] =	wrdreg $0xFFFFFFFF  }
0xa8: {  	s28 =	simm.s32 $_size_execute0_lowered;
	s4 =	sadd.s32 s4, s6;
	[dreg:$0x0] =	wrdreg $0x0  }
0xa9: {  	s6 =	sshll.u32 s28, $0x1;
	[dreg:$0x2] =	wrdreg s4  }
0xaa: {  	[dreg:$0x3] =	wrdreg s6  }
0xab: {  	[dreg:$0x4] =	wrdreg $0xC0  }
0xac: {  	_ =	task [dreg:s8], $0x5FFFF  }
0xad: {  	[dreg:$0x1] =	wrdreg $0xFFFFFFFF  }
0xae: {  	[dreg:$0x0] =	wrdreg $0x60  }
0xaf: {  	[dreg:$0x2] =	wrdreg s2  }
0xb0: {  	[dreg:$0x3] =	wrdreg s24  }
0xb1: {  	[dreg:$0x4] =	wrdreg s18  }
0xb2: {  	[dreg:$0x5] =	wrdreg $0x0  }
0xb3: {  	[dreg:$0x6] =	wrdreg $0x138800  }
0xb4: {  	[dreg:$0x7] =	wrdreg $0x13AF80  }
0xb5: {  	[dreg:$0x8] =	wrdreg $0x9  }
0xb6: {  	_ =	task.clear_ibuf [dreg:s8], $0x9FFFF;
	_ =	strace $0x90000046  }
0xb7: {  	s29 =	simm.s32 $0x9;
	_ =	strace $0x80000048  }
0xb8: {  	_ =	swait.ge [sflag:s29], $0x1  }
0xb9: {  	[sflag:s29] =	ssyncadd.s32 $0xFFFFFFFF  }
0xba: {  	_ =	strace $0x90000048  }
0xbb: {  	_ =	sfence  }
0xbc: {  	s30 =	sld [smem:$0x0];
	_ =	sdelay $0x2  }
0xbd: {  	s31 =	sshll.u32 s1, $0xD;
	s1 =	sshrl.u32 s1, $0x2  }
0xbe: {  	s3 =	sand.u32 $0x4000, s31;
	s1 =	sadd.s32 s1, s30  }
0xbf: {  	s0 =	sor.u32 s3, s0;
	s1 =	sshll.u32 s1, $0x11  }
0xc0: {  	s0 =	sor.u32 s1, s0  }
0xc1: {  	s0 =	sadd.s32 $0x8F2B, s0  }
0xc2: {  	[sflag:s0] =	ssyncadd.remote.s32 $0x1  }
0xc3: {  	_ =	sfence.sel $0xFFFF  }
0xc4: {  	[dreg:$0x0] =	wrdreg $0xFFFFFFFF;
	(pc) =	sbr.abs _section_cstart, $3  }
0xc5: {  	[dreg:$0x1] =	wrdreg $0xFFFFFFFF  }
0xc6: {  	_ =	task.clear_ibuf [dreg:s8], $0x2FFFF;
	_ =	strace $0x9FFFFFFF  }
0xc7: {  	(tm) =	ssettm $0x7FFFFFFF  }
tec
execute0_lowered:
.L_overlay_start_1:
0x0: {  	(tag) =	ssettag $0x1  }
0x1: {  	s1 =	rddreg [dreg:$0x0]  }
0x2: {  	s0 =	rddreg [dreg:$0x1]  }
0x3: {  	s3 =	rddreg [dreg:$0x3]  }
0x4: {  	s4 =	rddreg [dreg:$0x4]  }
0x5: {  	s5 =	rddreg [dreg:$0x5]  }
0x6: {  	s2 =	simm.s32 $0x0;
	s6 =	stileid.u32;
	s25 =	srdreg.scid  }
0x7: {  	s28 =	simm.s32 $0x16570;
	s29 =	simm.s32 $0x1A570;
	s30 =	simm.s32 $0x1  }
0x8: {  	s31 =	simm.s32 $0x4;
	[smem:$0x7FF] =	sst s2;
	s7 =	smul.u32 $0x2700, s6  }
0x9: {  	s2 =	sand.u32 $0x1, s25;
	s11 =	sshll.u32 s6, $0x1;
	s12 =	sadd.s32 $0x3E00, s0  }
0xa: {  	s15 =	sadd.s32 $0xDE00, s0;
	s8 =	sadd.s32 $0x17E00, s0;
	s9 =	sadd.s32 $0x1B200, s0  }
0xb: {  	s16 =	smul.u32 $0x4E000, s6;
	s18 =	sadd.s32 $0x1B800, s0;
	s20 =	sadd.s32 $0x1A600, s0  }
0xc: {  	s25 =	sadd.s32 $0x40700, s0;
	p1 =	sne.s32 s6, $0xF;
	p4 =	sgt.u32 s6, $0x1  }
0xd: {  	_ =	strace $0x80000047;
	s10 =	sor.u32 s2, s11;
	s14 =	ssub.s32 $0x2, s2  }
0xe: {  	p0 =	seq.s32 s2, $0x1;
	[dreg:$0xd] =	wrdreg s25;
	p3 =	sne.s32 @p1 s6, $0x0  }
0xf: {  	s25 =	simm.s32 $0x16470;
	s7 =	sadd.s32 s7, s0;
	s13 =	smul.u32 $0x500, s10  }
0x10: {  	s17 =	sshrl.u32 s14, $0x1;
	s19 =	smul.u32 $0x2800, s10;
	s10 =	sadd.s32 $0x1AC00, s0  }
0x11: {  	s0 =	sadd.s32 $0x67900, s0;
	s9 =	smov.u32 @p0 s18;
	p2 =	por p3, !p1  }
0x12: {  	p3 =	por !p3, !p1;
	s18 =	simm.s32 $0x0;
	s21 =	ssub.s32 s14, s17  }
0x13: {  	s17 =	sshrl.u32 s16, $0x2;
	s14 =	sadd.s32 $0x124800, s3;
	s23 =	sadd.s32 $0x1BE00, s7  }
0x14: {  	s24 =	sadd.s32 $0x43000, s7;
	[dreg:$0xe] =	wrdreg s0;
	s10 =	smov.u32 @p0 s20  }
0x15: {  	s0 =	simm.s32 @!p3 $0x0;
	s20 =	simm.s32 $0x2;
	[dreg:$0xb] =	wrdreg s23  }
0x16: {  	s26 =	sadd.s32 s12, s13;
	s19 =	sshrl.u32 s19, $0x3;
	[dreg:$0xc] =	wrdreg s24  }
0x17: {  	s13 =	sadd.s32 s15, s13;
	s24 =	simm.s32 $0x3;
	[dreg:$0x7] =	wrdreg s26  }
0x18: {  	s0 =	simm.s32 @p3 $0x1;
	p3 =	seq.s32 s6, $0xF;
	[dreg:$0x8] =	wrdreg s13  }
0x19: {  	s13 =	sadd.s32 s17, s3;
	s16 =	sadd.s32 $0x280, s19;
	s17 =	ssub.s32 $0x484, s11  }
.Ltmp0:
0x1a: {  	s26 =	smax.u32 s21, $0x1;
	[smem:$0x7FC] =	sst s0;
	(pc) =	sbr.rel .LBB2_1-.Ltmp0, $4  }
0x1b: {  	s0 =	simm.s32 @!p3 $0x0;
	s12 =	sadd.s32 s12, s16;
	[dreg:$0xf] =	wrdreg s26  }
0x1c: {  	s21 =	simm.s32 $0x150F0;
	s22 =	sadd.s32 s15, s16;
	[dreg:$0x9] =	wrdreg s12  }
0x1d: {  	s19 =	simm.s32 $0x164F0;
	s0 =	simm.s32 @p3 $0x1;
	[dreg:$0xa] =	wrdreg s22  }
0x1e: {  	v0 =	vimm.f32 $1.000000000e+00;
	s26 =	simm.s32 $0x80;
	[smem:$0x7FD] =	sst s0;
	s0 =	simm.s32 $0x1E570  }
.LBB2_9:
0x1f: {  	s2 =	sshrl.u32 @p0 s14, $0x3;
	s7 =	simm.s32 @p0 $0x1FC3;
	s11 =	rddreg [dreg:$0xe]  }
0x20: {  	[hbm:s11], [sflag:s7] =	dma.local @p0 [spmem:s2], $0x2800  }
0x21: {  	s2 =	simm.s32 @p0 $0x3  }
0x22: {  	_ =	swait.ge @p0 [sflag:s2], $0x2800  }
0x23: {  	s7 =	simm.s32 @!p0 $0x1FC3;
	[sflag:s2] =	ssyncset.done @p0 $0x0  }
0x24: {  	s11 =	rddreg [dreg:$0xd];
	[sflag:s2] =	ssyncadd.s32 @p0 $0xFFFFD800;
	s2 =	sshrl.u32 @!p0 s14, $0x3  }
0x25: {  	[hbm:s11], [sflag:s7] =	dma.local @!p0 [spmem:s2], $0x2800  }
0x26: {  	s2 =	simm.s32 @!p0 $0x3  }
0x27: {  	_ =	swait.ge @!p0 [sflag:s2], $0x2800  }
0x28: {  	[sflag:s2] =	ssyncset.done @!p0 $0x0  }
0x29: {  	[sflag:s2] =	ssyncadd.s32 @!p0 $0xFFFFD800  }
.LBB2_10:
0x2a: {  	s2 =	sshll.u32 @p6 s6, $0x6  }
0x2b: {  	s7 =	sshrl.u32 @p6 s4, $0x3;
	s2 =	sor.u32 @p6 $0x1C03, s2  }
0x2c: {  	[hbm:s9], [sflag:s2] =	dma.local @p6 [spmem:s7], $0x4F0  }
0x2d: {  	s7 =	simm.s32 @p6 $0x3  }
0x2e: {  	_ =	swait.ge @p6 [sflag:s7], $0x4F0  }
0x2f: {  	[sflag:s7] =	ssyncset.done @p6 $0x0  }
0x30: {  	s11 =	sshrl.u32 @p6 s5, $0x3;
	[sflag:s7] =	ssyncadd.s32 @p6 $0xFFFFFB10  }
0x31: {  	[hbm:s10], [sflag:s2] =	dma.local @p6 [spmem:s11], $0x4F0  }
0x32: {  	_ =	swait.ge @p6 [sflag:s7], $0x4F0  }
0x33: {  	s18 =	sadd.s32 $0x1, s18;
	s23 =	rddreg [dreg:$0xf]  }
0x34: {  	p3 =	sne.s32 s18, s23  }
.Ltmp1:
0x35: {  	_ = 	snop;
	(pc) =	sbr.rel @!p3 .LBB2_11-.Ltmp1, $3  }
0x36: {  	_ =	sdelay $0x1  }
0x37: {  	[sflag:s7] =	ssyncset.done @p6 $0x0  }
0x38: {  	[sflag:s7] =	ssyncadd.s32 @p6 $0xFFFFFB10  }
.LBB2_1:
0x39: {  	[tilespmem:$0x1E570] =	vst v0  }
0x3a: {  	[tilespmem:$0x1E580] =	vst v0  }
0x3b: {  	[tilespmem:$0x1E590] =	vst v0  }
0x3c: {  	[tilespmem:$0x1E5A0] =	vst v0  }
0x3d: {  	[tilespmem:$0x1E5B0] =	vst v0  }
0x3e: {  	[tilespmem:$0x1E5C0] =	vst v0  }
0x3f: {  	[tilespmem:$0x1E5D0] =	vst v0  }
0x40: {  	[tilespmem:$0x1E5E0] =	vst v0;
	s2 =	simm.s32 $0x0;
	s7 =	rddreg [dreg:$0x7];
	s11 =	simm.s32 $0x13D70  }
0x41: {  	[tilespmem:s11], [sflag:$0x3] =	stream.linear.gather [hbm4b:s7+s2], $0x1400, $0x38;
	[tilespmem:$0x1E5F0] =	vst v63  }
0x42: {  	_ =	swait.ge [sflag:s24], $0x1400  }
0x43: {  	[sflag:s24] =	ssyncset.done $0x0  }
0x44: {  	s12 =	simm.s32 $0x15170;
	s23 =	rddreg [dreg:$0x8];
	[sflag:s24] =	ssyncadd.s32 $0xFFFFEC00  }
0x45: {  	[tilespmem:s12], [sflag:$0x3] =	stream.linear.gather [hbm4b:s23+s2], $0x1400, $0x38;
	[tilespmem:$0x1E5F0] =	vst v63  }
0x46: {  	_ =	swait.ge [sflag:s24], $0x1400  }
0x47: {  	s2 =	sshll.u32 @p1 s6, $0x6;
	[sflag:s24] =	ssyncset.done $0x0  }
0x48: {  	s7 =	sshrl.u32 @p1 s13, $0x3;
	s2 =	sor.u32 @p1 $0x1C03, s2;
	[sflag:s24] =	ssyncadd.s32 $0xFFFFEC00  }
0x49: {  	[tilespmem:s28], [sflag:$0x1] =	stream.indirect.gather [hbm4b:s1+s26], $0x80, s11, s26, $0xb8;
	[tilespmem:$0x1E5F0] =	vst v63  }
0x4a: {  	[spmem:s7], [sflag:s2] =	dma.local @p1 [hbm:s8], $0x2700  }
0x4b: {  	s2 =	simm.s32 @p1 $0x3  }
0x4c: {  	_ =	swait.ge @p1 [sflag:s2], $0x2700  }
0x4d: {  	[sflag:s2] =	ssyncset.done @p1 $0x0  }
0x4e: {  	[sflag:s2] =	ssyncadd.s32 @p1 $0xFFFFD900  }
0x4f: {  	s7 =	simm.s32 @!p2 $0x1C03;
	s2 =	sshrl.u32 @!p2 s4, $0x3;
	s12 =	rddreg [dreg:$0x2]  }
0x50: {  	[spmem:s2], [sflag:s7] =	dma.local @!p2 [hbm:s12], $0x4F0  }
0x51: {  	s2 =	simm.s32 @!p2 $0x3  }
0x52: {  	_ =	swait.ge @!p2 [sflag:s2], $0x4F0  }
0x53: {  	[sflag:s2] =	ssyncset.done @!p2 $0x0  }
0x54: {  	s11 =	sshrl.u32 @!p2 s5, $0x3;
	[sflag:s2] =	ssyncadd.s32 @!p2 $0xFFFFFB10  }
0x55: {  	[spmem:s11], [sflag:s7] =	dma.local @!p2 [hbm:s12], $0x4F0  }
0x56: {  	_ =	swait.ge @!p2 [sflag:s2], $0x4F0  }
0x57: {  	[sflag:s2] =	ssyncset.done @!p2 $0x0  }
0x58: {  	s7 =	simm.s32 @!p1 $0x1FC3;
	[sflag:s2] =	ssyncadd.s32 @!p2 $0xFFFFFB10;
	s2 =	sshrl.u32 @!p1 s14, $0x3  }
0x59: {  	[spmem:s2], [sflag:s7] =	dma.local @!p1 [hbm:s8], $0x2800  }
0x5a: {  	s2 =	simm.s32 @!p1 $0x3  }
0x5b: {  	_ =	swait.ge @!p1 [sflag:s2], $0x2800  }
0x5c: {  	[sflag:s2] =	ssyncset.done @!p1 $0x0  }
0x5d: {  	[sflag:s2] =	ssyncadd.s32 @!p1 $0xFFFFD800  }
0x5e: {  	s11 =	simm.s32 $0x13DF0;
	[bflag:$0x0] =	sbarrier.arrive $0xFFFF  }
0x5f: {  	[tilespmem:s29], [sflag:$0x2] =	stream.indirect.gather [hbm4b:s1+s26], $0x80, s11, s26, $0xb8;
	[tilespmem:$0x1E5F0] =	vst v63  }
0x60: {  	_ =	swait.ge [sflag:s30], $0x4000  }
0x61: {  	[sflag:s30] =	ssyncset.done $0x0  }
0x62: {  	s12 =	simm.s32 $0x15170;
	[sflag:s30] =	ssyncadd.s32 $0xFFFFC000  }
0x63: {  	[spmem:s3] =	stream.indirect.scatter.add.f32 [tilespmem:s28], [sflag:$0x4], $0x80, s12, s26, $0xb8;
	[tilespmem:$0x1E5F0] =	vst v63  }
0x64: {  	_ =	swait.ge [sflag:s31], $0x4000  }
0x65: {  	[sflag:s31] =	ssyncset.done $0x0  }
0x66: {  	[sflag:s31] =	ssyncadd.s32 $0xFFFFC000  }
0x67: {  	[spmem:s4] =	stream.indirect.scatter.add.f32 [tilespmem:s0], [sflag:$0x4], $0x1, s12, s26, $0xb8;
	[tilespmem:$0x1E5F0] =	vst v63  }
0x68: {  	_ =	swait.ge [sflag:s31], $0x80  }
0x69: {  	[sflag:s31] =	ssyncset.done $0x0  }
0x6a: {  	s15 =	simm.s32 $0x13D70;
	[sflag:s31] =	ssyncadd.s32 $0xFFFFFF80  }
0x6b: {  	[spmem:s5] =	stream.indirect.scatter.add.f32 [tilespmem:s0], [sflag:$0x4], $0x1, s15, s26, $0xb8;
	[tilespmem:$0x1E5F0] =	vst v63  }
0x6c: {  	_ =	swait.ge [sflag:s31], $0x80  }
0x6d: {  	[sflag:s31] =	ssyncset.done $0x0  }
0x6e: {  	s16 =	simm.s32 $0x13E70;
	[sflag:s31] =	ssyncadd.s32 $0xFFFFFF80  }
0x6f: {  	[tilespmem:s28], [sflag:$0x1] =	stream.indirect.gather [hbm4b:s1+s26], $0x80, s16, s26, $0xb8;
	[tilespmem:$0x1E5F0] =	vst v63  }
0x70: {  	_ =	swait.ge [sflag:s20], $0x4000  }
0x71: {  	[sflag:s20] =	ssyncset.done $0x0  }
0x72: {  	s22 =	simm.s32 $0x151F0;
	[sflag:s20] =	ssyncadd.s32 $0xFFFFC000  }
0x73: {  	[spmem:s3] =	stream.indirect.scatter.add.f32 [tilespmem:s29], [sflag:$0x4], $0x80, s22, s26, $0xb8;
	[tilespmem:$0x1E5F0] =	vst v63  }
0x74: {  	_ =	swait.ge [sflag:s31], $0x4000  }
0x75: {  	[sflag:s31] =	ssyncset.done $0x0  }
0x76: {  	[sflag:s31] =	ssyncadd.s32 $0xFFFFC000  }
0x77: {  	[spmem:s4] =	stream.indirect.scatter.add.f32 [tilespmem:s0], [sflag:$0x4], $0x1, s22, s26, $0xb8;
	[tilespmem:$0x1E5F0] =	vst v63  }
0x78: {  	_ =	swait.ge [sflag:s31], $0x80  }
0x79: {  	[sflag:s31] =	ssyncset.done $0x0;
	s23 =	sld [smem:$0x7FC]  }
0x7a: {  	p5 =	por @p1 $0x0, $0x0;
	[sflag:s31] =	ssyncadd.s32 $0xFFFFFF80  }
0x7b: {  	[spmem:s5] =	stream.indirect.scatter.add.f32 [tilespmem:s0], [sflag:$0x3], $0x1, s11, s26, $0xb8;
	[tilespmem:$0x1E5F0] =	vst v63  }
0x7c: {  	p6 =	por @!p2 $0x1, $0x1;
	s2 =	simm.s32 $0x100;
	p3 =	seq.s32 s23, $0x1  }
0x7d: {  	_ =	swait.ge [sflag:s24], $0x80;
	p6 =	por @!p3 p5, p5;
	p5 =	por @!p1 $0x0, $0x0  }
0x7e: {  	s15 =	simm.s32 $0x800;
	[sflag:s24] =	ssyncset.done $0x0;
	p6 =	por @!p1 p5, p5  }
.LBB2_2:
0x7f: {  	s12 =	sadd.s32 $0x13DF0, s2  }
0x80: {  	[sflag:s24] =	ssyncadd.s32 $0xFFFFFF80;
	s11 =	smov.u32 s15;
	s7 =	sadd.s32 $0x400, s15  }
0x81: {  	[tilespmem:s29], [sflag:$0x2] =	stream.indirect.gather [hbm4b:s1+s26], $0x80, s12, s26, $0xb8;
	[tilespmem:$0x1E5F0] =	vst v63  }
0x82: {  	p5 =	sne.s32 s15, $0x4800;
	_ =	swait.ge [sflag:s30], $0x4000  }
0x83: {  	[sflag:s30] =	ssyncset.done $0x0  }
0x84: {  	s15 =	sadd.s32 $0x15170, s2;
	[sflag:s30] =	ssyncadd.s32 $0xFFFFC000  }
0x85: {  	[spmem:s3] =	stream.indirect.scatter.add.f32 [tilespmem:s28], [sflag:$0x4], $0x80, s15, s26, $0xb8;
	[tilespmem:$0x1E5F0] =	vst v63  }
0x86: {  	_ =	swait.ge [sflag:s31], $0x4000  }
0x87: {  	[sflag:s31] =	ssyncset.done $0x0  }
0x88: {  	[sflag:s31] =	ssyncadd.s32 $0xFFFFC000  }
0x89: {  	[spmem:s4] =	stream.indirect.scatter.add.f32 [tilespmem:s0], [sflag:$0x4], $0x1, s15, s26, $0xb8;
	[tilespmem:$0x1E5F0] =	vst v63  }
0x8a: {  	_ =	swait.ge [sflag:s31], $0x80  }
0x8b: {  	[sflag:s31] =	ssyncset.done $0x0  }
0x8c: {  	s15 =	sadd.s32 $0x13D70, s2;
	[sflag:s31] =	ssyncadd.s32 $0xFFFFFF80  }
0x8d: {  	[spmem:s5] =	stream.indirect.scatter.add.f32 [tilespmem:s0], [sflag:$0x4], $0x1, s15, s26, $0xb8;
	[tilespmem:$0x1E5F0] =	vst v63  }
0x8e: {  	_ =	swait.ge [sflag:s31], $0x80  }
0x8f: {  	[sflag:s31] =	ssyncset.done $0x0  }
0x90: {  	s15 =	sadd.s32 $0x13E70, s2;
	[sflag:s31] =	ssyncadd.s32 $0xFFFFFF80  }
0x91: {  	[tilespmem:s28], [sflag:$0x1] =	stream.indirect.gather [hbm4b:s1+s26], $0x80, s15, s26, $0xb8;
	[tilespmem:$0x1E5F0] =	vst v63  }
0x92: {  	_ =	swait.ge [sflag:s20], $0x4000  }
0x93: {  	[sflag:s20] =	ssyncset.done $0x0  }
0x94: {  	s2 =	sadd.s32 $0x151F0, s2;
	[sflag:s20] =	ssyncadd.s32 $0xFFFFC000  }
0x95: {  	[spmem:s3] =	stream.indirect.scatter.add.f32 [tilespmem:s29], [sflag:$0x4], $0x80, s2, s26, $0xb8;
	[tilespmem:$0x1E5F0] =	vst v63  }
0x96: {  	_ =	swait.ge [sflag:s31], $0x4000  }
0x97: {  	[sflag:s31] =	ssyncset.done $0x0  }
0x98: {  	[sflag:s31] =	ssyncadd.s32 $0xFFFFC000  }
0x99: {  	[spmem:s4] =	stream.indirect.scatter.add.f32 [tilespmem:s0], [sflag:$0x4], $0x1, s2, s26, $0xb8;
	[tilespmem:$0x1E5F0] =	vst v63  }
0x9a: {  	_ =	swait.ge [sflag:s31], $0x80  }
.Ltmp2:
0x9b: {  	[sflag:s31] =	ssyncset.done $0x0;
	(pc) =	sbr.rel @p5 .LBB2_2-.Ltmp2, $4  }
0x9c: {  	[sflag:s31] =	ssyncadd.s32 $0xFFFFFF80  }
0x9d: {  	[spmem:s5] =	stream.indirect.scatter.add.f32 [tilespmem:s0], [sflag:$0x3], $0x1, s12, s26, $0xb8;
	[tilespmem:$0x1E5F0] =	vst v63  }
0x9e: {  	_ =	swait.ge [sflag:s24], $0x80  }
0x9f: {  	s15 =	smov.u32 s7;
	s2 =	sshra.s32 s11, $0x2;
	[sflag:s24] =	ssyncset.done $0x0  }
0xa0: {  	s7 =	sadd.s32 $0x13DF0, s2;
	[sflag:s24] =	ssyncadd.s32 $0xFFFFFF80  }
0xa1: {  	[tilespmem:s29], [sflag:$0x2] =	stream.indirect.gather [hbm4b:s1+s26], $0x80, s7, s26, $0xb8;
	[tilespmem:$0x1E5F0] =	vst v63  }
0xa2: {  	_ =	swait.ge [sflag:s30], $0x4000  }
0xa3: {  	[sflag:s30] =	ssyncset.done $0x0  }
0xa4: {  	s11 =	sadd.s32 $0x15170, s2;
	[sflag:s30] =	ssyncadd.s32 $0xFFFFC000  }
0xa5: {  	[spmem:s3] =	stream.indirect.scatter.add.f32 [tilespmem:s28], [sflag:$0x4], $0x80, s11, s26, $0xb8;
	[tilespmem:$0x1E5F0] =	vst v63  }
0xa6: {  	_ =	swait.ge [sflag:s31], $0x4000  }
0xa7: {  	[sflag:s31] =	ssyncset.done $0x0  }
0xa8: {  	[sflag:s31] =	ssyncadd.s32 $0xFFFFC000  }
0xa9: {  	[spmem:s4] =	stream.indirect.scatter.add.f32 [tilespmem:s0], [sflag:$0x4], $0x1, s11, s26, $0xb8;
	[tilespmem:$0x1E5F0] =	vst v63  }
0xaa: {  	_ =	swait.ge [sflag:s31], $0x80  }
0xab: {  	[sflag:s31] =	ssyncset.done $0x0  }
0xac: {  	s23 =	sadd.s32 $0x13D70, s2;
	[sflag:s31] =	ssyncadd.s32 $0xFFFFFF80  }
0xad: {  	[spmem:s5] =	stream.indirect.scatter.add.f32 [tilespmem:s0], [sflag:$0x4], $0x1, s23, s26, $0xb8;
	[tilespmem:$0x1E5F0] =	vst v63  }
0xae: {  	_ =	swait.ge [sflag:s31], $0x80  }
0xaf: {  	[sflag:s31] =	ssyncset.done $0x0  }
0xb0: {  	s12 =	sadd.s32 $0x13E70, s2;
	[sflag:s31] =	ssyncadd.s32 $0xFFFFFF80  }
0xb1: {  	[tilespmem:s28], [sflag:$0x1] =	stream.indirect.gather [hbm4b:s1+s26], $0x80, s12, s26, $0xb8;
	[tilespmem:$0x1E5F0] =	vst v63  }
0xb2: {  	_ =	swait.ge [sflag:s20], $0x4000  }
0xb3: {  	[sflag:s20] =	ssyncset.done $0x0  }
0xb4: {  	s15 =	sadd.s32 $0x151F0, s2;
	[sflag:s20] =	ssyncadd.s32 $0xFFFFC000  }
0xb5: {  	[spmem:s3] =	stream.indirect.scatter.add.f32 [tilespmem:s29], [sflag:$0x4], $0x80, s15, s26, $0xb8;
	[tilespmem:$0x1E5F0] =	vst v63  }
0xb6: {  	_ =	swait.ge [sflag:s31], $0x4000  }
0xb7: {  	[sflag:s31] =	ssyncset.done $0x0  }
0xb8: {  	[sflag:s31] =	ssyncadd.s32 $0xFFFFC000  }
0xb9: {  	[spmem:s4] =	stream.indirect.scatter.add.f32 [tilespmem:s0], [sflag:$0x4], $0x1, s15, s26, $0xb8;
	[tilespmem:$0x1E5F0] =	vst v63  }
0xba: {  	_ =	swait.ge [sflag:s31], $0x80  }
0xbb: {  	[sflag:s31] =	ssyncset.done $0x0  }
0xbc: {  	[sflag:s31] =	ssyncadd.s32 $0xFFFFFF80  }
0xbd: {  	[spmem:s5] =	stream.indirect.scatter.add.f32 [tilespmem:s0], [sflag:$0x3], $0x1, s7, s26, $0xb8;
	[tilespmem:$0x1E5F0] =	vst v63  }
0xbe: {  	_ =	swait.ge [sflag:s24], $0x80  }
0xbf: {  	[sflag:s24] =	ssyncset.done $0x0  }
0xc0: {  	[sflag:s24] =	ssyncadd.s32 $0xFFFFFF80  }
0xc1: {  	[tilespmem:s29], [sflag:$0x2] =	stream.indirect.gather [hbm4b:s1+s26], $0x80, s21, s26, $0xb8;
	[tilespmem:$0x1E5F0] =	vst v63  }
0xc2: {  	_ =	swait.ge [sflag:s30], $0x4000  }
0xc3: {  	[sflag:s30] =	ssyncset.done $0x0  }
0xc4: {  	[sflag:s30] =	ssyncadd.s32 $0xFFFFC000  }
0xc5: {  	[spmem:s3] =	stream.indirect.scatter.add.f32 [tilespmem:s28], [sflag:$0x4], $0x80, s25, s26, $0xb8;
	[tilespmem:$0x1E5F0] =	vst v63  }
0xc6: {  	_ =	swait.ge [sflag:s31], $0x4000  }
0xc7: {  	[sflag:s31] =	ssyncset.done $0x0  }
0xc8: {  	[sflag:s31] =	ssyncadd.s32 $0xFFFFC000  }
0xc9: {  	[spmem:s4] =	stream.indirect.scatter.add.f32 [tilespmem:s0], [sflag:$0x4], $0x1, s25, s26, $0xb8;
	[tilespmem:$0x1E5F0] =	vst v63  }
0xca: {  	_ =	swait.ge [sflag:s31], $0x80  }
0xcb: {  	[sflag:s31] =	ssyncset.done $0x0  }
0xcc: {  	s16 =	simm.s32 $0x15070;
	[sflag:s31] =	ssyncadd.s32 $0xFFFFFF80  }
0xcd: {  	[spmem:s5] =	stream.indirect.scatter.add.f32 [tilespmem:s0], [sflag:$0x4], $0x1, s16, s26, $0xb8;
	[tilespmem:$0x1E5F0] =	vst v63  }
0xce: {  	_ =	swait.ge [sflag:s31], $0x80  }
0xcf: {  	[sflag:s31] =	ssyncset.done $0x0  }
0xd0: {  	[sflag:s31] =	ssyncadd.s32 $0xFFFFFF80  }
0xd1: {  	_ =	swait.ge [sflag:s20], $0x4000  }
0xd2: {  	[sflag:s20] =	ssyncset.done $0x0  }
0xd3: {  	[sflag:s20] =	ssyncadd.s32 $0xFFFFC000  }
0xd4: {  	[spmem:s3] =	stream.indirect.scatter.add.f32 [tilespmem:s29], [sflag:$0x4], $0x80, s19, s26, $0xb8;
	[tilespmem:$0x1E5F0] =	vst v63  }
0xd5: {  	_ =	swait.ge [sflag:s31], $0x4000  }
0xd6: {  	[sflag:s31] =	ssyncset.done $0x0  }
0xd7: {  	[sflag:s31] =	ssyncadd.s32 $0xFFFFC000  }
0xd8: {  	[spmem:s4] =	stream.indirect.scatter.add.f32 [tilespmem:s0], [sflag:$0x4], $0x1, s19, s26, $0xb8;
	[tilespmem:$0x1E5F0] =	vst v63  }
0xd9: {  	_ =	swait.ge [sflag:s31], $0x80  }
0xda: {  	[sflag:s31] =	ssyncset.done $0x0  }
0xdb: {  	[sflag:s31] =	ssyncadd.s32 $0xFFFFFF80  }
0xdc: {  	[spmem:s5] =	stream.indirect.scatter.add.f32 [tilespmem:s0], [sflag:$0x3], $0x1, s21, s26, $0xb8;
	[tilespmem:$0x1E5F0] =	vst v63  }
0xdd: {  	_ =	swait.ge [sflag:s24], $0x80  }
0xde: {  	s22 =	simm.s32 $0x0;
	[sflag:s24] =	ssyncset.done $0x0  }
0xdf: {  	s23 =	simm.s32 $0x13D70;
	s15 =	rddreg [dreg:$0x9];
	[sflag:s24] =	ssyncadd.s32 $0xFFFFFF80  }
0xe0: {  	[tilespmem:s23], [sflag:$0x3] =	stream.linear.gather [hbm4b:s15+s22], $0x1400, $0x38;
	[tilespmem:$0x1E5F0] =	vst v63  }
0xe1: {  	_ =	swait.ge [sflag:s24], $0x1400  }
0xe2: {  	[sflag:s24] =	ssyncset.done $0x0  }
0xe3: {  	s16 =	simm.s32 $0x15170;
	s12 =	rddreg [dreg:$0xa];
	[sflag:s24] =	ssyncadd.s32 $0xFFFFEC00  }
0xe4: {  	[tilespmem:s16], [sflag:$0x3] =	stream.linear.gather [hbm4b:s12+s22], $0x1400, $0x38;
	[tilespmem:$0x1E5F0] =	vst v63  }
0xe5: {  	_ =	swait.ge [sflag:s24], $0x1400  }
0xe6: {  	[sflag:s24] =	ssyncset.done $0x0  }
0xe7: {  	[sflag:s24] =	ssyncadd.s32 $0xFFFFEC00  }
0xe8: {  	[tilespmem:s28], [sflag:$0x1] =	stream.indirect.gather [hbm4b:s1+s26], $0x80, s23, s26, $0xb8;
	[tilespmem:$0x1E5F0] =	vst v63  }
0xe9: {  	s22 =	simm.s32 $0x13DF0  }
0xea: {  	[tilespmem:s29], [sflag:$0x2] =	stream.indirect.gather [hbm4b:s1+s26], $0x80, s22, s26, $0xb8;
	[tilespmem:$0x1E5F0] =	vst v63  }
0xeb: {  	_ =	swait.ge [sflag:s30], $0x4000  }
0xec: {  	[sflag:s30] =	ssyncset.done $0x0  }
0xed: {  	[sflag:s30] =	ssyncadd.s32 $0xFFFFC000  }
0xee: {  	[spmem:s3] =	stream.indirect.scatter.add.f32 [tilespmem:s28], [sflag:$0x4], $0x80, s16, s26, $0xb8;
	[tilespmem:$0x1E5F0] =	vst v63  }
0xef: {  	_ =	swait.ge [sflag:s31], $0x4000  }
0xf0: {  	[sflag:s31] =	ssyncset.done $0x0  }
0xf1: {  	[sflag:s31] =	ssyncadd.s32 $0xFFFFC000  }
0xf2: {  	[spmem:s4] =	stream.indirect.scatter.add.f32 [tilespmem:s0], [sflag:$0x4], $0x1, s16, s26, $0xb8;
	[tilespmem:$0x1E5F0] =	vst v63  }
0xf3: {  	_ =	swait.ge [sflag:s31], $0x80  }
0xf4: {  	[sflag:s31] =	ssyncset.done $0x0  }
0xf5: {  	[sflag:s31] =	ssyncadd.s32 $0xFFFFFF80  }
0xf6: {  	[spmem:s5] =	stream.indirect.scatter.add.f32 [tilespmem:s0], [sflag:$0x4], $0x1, s23, s26, $0xb8;
	[tilespmem:$0x1E5F0] =	vst v63  }
0xf7: {  	p5 =	sle.u32 s17, $0x0;
	_ =	swait.ge [sflag:s31], $0x80  }
0xf8: {  	s11 =	simm.s32 @!p5 $0x80;
	[sflag:s31] =	ssyncset.done $0x0  }
0xf9: {  	s7 =	simm.s32 @!p5 $0x13E70;
	s12 =	simm.s32 @!p5 $0x16570;
	[sflag:s31] =	ssyncadd.s32 $0xFFFFFF80  }
0xfa: {  	[tilespmem:s12], [sflag:$0x1] =	stream.indirect.gather @!p5 [hbm4b:s1+s11], $0x80, s7, s11, $0xb8;
	[tilespmem:$0x1E5F0] =	vst v63  }
0xfb: {  	_ =	swait.ge [sflag:s20], $0x4000  }
0xfc: {  	[sflag:s20] =	ssyncset.done $0x0  }
0xfd: {  	s23 =	simm.s32 $0x151F0;
	[sflag:s20] =	ssyncadd.s32 $0xFFFFC000  }
0xfe: {  	[spmem:s3] =	stream.indirect.scatter.add.f32 [tilespmem:s29], [sflag:$0x4], $0x80, s23, s26, $0xb8;
	[tilespmem:$0x1E5F0] =	vst v63  }
0xff: {  	_ =	swait.ge [sflag:s31], $0x4000  }
0x100: {  	[sflag:s31] =	ssyncset.done $0x0  }
0x101: {  	[sflag:s31] =	ssyncadd.s32 $0xFFFFC000  }
0x102: {  	[spmem:s4] =	stream.indirect.scatter.add.f32 [tilespmem:s0], [sflag:$0x4], $0x1, s23, s26, $0xb8;
	[tilespmem:$0x1E5F0] =	vst v63  }
0x103: {  	_ =	swait.ge [sflag:s31], $0x80  }
0x104: {  	[sflag:s31] =	ssyncset.done $0x0  }
0x105: {  	s2 =	simm.s32 $0x15270;
	s7 =	simm.s32 $0x40;
	[sflag:s31] =	ssyncadd.s32 $0xFFFFFF80  }
0x106: {  	[spmem:s5] =	stream.indirect.scatter.add.f32 [tilespmem:s0], [sflag:$0x3], $0x1, s22, s26, $0xb8;
	[tilespmem:$0x1E5F0] =	vst v63  }
0x107: {  	s12 =	simm.s32 $0x80;
	s11 =	simm.s32 $0x13E70;
	_ =	swait.ge [sflag:s24], $0x80  }
.LBB2_4:
0x108: {  	s15 =	sadd.s32 $0x80, s11  }
0x109: {  	[sflag:s24] =	ssyncset.done $0x0;
	s16 =	smov.u32 s12;
	s12 =	sadd.s32 $0x40, s12  }
0x10a: {  	p5 =	sne.s32 s12, $0x4C0;
	[sflag:s24] =	ssyncadd.s32 $0xFFFFFF80  }
0x10b: {  	[tilespmem:s29], [sflag:$0x2] =	stream.indirect.gather [hbm4b:s1+s26], $0x80, s15, s26, $0xb8;
	[tilespmem:$0x1E5F0] =	vst v63  }
0x10c: {  	_ =	swait.ge [sflag:s30], $0x4000  }
0x10d: {  	[sflag:s30] =	ssyncset.done $0x0  }
0x10e: {  	[sflag:s30] =	ssyncadd.s32 $0xFFFFC000  }
0x10f: {  	[spmem:s3] =	stream.indirect.scatter.add.f32 [tilespmem:s28], [sflag:$0x4], $0x80, s2, s26, $0xb8;
	[tilespmem:$0x1E5F0] =	vst v63  }
0x110: {  	_ =	swait.ge [sflag:s31], $0x4000  }
0x111: {  	[sflag:s31] =	ssyncset.done $0x0  }
0x112: {  	[sflag:s31] =	ssyncadd.s32 $0xFFFFC000  }
0x113: {  	[spmem:s4] =	stream.indirect.scatter.add.f32 [tilespmem:s0], [sflag:$0x4], $0x1, s2, s26, $0xb8;
	[tilespmem:$0x1E5F0] =	vst v63  }
0x114: {  	_ =	swait.ge [sflag:s31], $0x80  }
0x115: {  	[sflag:s31] =	ssyncset.done $0x0  }
0x116: {  	[sflag:s31] =	ssyncadd.s32 $0xFFFFFF80  }
0x117: {  	[spmem:s5] =	stream.indirect.scatter.add.f32 [tilespmem:s0], [sflag:$0x4], $0x1, s11, s26, $0xb8;
	[tilespmem:$0x1E5F0] =	vst v63  }
0x118: {  	p3 =	sge.u32 s7, s17;
	s7 =	smov.u32 s16;
	_ =	swait.ge [sflag:s31], $0x80  }
0x119: {  	s16 =	sadd.s32 @!p3 $0x100, s11;
	s23 =	simm.s32 @!p3 $0x80;
	[sflag:s31] =	ssyncset.done $0x0  }
0x11a: {  	s22 =	simm.s32 @!p3 $0x16570;
	[sflag:s31] =	ssyncadd.s32 $0xFFFFFF80  }
0x11b: {  	[tilespmem:s22], [sflag:$0x1] =	stream.indirect.gather @!p3 [hbm4b:s1+s23], $0x80, s16, s23, $0xb8;
	[tilespmem:$0x1E5F0] =	vst v63  }
0x11c: {  	_ =	swait.ge [sflag:s20], $0x4000  }
0x11d: {  	s16 =	sadd.s32 $0x80, s2;
	[sflag:s20] =	ssyncset.done $0x0  }
0x11e: {  	[sflag:s20] =	ssyncadd.s32 $0xFFFFC000  }
0x11f: {  	[spmem:s3] =	stream.indirect.scatter.add.f32 [tilespmem:s29], [sflag:$0x4], $0x80, s16, s26, $0xb8;
	[tilespmem:$0x1E5F0] =	vst v63  }
0x120: {  	_ =	swait.ge [sflag:s31], $0x4000  }
0x121: {  	[sflag:s31] =	ssyncset.done $0x0  }
0x122: {  	[sflag:s31] =	ssyncadd.s32 $0xFFFFC000  }
0x123: {  	[spmem:s4] =	stream.indirect.scatter.add.f32 [tilespmem:s0], [sflag:$0x4], $0x1, s16, s26, $0xb8;
	[tilespmem:$0x1E5F0] =	vst v63  }
.Ltmp3:
0x124: {  	_ =	swait.ge [sflag:s31], $0x80;
	(pc) =	sbr.rel @p5 .LBB2_4-.Ltmp3, $4  }
0x125: {  	[sflag:s31] =	ssyncset.done $0x0  }
0x126: {  	[sflag:s31] =	ssyncadd.s32 $0xFFFFFF80  }
0x127: {  	[spmem:s5] =	stream.indirect.scatter.add.f32 [tilespmem:s0], [sflag:$0x3], $0x1, s15, s26, $0xb8;
	[tilespmem:$0x1E5F0] =	vst v63  }
0x128: {  	s11 =	sadd.s32 $0x100, s11;
	s2 =	sadd.s32 $0x100, s2;
	_ =	swait.ge [sflag:s24], $0x80  }
0x129: {  	[sflag:s24] =	ssyncset.done $0x0  }
0x12a: {  	s12 =	sadd.s32 $0x80, s11;
	[sflag:s24] =	ssyncadd.s32 $0xFFFFFF80  }
0x12b: {  	[tilespmem:s29], [sflag:$0x2] =	stream.indirect.gather [hbm4b:s1+s26], $0x80, s12, s26, $0xb8;
	[tilespmem:$0x1E5F0] =	vst v63  }
0x12c: {  	_ =	swait.ge [sflag:s30], $0x4000  }
0x12d: {  	[sflag:s30] =	ssyncset.done $0x0  }
0x12e: {  	[sflag:s30] =	ssyncadd.s32 $0xFFFFC000  }
0x12f: {  	[spmem:s3] =	stream.indirect.scatter.add.f32 [tilespmem:s28], [sflag:$0x4], $0x80, s2, s26, $0xb8;
	[tilespmem:$0x1E5F0] =	vst v63  }
0x130: {  	_ =	swait.ge [sflag:s31], $0x4000  }
0x131: {  	[sflag:s31] =	ssyncset.done $0x0  }
0x132: {  	[sflag:s31] =	ssyncadd.s32 $0xFFFFC000  }
0x133: {  	[spmem:s4] =	stream.indirect.scatter.add.f32 [tilespmem:s0], [sflag:$0x4], $0x1, s2, s26, $0xb8;
	[tilespmem:$0x1E5F0] =	vst v63  }
0x134: {  	_ =	swait.ge [sflag:s31], $0x80  }
0x135: {  	[sflag:s31] =	ssyncset.done $0x0  }
0x136: {  	[sflag:s31] =	ssyncadd.s32 $0xFFFFFF80  }
0x137: {  	[spmem:s5] =	stream.indirect.scatter.add.f32 [tilespmem:s0], [sflag:$0x4], $0x1, s11, s26, $0xb8;
	[tilespmem:$0x1E5F0] =	vst v63  }
0x138: {  	p3 =	sge.u32 s7, s17;
	_ =	swait.ge [sflag:s31], $0x80  }
0x139: {  	s7 =	sadd.s32 @!p3 $0x100, s11;
	[sflag:s31] =	ssyncset.done $0x0  }
0x13a: {  	s15 =	simm.s32 @!p3 $0x16570;
	s11 =	simm.s32 @!p3 $0x80;
	[sflag:s31] =	ssyncadd.s32 $0xFFFFFF80  }
0x13b: {  	[tilespmem:s15], [sflag:$0x1] =	stream.indirect.gather @!p3 [hbm4b:s1+s11], $0x80, s7, s11, $0xb8;
	[tilespmem:$0x1E5F0] =	vst v63  }
0x13c: {  	_ =	swait.ge [sflag:s20], $0x4000  }
0x13d: {  	[sflag:s20] =	ssyncset.done $0x0  }
0x13e: {  	s23 =	sadd.s32 $0x80, s2;
	[sflag:s20] =	ssyncadd.s32 $0xFFFFC000  }
0x13f: {  	[spmem:s3] =	stream.indirect.scatter.add.f32 [tilespmem:s29], [sflag:$0x4], $0x80, s23, s26, $0xb8;
	[tilespmem:$0x1E5F0] =	vst v63  }
0x140: {  	_ =	swait.ge [sflag:s31], $0x4000  }
0x141: {  	[sflag:s31] =	ssyncset.done $0x0  }
0x142: {  	[sflag:s31] =	ssyncadd.s32 $0xFFFFC000  }
0x143: {  	[spmem:s4] =	stream.indirect.scatter.add.f32 [tilespmem:s0], [sflag:$0x4], $0x1, s23, s26, $0xb8;
	[tilespmem:$0x1E5F0] =	vst v63  }
0x144: {  	_ =	swait.ge [sflag:s31], $0x80  }
0x145: {  	[sflag:s31] =	ssyncset.done $0x0  }
.Ltmp4:
0x146: {  	[sflag:s31] =	ssyncadd.s32 $0xFFFFFF80;
	(pc) =	sbr.rel @p4 .LBB2_7-.Ltmp4, $4  }
0x147: {  	[spmem:s5] =	stream.indirect.scatter.add.f32 [tilespmem:s0], [sflag:$0x3], $0x1, s12, s26, $0xb8;
	[tilespmem:$0x1E5F0] =	vst v63  }
0x148: {  	_ =	swait.ge [sflag:s24], $0x80  }
0x149: {  	[sflag:s24] =	ssyncset.done $0x0  }
0x14a: {  	[sflag:s24] =	ssyncadd.s32 $0xFFFFFF80  }
0x14b: {  	_ =	swait.ge [sflag:s30], $0x4000  }
0x14c: {  	[sflag:s30] =	ssyncset.done $0x0  }
0x14d: {  	[sflag:s30] =	ssyncadd.s32 $0xFFFFC000  }
0x14e: {  	[spmem:s3] =	stream.indirect.scatter.add.f32 [tilespmem:s28], [sflag:$0x4], $0x80, s25, s26, $0xb8;
	[tilespmem:$0x1E5F0] =	vst v63  }
0x14f: {  	_ =	swait.ge [sflag:s31], $0x4000  }
0x150: {  	[sflag:s31] =	ssyncset.done $0x0  }
0x151: {  	[sflag:s31] =	ssyncadd.s32 $0xFFFFC000  }
0x152: {  	[spmem:s4] =	stream.indirect.scatter.add.f32 [tilespmem:s0], [sflag:$0x4], $0x1, s25, s26, $0xb8;
	[tilespmem:$0x1E5F0] =	vst v63  }
0x153: {  	_ =	swait.ge [sflag:s31], $0x80  }
0x154: {  	[sflag:s31] =	ssyncset.done $0x0  }
0x155: {  	s2 =	simm.s32 $0x15070;
	[sflag:s31] =	ssyncadd.s32 $0xFFFFFF80  }
0x156: {  	[spmem:s5] =	stream.indirect.scatter.add.f32 [tilespmem:s0], [sflag:$0x4], $0x1, s2, s26, $0xb8;
	[tilespmem:$0x1E5F0] =	vst v63  }
.Ltmp5:
0x157: {  	_ =	swait.ge [sflag:s31], $0x80;
	(pc) =	sbr.rel .LBB2_8-.Ltmp5, $3  }
0x158: {  	[sflag:s31] =	ssyncset.done $0x0  }
0x159: {  	[sflag:s31] =	ssyncadd.s32 $0xFFFFFF80  }
0x15a: {  	[bflag:$0x0] =	sbarrier.arrive $0xFFFF;
	_ =	sdelay $0x1  }
.LBB2_7:
0x15b: {  	[bflag:$0x0] =	sbarrier.arrive $0xFFFF  }
0x15c: {  	s2 =	sld [smem:$0x7FD];
	_ =	sdelay $0x2  }
0x15d: {  	p3 =	seq.s32 s2, $0x1  }
.Ltmp6:
0x15e: {  	_ = 	snop;
	(pc) =	sbr.rel @p3 .LBB2_9-.Ltmp6, $1  }
0x15f: {  	_ =	sdelay $0x3  }
.LBB2_8:
0x160: {  	s2 =	sshll.u32 @p0 s6, $0x6  }
0x161: {  	s7 =	sshrl.u32 @p0 s13, $0x3;
	s11 =	rddreg [dreg:$0xc];
	s2 =	sor.u32 @p0 $0x1C03, s2  }
0x162: {  	[hbm:s11], [sflag:s2] =	dma.local @p0 [spmem:s7], $0x2700  }
0x163: {  	s2 =	simm.s32 @p0 $0x3  }
0x164: {  	_ =	swait.ge @p0 [sflag:s2], $0x2700  }
0x165: {  	s7 =	sshll.u32 @!p0 s6, $0x6;
	[sflag:s2] =	ssyncset.done @p0 $0x0;
	s11 =	rddreg [dreg:$0xb]  }
0x166: {  	[sflag:s2] =	ssyncadd.s32 @p0 $0xFFFFD900;
	s2 =	sor.u32 @!p0 $0x1C03, s7;
	s7 =	sshrl.u32 @!p0 s13, $0x3  }
0x167: {  	[hbm:s11], [sflag:s2] =	dma.local @!p0 [spmem:s7], $0x2700  }
.Ltmp7:
0x168: {  	_ = 	snop;
	(pc) =	sbr.rel .LBB2_10-.Ltmp7, $4  }
0x169: {  	s2 =	simm.s32 @!p0 $0x3  }
0x16a: {  	_ =	swait.ge @!p0 [sflag:s2], $0x2700  }
0x16b: {  	[sflag:s2] =	ssyncset.done @!p0 $0x0  }
0x16c: {  	[sflag:s2] =	ssyncadd.s32 @!p0 $0xFFFFD900  }
.LBB2_11:
0x16d: {  	_ =	sfence.sel $0x180000  }
0x16e: {  	[bflag:$0x0] =	sbarrier.arrive $0xFFFF  }
0x16f: {  	_ =	strace $0x90000047  }
0x170: {  	[bflag:$0x2] =	sbarrier.arrive $0xFFFF  }
0x171: {  	p0 =	sne.s32 s6, $0x0;
	s0 =	rddreg [dreg:$0x6]  }
0x172: {  	s0 =	sadd.s32 @!p0 $0x100000, s0  }
0x173: {  	[sflag:s0] =	ssyncadd.tile.s32 @!p0 $0x1;
	_ =	shalt  }
.Lfunc_end2:
_tile_overlayer_lowered:
.L_overlay_start_2:
0x174: {  	(tag) =	ssettag $0x2  }
0x175: {  	s0 =	rddreg [dreg:$0x0];
	s2 =	stileid.u32  }
0x176: {  	s1 =	rddreg [dreg:$0x1];
	p0 =	sne.s32 s2, $0x0  }
0x177: {  	s3 =	rddreg [dreg:$0x2];
	[bflag:$0x3] =	sbarrier.arrive $0xFFFF;
	s2 =	simm.s32 @!p0 $0x1C03  }
0x178: {  	[timem:s3], [sflag:s2] =	dma.local @!p0 [hbm:s0], s1  }
0x179: {  	s0 =	simm.s32 @!p0 $0x3  }
0x17a: {  	_ =	swait.ge @!p0 [sflag:s0], s1  }
0x17b: {  	s1 =	ssub.s32 @!p0 $0x0, s1;
	[sflag:s0] =	ssyncset.done @!p0 $0x0  }
0x17c: {  	[sflag:s0] =	ssyncadd.s32 @!p0 s1  }
0x17d: {  	[bflag:$0x3] =	sbarrier.arrive $0xFFFF  }
0x17e: {  	_ =	shalt  }

</sc_bundles>
